<compile_context>
chip_gen: v7x
topology: tpu7x:2x2x1
jax: 0.10.2.dev20260603
libtpu: 0.0.44.dev20260713+nightly
codegen_flags: <defaults>
</compile_context>

<pallas_src>
import jax
import jax.numpy as jnp
from jax import lax
from jax.experimental import pallas as pl
from jax.experimental.pallas import tpu as pltpu
from jax.experimental.pallas import tpu_sc as plsc

N = 10000
E = 320000
D = 128

NC = 2
NS = 16
NW = NC * NS
L = 16

EPW = E // NW
C = 80
CH = EPW // C
ROWS_A = 624
ROWS_B = N - (NS - 1) * ROWS_A
ZR = 128
NDP = 10240
ZD = 2048

RB = 2000
GRID = N // RB



DH = D // 2


def _k1_body(x_ref, w_ref, ap_ref, zlo_ref, zhi_ref, s_ref):
    z = jnp.dot(x_ref[...], w_ref[...], preferred_element_type=jnp.float32)
    zlo_ref[...] = z[:, :DH]
    zhi_ref[...] = z[:, DH:]
    s_ref[...] = jnp.dot(z, ap_ref[...], preferred_element_type=jnp.float32)


def _k1(x, w, apad):
    return pl.pallas_call(
        _k1_body,
        grid=(GRID,),
        in_specs=[
            pl.BlockSpec((RB, D), lambda i: (i, 0)),
            pl.BlockSpec((D, D), lambda i: (0, 0)),
            pl.BlockSpec((D, D), lambda i: (0, 0)),
        ],
        out_specs=[
            pl.BlockSpec((RB, DH), lambda i: (i, 0)),
            pl.BlockSpec((RB, DH), lambda i: (i, 0)),
            pl.BlockSpec((RB, D), lambda i: (i, 0)),
        ],
        out_shape=[
            jax.ShapeDtypeStruct((N, DH), jnp.float32),
            jax.ShapeDtypeStruct((N, DH), jnp.float32),
            jax.ShapeDtypeStruct((N, D), jnp.float32),
        ],
    )(x, w, apad)



def _zero_h(s, base_rows, zb_v, h_s):
    @pl.when(s < NS - 1)
    def _zero_h_a():
        for q in range(ROWS_A // 104):
            pltpu.sync_copy(zb_v.at[pl.ds(0, 104)],
                            h_s.at[pl.ds(base_rows + q * 104, 104)])

    @pl.when(s == NS - 1)
    def _zero_h_b():
        for q in range(ROWS_B // ZR):
            pltpu.sync_copy(zb_v, h_s.at[pl.ds(base_rows + q * ZR, ZR)])


def _accum_h(z_hbm, src_v, dst_v, p_v, rows2_v, gsem, ssem, h_s):
    pltpu.async_copy(z_hbm.at[src_v.at[0]], rows2_v.at[0], gsem)

    def _row_chunk(j, carry):
        b = lax.rem(j, 2)
        rv = rows2_v.at[b]
        pltpu.make_async_copy(z_hbm.at[src_v.at[j]], rv, gsem).wait()

        @pl.when(j >= 1)
        def _drain_prev_scatter():
            pltpu.make_async_copy(rows2_v.at[1 - b],
                                  h_s.at[dst_v.at[j - 1]], ssem).wait()

        @pl.when(j + 1 < CH)
        def _prefetch_next():
            pltpu.async_copy(z_hbm.at[src_v.at[j + 1]], rows2_v.at[1 - b],
                             gsem)

        jj = jnp.full((L,), 0, jnp.int32) + j

        @plsc.parallel_loop(0, C, step=1, unroll=8)
        def _scale_row(r):
            rr = jnp.full((L,), 0, jnp.int32) + r
            pb = plsc.load_gather(p_v, [jj, rr])
            for k in range(DH // L):
                sl = pl.ds(k * L, L)
                rv[r, sl] = rv[r, sl] * pb

        pltpu.async_copy(rv, h_s.at[dst_v.at[j]], ssem, add=True)
        return carry
    lax.fori_loop(0, CH, _row_chunk, 0)

    pltpu.make_async_copy(rows2_v.at[(CH - 1) % 2],
                          h_s.at[dst_v.at[CH - 1]], ssem).wait()


def _export_h(s, base_rows, hbase, h_s, hp_hbm):
    @pl.when(s < NS - 1)
    def _export_h_a():
        pltpu.sync_copy(h_s.at[pl.ds(base_rows, ROWS_A)],
                        hp_hbm.at[pl.ds(hbase, ROWS_A)])

    @pl.when(s == NS - 1)
    def _export_h_b():
        pltpu.sync_copy(h_s.at[pl.ds(base_rows, ROWS_B)],
                        hp_hbm.at[pl.ds(hbase, ROWS_B)])


def _k2_body(zlo_hbm, zhi_hbm, s1_hbm, s2_hbm, src_hbm, dst_hbm,
             dpart_hbm, hplo_hbm, hphi_hbm,
             s1_v, s2_v, src_v, dst_v, p_v, rows2_v, zb_v, zd_v,
             gsem, ssem, dsem,
             den_s, h_s):
    c = lax.axis_index("c")
    s = lax.axis_index("s")
    wid = c * NS + s

    def _zb_row(i, carry):
        for k in range(DH // L):
            zb_v[i, pl.ds(k * L, L)] = jnp.zeros((L,), jnp.float32)
        return carry
    lax.fori_loop(0, ZR, _zb_row, 0)

    def _zd_chunk(i, carry):
        zd_v[pl.ds(i * L, L)] = jnp.zeros((L,), jnp.float32)
        return carry
    lax.fori_loop(0, ZD // L, _zd_chunk, 0)

    base_rows = pl.multiple_of(s * ROWS_A, 8)
    _zero_h(s, base_rows, zb_v, h_s)

    @pl.when(s == 0)
    def _zero_den():
        def _zd_copy(i, carry):
            pltpu.sync_copy(zd_v, den_s.at[pl.ds(i * ZD, ZD)])
            return carry
        lax.fori_loop(0, NDP // ZD, _zd_copy, 0)

    pltpu.sync_copy(s1_hbm, s1_v)
    pltpu.sync_copy(s2_hbm, s2_v)
    pltpu.sync_copy(src_hbm.at[wid], src_v)
    pltpu.sync_copy(dst_hbm.at[wid], dst_v)

    @plsc.parallel_loop(0, CH, step=1, unroll=2)
    def _score_chunk(j):
        for k in range(C // L):
            sl = pl.ds(k * L, L)
            sv = src_v[j, sl]
            dv = dst_v[j, sl]
            e = plsc.load_gather(s1_v, [sv]) + plsc.load_gather(s2_v, [dv])
            e = jnp.where(e >= 0.0, e, 0.2 * e)
            p_v[j, sl] = jnp.exp(e)

    plsc.subcore_barrier()

    def _den_chunk(j, carry):
        @pl.when(j >= 2)
        def _drain():
            pltpu.make_async_copy(p_v.at[j - 2], den_s.at[dst_v.at[j - 2]],
                                  dsem).wait()
        pltpu.async_copy(p_v.at[j], den_s.at[dst_v.at[j]], dsem, add=True)
        return carry
    lax.fori_loop(0, CH, _den_chunk, 0)
    for j in (CH - 2, CH - 1):
        pltpu.make_async_copy(p_v.at[j], den_s.at[dst_v.at[j]], dsem).wait()

    _accum_h(zlo_hbm, src_v, dst_v, p_v, rows2_v, gsem, ssem, h_s)

    plsc.subcore_barrier()
    hbase = pl.multiple_of(c * N + base_rows, 8)
    _export_h(s, base_rows, hbase, h_s, hplo_hbm)

    @pl.when(s == 0)
    def _export_den():
        pltpu.sync_copy(den_s,
                        dpart_hbm.at[pl.ds(pl.multiple_of(c * NDP, 8), NDP)])

    _zero_h(s, base_rows, zb_v, h_s)
    plsc.subcore_barrier()

    _accum_h(zhi_hbm, src_v, dst_v, p_v, rows2_v, gsem, ssem, h_s)

    plsc.subcore_barrier()
    _export_h(s, base_rows, hbase, h_s, hphi_hbm)


def _k2(zlo, zhi, s1, s2, src3, dst3):
    mesh = plsc.VectorSubcoreMesh(core_axis_name="c", subcore_axis_name="s")
    f = pl.kernel(
        _k2_body,
        out_type=[
            jax.ShapeDtypeStruct((NC * NDP,), jnp.float32),
            jax.ShapeDtypeStruct((NC * N, DH), jnp.float32),
            jax.ShapeDtypeStruct((NC * N, DH), jnp.float32),
        ],
        mesh=mesh,
        compiler_params=pltpu.CompilerParams(
            needs_layout_passes=False, use_tc_tiling_on_sc=False),
        scratch_types=[
            pltpu.VMEM((N,), jnp.float32),
            pltpu.VMEM((N,), jnp.float32),
            pltpu.VMEM((CH, C), jnp.int32),
            pltpu.VMEM((CH, C), jnp.int32),
            pltpu.VMEM((CH, C), jnp.float32),
            pltpu.VMEM((2, C, DH), jnp.float32),
            pltpu.VMEM((ZR, DH), jnp.float32),
            pltpu.VMEM((ZD,), jnp.float32),
            pltpu.SemaphoreType.DMA,
            pltpu.SemaphoreType.DMA,
            pltpu.SemaphoreType.DMA,
            pltpu.VMEM_SHARED((NDP,), jnp.float32),
            pltpu.VMEM_SHARED((N, DH), jnp.float32),
        ],
    )
    return f(zlo, zhi, s1, s2, src3, dst3)



def _k3_body(hlo0_ref, hlo1_ref, hhi0_ref, hhi1_ref, d0_ref, d1_ref, out_ref):
    d = d0_ref[...] + d1_ref[...]
    inv = 1.0 / jnp.where(d > 0.0, d, 1.0)
    out_ref[:, :DH] = (hlo0_ref[...] + hlo1_ref[...]) * inv
    out_ref[:, DH:] = (hhi0_ref[...] + hhi1_ref[...]) * inv


def _k3(hplo, hphi, dpart):
    d0 = dpart[:N].reshape(N, 1)
    d1 = dpart[NDP:NDP + N].reshape(N, 1)
    half = pl.BlockSpec((RB, DH), lambda i: (i, 0))
    half_hi = pl.BlockSpec((RB, DH), lambda i: (i + GRID, 0))
    return pl.pallas_call(
        _k3_body,
        grid=(GRID,),
        in_specs=[
            half, half_hi, half, half_hi,
            pl.BlockSpec((RB, 1), lambda i: (i, 0)),
            pl.BlockSpec((RB, 1), lambda i: (i, 0)),
        ],
        out_specs=pl.BlockSpec((RB, D), lambda i: (i, 0)),
        out_shape=jax.ShapeDtypeStruct((N, D), jnp.float32),
    )(hplo, hplo, hphi, hphi, d0, d1)



def kernel(features, edge_index, W, a):
    a1 = a[:D, 0]
    a2 = a[D:, 0]
    apad = jnp.zeros((D, D), jnp.float32).at[:, 0].set(a1).at[:, 1].set(a2)
    zlo, zhi, sfull = _k1(features, W, apad)
    s1 = sfull[:, 0]
    s2 = sfull[:, 1]
    src3 = edge_index[0].reshape(NW, CH, C)
    dst3 = edge_index[1].reshape(NW, CH, C)
    dpart, hplo, hphi = _k2(zlo, zhi, s1, s2, src3, dst3)
    return _k3(hplo, hphi, dpart)

# --- scband reference (transcript-rebuilt; emitter-appended) ---
"""Pipeline reference for scband-gatlayer-24558622998848 (READ-ONLY COPY).

The authoritative reference and input builder live on the scoring server;
editing this copy changes nothing except your own understanding.
"""

import jax, jax.numpy as jnp
import numpy as np

N = 10000
E = 320000
D = 128


def setup_inputs(seed: int = 0) -> dict:
    key = jax.random.key(seed)
    k1, k2, k3, k4 = jax.random.split(key, 4)
    features = jax.random.normal(k1, (N, D), dtype=jnp.float32)
    edge_index = jax.random.randint(k2, (2, E), 0, N, dtype=jnp.int32)
    # learned params: fc weight [D, out_feats], attention weight [2*out_feats, 1]
    W = jax.random.normal(k3, (D, D), dtype=jnp.float32) * 0.05
    a = jax.random.normal(k4, (2 * D, 1), dtype=jnp.float32) * 0.05
    return {"features": features, "edge_index": edge_index, "W": W, "a": a}


def reference(features, edge_index, W, a):
    # z = fc(features)  (no bias)
    z = features @ W  # [N, D]
    src = edge_index[0]
    dst = edge_index[1]
    z_src = z[src]  # gather [E, D]
    z_dst = z[dst]  # gather [E, D]
    # edge_attention: leaky_relu(attention_fc(concat(z_src, z_dst)))
    e = jnp.concatenate([z_src, z_dst], axis=1) @ a  # [E, 1]
    e = jax.nn.leaky_relu(e, negative_slope=0.2)[:, 0]  # [E]
    # reduce: softmax over incoming edges per dst node (segment softmax)
    e_max = jax.ops.segment_max(e, dst, num_segments=N)  # [N]
    e_exp = jnp.exp(e - e_max[dst])  # [E]
    denom = jax.ops.segment_sum(e_exp, dst, num_segments=N)  # [N]
    alpha = e_exp / denom[dst]  # [E]
    # h = sum_j alpha_ij * z_j  (scatter-add over dst)
    h = jax.ops.segment_sum(alpha[:, None] * z_src, dst, num_segments=N)  # [N, D]
    # original call() returns h without applying self.activation
    return h

if __name__ == "__main__":
    import jax
    _d = setup_inputs()
    print(jax.jit(kernel)(*tuple(_d.values())))

</pallas_src>

<mosaic_0001>
#map = affine_map<(d0, d1) -> (0, 0)>
#map1 = affine_map<(d0, d1) -> (0)>
#map2 = affine_map<(d0, d1) -> (0, 0, 0)>
module attributes {stable_mosaic.version = 14 : i64} {
  func.func @_k2_body(%arg0: i32, %arg1: i32, %arg2: memref<10000x64xf32, #tpu.memory_space<hbm>>, %arg3: memref<10000x64xf32, #tpu.memory_space<hbm>>, %arg4: memref<10000xf32, #tpu.memory_space<hbm>>, %arg5: memref<10000xf32, #tpu.memory_space<hbm>>, %arg6: memref<32x125x80xi32, #tpu.memory_space<hbm>>, %arg7: memref<32x125x80xi32, #tpu.memory_space<hbm>>, %arg8: memref<20480xf32, #tpu.memory_space<hbm>>, %arg9: memref<20000x64xf32, #tpu.memory_space<hbm>>, %arg10: memref<20000x64xf32, #tpu.memory_space<hbm>>, %arg11: memref<10000xf32, #tpu.memory_space<vmem>>, %arg12: memref<10000xf32, #tpu.memory_space<vmem>>, %arg13: memref<125x80xi32, #tpu.memory_space<vmem>>, %arg14: memref<125x80xi32, #tpu.memory_space<vmem>>, %arg15: memref<125x80xf32, #tpu.memory_space<vmem>>, %arg16: memref<2x80x64xf32, #tpu.memory_space<vmem>>, %arg17: memref<128x64xf32, #tpu.memory_space<vmem>>, %arg18: memref<2048xf32, #tpu.memory_space<vmem>>, %arg19: memref<!tpu.dma_semaphore, #tpu.memory_space<semaphore_mem>>, %arg20: memref<!tpu.dma_semaphore, #tpu.memory_space<semaphore_mem>>, %arg21: memref<!tpu.dma_semaphore, #tpu.memory_space<semaphore_mem>>, %arg22: memref<10240xf32, #tpu.memory_space<vmem_shared>>, %arg23: memref<10000x64xf32, #tpu.memory_space<vmem_shared>>) attributes {dimension_semantics = [#tpu.dimension_semantics<core_parallel>, #tpu.dimension_semantics<subcore_parallel>], iteration_bounds = array<i64: 2, 16>, scalar_prefetch = 0 : i64, scratch_operands = 13 : i64, tpu.core_type = #tpu.core_type<sc_vector_subcore>, window_params = [{transform_indices = #map}, {transform_indices = #map}, {transform_indices = #map1}, {transform_indices = #map1}, {transform_indices = #map2}, {transform_indices = #map2}, {transform_indices = #map1}, {transform_indices = #map}, {transform_indices = #map}]} {
    %mul3A = arith.constant 16 : i32
    %mul3A_0 = arith.muli %arg0, %mul3A : i32
    %add3A = arith.addi %mul3A_0, %arg1 : i32
    %scan3A = arith.constant 0 : i32
    %scan3A_1 = arith.constant 0 : i32
    %scan3A_2 = arith.constant 128 : i32
    %scan3A_3 = arith.addi %scan3A_1, %scan3A_2 : i32
    %scan3A_4 = arith.constant 1 : i32
    scf.for %scan3A_153 = %scan3A_1 to %scan3A_3 step %scan3A_4  : i32 {
      %broadcast_in_dim3A = arith.constant 0.000000e+00 : f32
      %broadcast_in_dim3A_154 = vector.broadcast %broadcast_in_dim3A : f32 to vector<16xf32>
      %swap3A = arith.index_cast %scan3A_153 : i32 to index
      %swap3A_155 = arith.constant 0 : index
      %swap3A_156 = tpu.vector_load %arg17[%swap3A, %swap3A_155] {strides = array<i32>} : memref<128x64xf32, #tpu.memory_space<vmem>>, vector<16xf32>,
      tpu.vector_store %arg17[%swap3A, %swap3A_155], %broadcast_in_dim3A_154 {strides = array<i32>} : memref<128x64xf32, #tpu.memory_space<vmem>>, vector<16xf32>,
      %broadcast_in_dim3A_157 = arith.constant 0.000000e+00 : f32
      %broadcast_in_dim3A_158 = vector.broadcast %broadcast_in_dim3A_157 : f32 to vector<16xf32>
      %swap3A_159 = arith.index_cast %scan3A_153 : i32 to index
      %swap3A_160 = arith.constant 16 : index
      %swap3A_161 = tpu.vector_load %arg17[%swap3A_159, %swap3A_160] {strides = array<i32>} : memref<128x64xf32, #tpu.memory_space<vmem>>, vector<16xf32>,
      tpu.vector_store %arg17[%swap3A_159, %swap3A_160], %broadcast_in_dim3A_158 {strides = array<i32>} : memref<128x64xf32, #tpu.memory_space<vmem>>, vector<16xf32>,
      %broadcast_in_dim3A_162 = arith.constant 0.000000e+00 : f32
      %broadcast_in_dim3A_163 = vector.broadcast %broadcast_in_dim3A_162 : f32 to vector<16xf32>
      %swap3A_164 = arith.index_cast %scan3A_153 : i32 to index
      %swap3A_165 = arith.constant 32 : index
      %swap3A_166 = tpu.vector_load %arg17[%swap3A_164, %swap3A_165] {strides = array<i32>} : memref<128x64xf32, #tpu.memory_space<vmem>>, vector<16xf32>,
      tpu.vector_store %arg17[%swap3A_164, %swap3A_165], %broadcast_in_dim3A_163 {strides = array<i32>} : memref<128x64xf32, #tpu.memory_space<vmem>>, vector<16xf32>,
      %broadcast_in_dim3A_167 = arith.constant 0.000000e+00 : f32
      %broadcast_in_dim3A_168 = vector.broadcast %broadcast_in_dim3A_167 : f32 to vector<16xf32>
      %swap3A_169 = arith.index_cast %scan3A_153 : i32 to index
      %swap3A_170 = arith.constant 48 : index
      %swap3A_171 = tpu.vector_load %arg17[%swap3A_169, %swap3A_170] {strides = array<i32>} : memref<128x64xf32, #tpu.memory_space<vmem>>, vector<16xf32>,
      tpu.vector_store %arg17[%swap3A_169, %swap3A_170], %broadcast_in_dim3A_168 {strides = array<i32>} : memref<128x64xf32, #tpu.memory_space<vmem>>, vector<16xf32>,
    }
    %scan3A_5 = arith.constant 128 : i32
    %scan3A_6 = arith.constant 0 : i32
    %scan3A_7 = arith.constant 0 : i32
    %scan3A_8 = arith.constant 128 : i32
    %scan3A_9 = arith.addi %scan3A_7, %scan3A_8 : i32
    %scan3A_10 = arith.constant 1 : i32
    scf.for %scan3A_153 = %scan3A_7 to %scan3A_9 step %scan3A_10  : i32 {
      %broadcast_in_dim3A = arith.constant 0.000000e+00 : f32
      %broadcast_in_dim3A_154 = vector.broadcast %broadcast_in_dim3A : f32 to vector<16xf32>
      %mul3A_155 = arith.constant 16 : i32
      %mul3A_156 = arith.muli %scan3A_153, %mul3A_155 : i32
      %swap3A = arith.index_cast %mul3A_156 : i32 to index
      %swap3A_157 = tpu.vector_load %arg18[%swap3A] {strides = array<i32>} : memref<2048xf32, #tpu.memory_space<vmem>>, vector<16xf32>,
      tpu.vector_store %arg18[%swap3A], %broadcast_in_dim3A_154 {strides = array<i32>} : memref<2048xf32, #tpu.memory_space<vmem>>, vector<16xf32>,
    }
    %scan3A_11 = arith.constant 128 : i32
    %mul3A_12 = arith.constant 624 : i32
    %mul3A_13 = arith.muli %arg1, %mul3A_12 : i32
    %multiple_of3A = tpu.assume_multiple %mul3A_13, 8 : i32
    %lt3A = arith.constant 15 : i32
    %lt3A_14 = arith.cmpi slt, %arg1, %lt3A : i32
    %convert_element_type3A = arith.extui %lt3A_14 : i1 to i32
    %cond3A = arith.constant 0 : i32
    %cond3A_15 = arith.cmpi ne, %convert_element_type3A, %cond3A : i32
    scf.if %cond3A_15 {
      %add3A_153 = arith.constant 0 : i32
      %add3A_154 = arith.addi %multiple_of3A, %add3A_153 : i32
      "tpu.region"() ({
        %run_scoped3A = tpu.sem_alloc : memref<!tpu.dma_semaphore, #tpu.memory_space<semaphore_mem>>
        %dma_start3A_165 = arith.constant 0 : i32
        %dma_start3A_166 = arith.constant 0 : i32
        %dma_start3A_167 = tpu.memref_slice %arg17[%dma_start3A_165, %dma_start3A_166] : memref<128x64xf32, #tpu.memory_space<vmem>> -> memref<104x64xf32, #tpu.memory_space<vmem>>
        %dma_start3A_168 = arith.constant 0 : i32
        %dma_start3A_169 = tpu.memref_slice %arg23[%add3A_154, %dma_start3A_168] : memref<10000x64xf32, #tpu.memory_space<vmem_shared>> -> memref<104x64xf32, #tpu.memory_space<vmem_shared>>
        %dma_start3A_170 = arith.constant 0 : i32
        %dma_start3A_171 = tpu.memref_slice %arg23[%add3A_154, %dma_start3A_170] : memref<10000x64xf32, #tpu.memory_space<vmem_shared>> -> memref<104x64xf32, #tpu.memory_space<vmem_shared>>
        %dma_start3A_172 = arith.constant 0 : i32
        %dma_start3A_173 = arith.constant 0 : i32
        %dma_start3A_174 = tpu.memref_slice %arg17[%dma_start3A_172, %dma_start3A_173] : memref<128x64xf32, #tpu.memory_space<vmem>> -> memref<104x64xf32, #tpu.memory_space<vmem>>
        tpu.enqueue_dma source(%dma_start3A_174 : memref<104x64xf32, #tpu.memory_space<vmem>>) target(%dma_start3A_171 : memref<104x64xf32, #tpu.memory_space<vmem_shared>>) target_semaphore(%run_scoped3A : memref<!tpu.dma_semaphore, #tpu.memory_space<semaphore_mem>>)
        %dma_wait3A_175 = arith.constant 0 : i32
        %dma_wait3A_176 = arith.constant 0 : i32
        %dma_wait3A_177 = tpu.memref_slice %arg17[%dma_wait3A_175, %dma_wait3A_176] : memref<128x64xf32, #tpu.memory_space<vmem>> -> memref<104x64xf32, #tpu.memory_space<vmem>>
        %dma_wait3A_178 = arith.constant 0 : i32
        %dma_wait3A_179 = tpu.memref_slice %arg23[%add3A_154, %dma_wait3A_178] : memref<10000x64xf32, #tpu.memory_space<vmem_shared>> -> memref<104x64xf32, #tpu.memory_space<vmem_shared>>
        %dma_wait3A_180 = arith.constant 0 : i32
        %dma_wait3A_181 = tpu.memref_slice %arg23[%add3A_154, %dma_wait3A_180] : memref<10000x64xf32, #tpu.memory_space<vmem_shared>> -> memref<104x64xf32, #tpu.memory_space<vmem_shared>>
        %dma_wait3A_182 = arith.constant 0 : i32
        %dma_wait3A_183 = arith.constant 0 : i32
        %dma_wait3A_184 = tpu.memref_slice %arg17[%dma_wait3A_182, %dma_wait3A_183] : memref<128x64xf32, #tpu.memory_space<vmem>> -> memref<104x64xf32, #tpu.memory_space<vmem>>
        tpu.wait_dma2 semaphore(%run_scoped3A : memref<!tpu.dma_semaphore, #tpu.memory_space<semaphore_mem>>) src(%dma_wait3A_184 : memref<104x64xf32, #tpu.memory_space<vmem>>) dst(%dma_wait3A_181 : memref<104x64xf32, #tpu.memory_space<vmem_shared>>)
        tpu.yield
      }) : () -> ()
      %add3A_155 = arith.constant 104 : i32
      %add3A_156 = arith.addi %multiple_of3A, %add3A_155 : i32
      "tpu.region"() ({
        %run_scoped3A = tpu.sem_alloc : memref<!tpu.dma_semaphore, #tpu.memory_space<semaphore_mem>>
        %dma_start3A_165 = arith.constant 0 : i32
        %dma_start3A_166 = arith.constant 0 : i32
        %dma_start3A_167 = tpu.memref_slice %arg17[%dma_start3A_165, %dma_start3A_166] : memref<128x64xf32, #tpu.memory_space<vmem>> -> memref<104x64xf32, #tpu.memory_space<vmem>>
        %dma_start3A_168 = arith.constant 0 : i32
        %dma_start3A_169 = tpu.memref_slice %arg23[%add3A_156, %dma_start3A_168] : memref<10000x64xf32, #tpu.memory_space<vmem_shared>> -> memref<104x64xf32, #tpu.memory_space<vmem_shared>>
        %dma_start3A_170 = arith.constant 0 : i32
        %dma_start3A_171 = tpu.memref_slice %arg23[%add3A_156, %dma_start3A_170] : memref<10000x64xf32, #tpu.memory_space<vmem_shared>> -> memref<104x64xf32, #tpu.memory_space<vmem_shared>>
        %dma_start3A_172 = arith.constant 0 : i32
        %dma_start3A_173 = arith.constant 0 : i32
        %dma_start3A_174 = tpu.memref_slice %arg17[%dma_start3A_172, %dma_start3A_173] : memref<128x64xf32, #tpu.memory_space<vmem>> -> memref<104x64xf32, #tpu.memory_space<vmem>>
        tpu.enqueue_dma source(%dma_start3A_174 : memref<104x64xf32, #tpu.memory_space<vmem>>) target(%dma_start3A_171 : memref<104x64xf32, #tpu.memory_space<vmem_shared>>) target_semaphore(%run_scoped3A : memref<!tpu.dma_semaphore, #tpu.memory_space<semaphore_mem>>)
        %dma_wait3A_175 = arith.constant 0 : i32
        %dma_wait3A_176 = arith.constant 0 : i32
        %dma_wait3A_177 = tpu.memref_slice %arg17[%dma_wait3A_175, %dma_wait3A_176] : memref<128x64xf32, #tpu.memory_space<vmem>> -> memref<104x64xf32, #tpu.memory_space<vmem>>
        %dma_wait3A_178 = arith.constant 0 : i32
        %dma_wait3A_179 = tpu.memref_slice %arg23[%add3A_156, %dma_wait3A_178] : memref<10000x64xf32, #tpu.memory_space<vmem_shared>> -> memref<104x64xf32, #tpu.memory_space<vmem_shared>>
        %dma_wait3A_180 = arith.constant 0 : i32
        %dma_wait3A_181 = tpu.memref_slice %arg23[%add3A_156, %dma_wait3A_180] : memref<10000x64xf32, #tpu.memory_space<vmem_shared>> -> memref<104x64xf32, #tpu.memory_space<vmem_shared>>
        %dma_wait3A_182 = arith.constant 0 : i32
        %dma_wait3A_183 = arith.constant 0 : i32
        %dma_wait3A_184 = tpu.memref_slice %arg17[%dma_wait3A_182, %dma_wait3A_183] : memref<128x64xf32, #tpu.memory_space<vmem>> -> memref<104x64xf32, #tpu.memory_space<vmem>>
        tpu.wait_dma2 semaphore(%run_scoped3A : memref<!tpu.dma_semaphore, #tpu.memory_space<semaphore_mem>>) src(%dma_wait3A_184 : memref<104x64xf32, #tpu.memory_space<vmem>>) dst(%dma_wait3A_181 : memref<104x64xf32, #tpu.memory_space<vmem_shared>>)
        tpu.yield
      }) : () -> ()
      %add3A_157 = arith.constant 208 : i32
      %add3A_158 = arith.addi %multiple_of3A, %add3A_157 : i32
      "tpu.region"() ({
        %run_scoped3A = tpu.sem_alloc : memref<!tpu.dma_semaphore, #tpu.memory_space<semaphore_mem>>
        %dma_start3A_165 = arith.constant 0 : i32
        %dma_start3A_166 = arith.constant 0 : i32
        %dma_start3A_167 = tpu.memref_slice %arg17[%dma_start3A_165, %dma_start3A_166] : memref<128x64xf32, #tpu.memory_space<vmem>> -> memref<104x64xf32, #tpu.memory_space<vmem>>
        %dma_start3A_168 = arith.constant 0 : i32
        %dma_start3A_169 = tpu.memref_slice %arg23[%add3A_158, %dma_start3A_168] : memref<10000x64xf32, #tpu.memory_space<vmem_shared>> -> memref<104x64xf32, #tpu.memory_space<vmem_shared>>
        %dma_start3A_170 = arith.constant 0 : i32
        %dma_start3A_171 = tpu.memref_slice %arg23[%add3A_158, %dma_start3A_170] : memref<10000x64xf32, #tpu.memory_space<vmem_shared>> -> memref<104x64xf32, #tpu.memory_space<vmem_shared>>
        %dma_start3A_172 = arith.constant 0 : i32
        %dma_start3A_173 = arith.constant 0 : i32
        %dma_start3A_174 = tpu.memref_slice %arg17[%dma_start3A_172, %dma_start3A_173] : memref<128x64xf32, #tpu.memory_space<vmem>> -> memref<104x64xf32, #tpu.memory_space<vmem>>
        tpu.enqueue_dma source(%dma_start3A_174 : memref<104x64xf32, #tpu.memory_space<vmem>>) target(%dma_start3A_171 : memref<104x64xf32, #tpu.memory_space<vmem_shared>>) target_semaphore(%run_scoped3A : memref<!tpu.dma_semaphore, #tpu.memory_space<semaphore_mem>>)
        %dma_wait3A_175 = arith.constant 0 : i32
        %dma_wait3A_176 = arith.constant 0 : i32
        %dma_wait3A_177 = tpu.memref_slice %arg17[%dma_wait3A_175, %dma_wait3A_176] : memref<128x64xf32, #tpu.memory_space<vmem>> -> memref<104x64xf32, #tpu.memory_space<vmem>>
        %dma_wait3A_178 = arith.constant 0 : i32
        %dma_wait3A_179 = tpu.memref_slice %arg23[%add3A_158, %dma_wait3A_178] : memref<10000x64xf32, #tpu.memory_space<vmem_shared>> -> memref<104x64xf32, #tpu.memory_space<vmem_shared>>
        %dma_wait3A_180 = arith.constant 0 : i32
        %dma_wait3A_181 = tpu.memref_slice %arg23[%add3A_158, %dma_wait3A_180] : memref<10000x64xf32, #tpu.memory_space<vmem_shared>> -> memref<104x64xf32, #tpu.memory_space<vmem_shared>>
        %dma_wait3A_182 = arith.constant 0 : i32
        %dma_wait3A_183 = arith.constant 0 : i32
        %dma_wait3A_184 = tpu.memref_slice %arg17[%dma_wait3A_182, %dma_wait3A_183] : memref<128x64xf32, #tpu.memory_space<vmem>> -> memref<104x64xf32, #tpu.memory_space<vmem>>
        tpu.wait_dma2 semaphore(%run_scoped3A : memref<!tpu.dma_semaphore, #tpu.memory_space<semaphore_mem>>) src(%dma_wait3A_184 : memref<104x64xf32, #tpu.memory_space<vmem>>) dst(%dma_wait3A_181 : memref<104x64xf32, #tpu.memory_space<vmem_shared>>)
        tpu.yield
      }) : () -> ()
      %add3A_159 = arith.constant 312 : i32
      %add3A_160 = arith.addi %multiple_of3A, %add3A_159 : i32
      "tpu.region"() ({
        %run_scoped3A = tpu.sem_alloc : memref<!tpu.dma_semaphore, #tpu.memory_space<semaphore_mem>>
        %dma_start3A_165 = arith.constant 0 : i32
        %dma_start3A_166 = arith.constant 0 : i32
        %dma_start3A_167 = tpu.memref_slice %arg17[%dma_start3A_165, %dma_start3A_166] : memref<128x64xf32, #tpu.memory_space<vmem>> -> memref<104x64xf32, #tpu.memory_space<vmem>>
        %dma_start3A_168 = arith.constant 0 : i32
        %dma_start3A_169 = tpu.memref_slice %arg23[%add3A_160, %dma_start3A_168] : memref<10000x64xf32, #tpu.memory_space<vmem_shared>> -> memref<104x64xf32, #tpu.memory_space<vmem_shared>>
        %dma_start3A_170 = arith.constant 0 : i32
        %dma_start3A_171 = tpu.memref_slice %arg23[%add3A_160, %dma_start3A_170] : memref<10000x64xf32, #tpu.memory_space<vmem_shared>> -> memref<104x64xf32, #tpu.memory_space<vmem_shared>>
        %dma_start3A_172 = arith.constant 0 : i32
        %dma_start3A_173 = arith.constant 0 : i32
        %dma_start3A_174 = tpu.memref_slice %arg17[%dma_start3A_172, %dma_start3A_173] : memref<128x64xf32, #tpu.memory_space<vmem>> -> memref<104x64xf32, #tpu.memory_space<vmem>>
        tpu.enqueue_dma source(%dma_start3A_174 : memref<104x64xf32, #tpu.memory_space<vmem>>) target(%dma_start3A_171 : memref<104x64xf32, #tpu.memory_space<vmem_shared>>) target_semaphore(%run_scoped3A : memref<!tpu.dma_semaphore, #tpu.memory_space<semaphore_mem>>)
        %dma_wait3A_175 = arith.constant 0 : i32
        %dma_wait3A_176 = arith.constant 0 : i32
        %dma_wait3A_177 = tpu.memref_slice %arg17[%dma_wait3A_175, %dma_wait3A_176] : memref<128x64xf32, #tpu.memory_space<vmem>> -> memref<104x64xf32, #tpu.memory_space<vmem>>
        %dma_wait3A_178 = arith.constant 0 : i32
        %dma_wait3A_179 = tpu.memref_slice %arg23[%add3A_160, %dma_wait3A_178] : memref<10000x64xf32, #tpu.memory_space<vmem_shared>> -> memref<104x64xf32, #tpu.memory_space<vmem_shared>>
        %dma_wait3A_180 = arith.constant 0 : i32
        %dma_wait3A_181 = tpu.memref_slice %arg23[%add3A_160, %dma_wait3A_180] : memref<10000x64xf32, #tpu.memory_space<vmem_shared>> -> memref<104x64xf32, #tpu.memory_space<vmem_shared>>
        %dma_wait3A_182 = arith.constant 0 : i32
        %dma_wait3A_183 = arith.constant 0 : i32
        %dma_wait3A_184 = tpu.memref_slice %arg17[%dma_wait3A_182, %dma_wait3A_183] : memref<128x64xf32, #tpu.memory_space<vmem>> -> memref<104x64xf32, #tpu.memory_space<vmem>>
        tpu.wait_dma2 semaphore(%run_scoped3A : memref<!tpu.dma_semaphore, #tpu.memory_space<semaphore_mem>>) src(%dma_wait3A_184 : memref<104x64xf32, #tpu.memory_space<vmem>>) dst(%dma_wait3A_181 : memref<104x64xf32, #tpu.memory_space<vmem_shared>>)
        tpu.yield
      }) : () -> ()
      %add3A_161 = arith.constant 416 : i32
      %add3A_162 = arith.addi %multiple_of3A, %add3A_161 : i32
      "tpu.region"() ({
        %run_scoped3A = tpu.sem_alloc : memref<!tpu.dma_semaphore, #tpu.memory_space<semaphore_mem>>
        %dma_start3A_165 = arith.constant 0 : i32
        %dma_start3A_166 = arith.constant 0 : i32
        %dma_start3A_167 = tpu.memref_slice %arg17[%dma_start3A_165, %dma_start3A_166] : memref<128x64xf32, #tpu.memory_space<vmem>> -> memref<104x64xf32, #tpu.memory_space<vmem>>
        %dma_start3A_168 = arith.constant 0 : i32
        %dma_start3A_169 = tpu.memref_slice %arg23[%add3A_162, %dma_start3A_168] : memref<10000x64xf32, #tpu.memory_space<vmem_shared>> -> memref<104x64xf32, #tpu.memory_space<vmem_shared>>
        %dma_start3A_170 = arith.constant 0 : i32
        %dma_start3A_171 = tpu.memref_slice %arg23[%add3A_162, %dma_start3A_170] : memref<10000x64xf32, #tpu.memory_space<vmem_shared>> -> memref<104x64xf32, #tpu.memory_space<vmem_shared>>
        %dma_start3A_172 = arith.constant 0 : i32
        %dma_start3A_173 = arith.constant 0 : i32
        %dma_start3A_174 = tpu.memref_slice %arg17[%dma_start3A_172, %dma_start3A_173] : memref<128x64xf32, #tpu.memory_space<vmem>> -> memref<104x64xf32, #tpu.memory_space<vmem>>
        tpu.enqueue_dma source(%dma_start3A_174 : memref<104x64xf32, #tpu.memory_space<vmem>>) target(%dma_start3A_171 : memref<104x64xf32, #tpu.memory_space<vmem_shared>>) target_semaphore(%run_scoped3A : memref<!tpu.dma_semaphore, #tpu.memory_space<semaphore_mem>>)
        %dma_wait3A_175 = arith.constant 0 : i32
        %dma_wait3A_176 = arith.constant 0 : i32
        %dma_wait3A_177 = tpu.memref_slice %arg17[%dma_wait3A_175, %dma_wait3A_176] : memref<128x64xf32, #tpu.memory_space<vmem>> -> memref<104x64xf32, #tpu.memory_space<vmem>>
        %dma_wait3A_178 = arith.constant 0 : i32
        %dma_wait3A_179 = tpu.memref_slice %arg23[%add3A_162, %dma_wait3A_178] : memref<10000x64xf32, #tpu.memory_space<vmem_shared>> -> memref<104x64xf32, #tpu.memory_space<vmem_shared>>
        %dma_wait3A_180 = arith.constant 0 : i32
        %dma_wait3A_181 = tpu.memref_slice %arg23[%add3A_162, %dma_wait3A_180] : memref<10000x64xf32, #tpu.memory_space<vmem_shared>> -> memref<104x64xf32, #tpu.memory_space<vmem_shared>>
        %dma_wait3A_182 = arith.constant 0 : i32
        %dma_wait3A_183 = arith.constant 0 : i32
        %dma_wait3A_184 = tpu.memref_slice %arg17[%dma_wait3A_182, %dma_wait3A_183] : memref<128x64xf32, #tpu.memory_space<vmem>> -> memref<104x64xf32, #tpu.memory_space<vmem>>
        tpu.wait_dma2 semaphore(%run_scoped3A : memref<!tpu.dma_semaphore, #tpu.memory_space<semaphore_mem>>) src(%dma_wait3A_184 : memref<104x64xf32, #tpu.memory_space<vmem>>) dst(%dma_wait3A_181 : memref<104x64xf32, #tpu.memory_space<vmem_shared>>)
        tpu.yield
      }) : () -> ()
      %add3A_163 = arith.constant 520 : i32
      %add3A_164 = arith.addi %multiple_of3A, %add3A_163 : i32
      "tpu.region"() ({
        %run_scoped3A = tpu.sem_alloc : memref<!tpu.dma_semaphore, #tpu.memory_space<semaphore_mem>>
        %dma_start3A_165 = arith.constant 0 : i32
        %dma_start3A_166 = arith.constant 0 : i32
        %dma_start3A_167 = tpu.memref_slice %arg17[%dma_start3A_165, %dma_start3A_166] : memref<128x64xf32, #tpu.memory_space<vmem>> -> memref<104x64xf32, #tpu.memory_space<vmem>>
        %dma_start3A_168 = arith.constant 0 : i32
        %dma_start3A_169 = tpu.memref_slice %arg23[%add3A_164, %dma_start3A_168] : memref<10000x64xf32, #tpu.memory_space<vmem_shared>> -> memref<104x64xf32, #tpu.memory_space<vmem_shared>>
        %dma_start3A_170 = arith.constant 0 : i32
        %dma_start3A_171 = tpu.memref_slice %arg23[%add3A_164, %dma_start3A_170] : memref<10000x64xf32, #tpu.memory_space<vmem_shared>> -> memref<104x64xf32, #tpu.memory_space<vmem_shared>>
        %dma_start3A_172 = arith.constant 0 : i32
        %dma_start3A_173 = arith.constant 0 : i32
        %dma_start3A_174 = tpu.memref_slice %arg17[%dma_start3A_172, %dma_start3A_173] : memref<128x64xf32, #tpu.memory_space<vmem>> -> memref<104x64xf32, #tpu.memory_space<vmem>>
        tpu.enqueue_dma source(%dma_start3A_174 : memref<104x64xf32, #tpu.memory_space<vmem>>) target(%dma_start3A_171 : memref<104x64xf32, #tpu.memory_space<vmem_shared>>) target_semaphore(%run_scoped3A : memref<!tpu.dma_semaphore, #tpu.memory_space<semaphore_mem>>)
        %dma_wait3A_175 = arith.constant 0 : i32
        %dma_wait3A_176 = arith.constant 0 : i32
        %dma_wait3A_177 = tpu.memref_slice %arg17[%dma_wait3A_175, %dma_wait3A_176] : memref<128x64xf32, #tpu.memory_space<vmem>> -> memref<104x64xf32, #tpu.memory_space<vmem>>
        %dma_wait3A_178 = arith.constant 0 : i32
        %dma_wait3A_179 = tpu.memref_slice %arg23[%add3A_164, %dma_wait3A_178] : memref<10000x64xf32, #tpu.memory_space<vmem_shared>> -> memref<104x64xf32, #tpu.memory_space<vmem_shared>>
        %dma_wait3A_180 = arith.constant 0 : i32
        %dma_wait3A_181 = tpu.memref_slice %arg23[%add3A_164, %dma_wait3A_180] : memref<10000x64xf32, #tpu.memory_space<vmem_shared>> -> memref<104x64xf32, #tpu.memory_space<vmem_shared>>
        %dma_wait3A_182 = arith.constant 0 : i32
        %dma_wait3A_183 = arith.constant 0 : i32
        %dma_wait3A_184 = tpu.memref_slice %arg17[%dma_wait3A_182, %dma_wait3A_183] : memref<128x64xf32, #tpu.memory_space<vmem>> -> memref<104x64xf32, #tpu.memory_space<vmem>>
        tpu.wait_dma2 semaphore(%run_scoped3A : memref<!tpu.dma_semaphore, #tpu.memory_space<semaphore_mem>>) src(%dma_wait3A_184 : memref<104x64xf32, #tpu.memory_space<vmem>>) dst(%dma_wait3A_181 : memref<104x64xf32, #tpu.memory_space<vmem_shared>>)
        tpu.yield
      }) : () -> ()
    } else {
    }
    %eq3A = arith.constant 15 : i32
    %eq3A_16 = arith.cmpi eq, %arg1, %eq3A : i32
    %convert_element_type3A_17 = arith.extui %eq3A_16 : i1 to i32
    %cond3A_18 = arith.constant 0 : i32
    %cond3A_19 = arith.cmpi ne, %convert_element_type3A_17, %cond3A_18 : i32
    scf.if %cond3A_19 {
      %add3A_153 = arith.constant 0 : i32
      %add3A_154 = arith.addi %multiple_of3A, %add3A_153 : i32
      "tpu.region"() ({
        %run_scoped3A = tpu.sem_alloc : memref<!tpu.dma_semaphore, #tpu.memory_space<semaphore_mem>>
        %dma_start3A_163 = arith.constant 0 : i32
        %dma_start3A_164 = tpu.memref_slice %arg23[%add3A_154, %dma_start3A_163] : memref<10000x64xf32, #tpu.memory_space<vmem_shared>> -> memref<128x64xf32, #tpu.memory_space<vmem_shared>>
        %dma_start3A_165 = arith.constant 0 : i32
        %dma_start3A_166 = tpu.memref_slice %arg23[%add3A_154, %dma_start3A_165] : memref<10000x64xf32, #tpu.memory_space<vmem_shared>> -> memref<128x64xf32, #tpu.memory_space<vmem_shared>>
        tpu.enqueue_dma source(%arg17 : memref<128x64xf32, #tpu.memory_space<vmem>>) target(%dma_start3A_166 : memref<128x64xf32, #tpu.memory_space<vmem_shared>>) target_semaphore(%run_scoped3A : memref<!tpu.dma_semaphore, #tpu.memory_space<semaphore_mem>>)
        %dma_wait3A_167 = arith.constant 0 : i32
        %dma_wait3A_168 = tpu.memref_slice %arg23[%add3A_154, %dma_wait3A_167] : memref<10000x64xf32, #tpu.memory_space<vmem_shared>> -> memref<128x64xf32, #tpu.memory_space<vmem_shared>>
        %dma_wait3A_169 = arith.constant 0 : i32
        %dma_wait3A_170 = tpu.memref_slice %arg23[%add3A_154, %dma_wait3A_169] : memref<10000x64xf32, #tpu.memory_space<vmem_shared>> -> memref<128x64xf32, #tpu.memory_space<vmem_shared>>
        tpu.wait_dma2 semaphore(%run_scoped3A : memref<!tpu.dma_semaphore, #tpu.memory_space<semaphore_mem>>) src(%arg17 : memref<128x64xf32, #tpu.memory_space<vmem>>) dst(%dma_wait3A_170 : memref<128x64xf32, #tpu.memory_space<vmem_shared>>)
        tpu.yield
      }) : () -> ()
      %add3A_155 = arith.constant 128 : i32
      %add3A_156 = arith.addi %multiple_of3A, %add3A_155 : i32
      "tpu.region"() ({
        %run_scoped3A = tpu.sem_alloc : memref<!tpu.dma_semaphore, #tpu.memory_space<semaphore_mem>>
        %dma_start3A_163 = arith.constant 0 : i32
        %dma_start3A_164 = tpu.memref_slice %arg23[%add3A_156, %dma_start3A_163] : memref<10000x64xf32, #tpu.memory_space<vmem_shared>> -> memref<128x64xf32, #tpu.memory_space<vmem_shared>>
        %dma_start3A_165 = arith.constant 0 : i32
        %dma_start3A_166 = tpu.memref_slice %arg23[%add3A_156, %dma_start3A_165] : memref<10000x64xf32, #tpu.memory_space<vmem_shared>> -> memref<128x64xf32, #tpu.memory_space<vmem_shared>>
        tpu.enqueue_dma source(%arg17 : memref<128x64xf32, #tpu.memory_space<vmem>>) target(%dma_start3A_166 : memref<128x64xf32, #tpu.memory_space<vmem_shared>>) target_semaphore(%run_scoped3A : memref<!tpu.dma_semaphore, #tpu.memory_space<semaphore_mem>>)
        %dma_wait3A_167 = arith.constant 0 : i32
        %dma_wait3A_168 = tpu.memref_slice %arg23[%add3A_156, %dma_wait3A_167] : memref<10000x64xf32, #tpu.memory_space<vmem_shared>> -> memref<128x64xf32, #tpu.memory_space<vmem_shared>>
        %dma_wait3A_169 = arith.constant 0 : i32
        %dma_wait3A_170 = tpu.memref_slice %arg23[%add3A_156, %dma_wait3A_169] : memref<10000x64xf32, #tpu.memory_space<vmem_shared>> -> memref<128x64xf32, #tpu.memory_space<vmem_shared>>
        tpu.wait_dma2 semaphore(%run_scoped3A : memref<!tpu.dma_semaphore, #tpu.memory_space<semaphore_mem>>) src(%arg17 : memref<128x64xf32, #tpu.memory_space<vmem>>) dst(%dma_wait3A_170 : memref<128x64xf32, #tpu.memory_space<vmem_shared>>)
        tpu.yield
      }) : () -> ()
      %add3A_157 = arith.constant 256 : i32
      %add3A_158 = arith.addi %multiple_of3A, %add3A_157 : i32
      "tpu.region"() ({
        %run_scoped3A = tpu.sem_alloc : memref<!tpu.dma_semaphore, #tpu.memory_space<semaphore_mem>>
        %dma_start3A_163 = arith.constant 0 : i32
        %dma_start3A_164 = tpu.memref_slice %arg23[%add3A_158, %dma_start3A_163] : memref<10000x64xf32, #tpu.memory_space<vmem_shared>> -> memref<128x64xf32, #tpu.memory_space<vmem_shared>>
        %dma_start3A_165 = arith.constant 0 : i32
        %dma_start3A_166 = tpu.memref_slice %arg23[%add3A_158, %dma_start3A_165] : memref<10000x64xf32, #tpu.memory_space<vmem_shared>> -> memref<128x64xf32, #tpu.memory_space<vmem_shared>>
        tpu.enqueue_dma source(%arg17 : memref<128x64xf32, #tpu.memory_space<vmem>>) target(%dma_start3A_166 : memref<128x64xf32, #tpu.memory_space<vmem_shared>>) target_semaphore(%run_scoped3A : memref<!tpu.dma_semaphore, #tpu.memory_space<semaphore_mem>>)
        %dma_wait3A_167 = arith.constant 0 : i32
        %dma_wait3A_168 = tpu.memref_slice %arg23[%add3A_158, %dma_wait3A_167] : memref<10000x64xf32, #tpu.memory_space<vmem_shared>> -> memref<128x64xf32, #tpu.memory_space<vmem_shared>>
        %dma_wait3A_169 = arith.constant 0 : i32
        %dma_wait3A_170 = tpu.memref_slice %arg23[%add3A_158, %dma_wait3A_169] : memref<10000x64xf32, #tpu.memory_space<vmem_shared>> -> memref<128x64xf32, #tpu.memory_space<vmem_shared>>
        tpu.wait_dma2 semaphore(%run_scoped3A : memref<!tpu.dma_semaphore, #tpu.memory_space<semaphore_mem>>) src(%arg17 : memref<128x64xf32, #tpu.memory_space<vmem>>) dst(%dma_wait3A_170 : memref<128x64xf32, #tpu.memory_space<vmem_shared>>)
        tpu.yield
      }) : () -> ()
      %add3A_159 = arith.constant 384 : i32
      %add3A_160 = arith.addi %multiple_of3A, %add3A_159 : i32
      "tpu.region"() ({
        %run_scoped3A = tpu.sem_alloc : memref<!tpu.dma_semaphore, #tpu.memory_space<semaphore_mem>>
        %dma_start3A_163 = arith.constant 0 : i32
        %dma_start3A_164 = tpu.memref_slice %arg23[%add3A_160, %dma_start3A_163] : memref<10000x64xf32, #tpu.memory_space<vmem_shared>> -> memref<128x64xf32, #tpu.memory_space<vmem_shared>>
        %dma_start3A_165 = arith.constant 0 : i32
        %dma_start3A_166 = tpu.memref_slice %arg23[%add3A_160, %dma_start3A_165] : memref<10000x64xf32, #tpu.memory_space<vmem_shared>> -> memref<128x64xf32, #tpu.memory_space<vmem_shared>>
        tpu.enqueue_dma source(%arg17 : memref<128x64xf32, #tpu.memory_space<vmem>>) target(%dma_start3A_166 : memref<128x64xf32, #tpu.memory_space<vmem_shared>>) target_semaphore(%run_scoped3A : memref<!tpu.dma_semaphore, #tpu.memory_space<semaphore_mem>>)
        %dma_wait3A_167 = arith.constant 0 : i32
        %dma_wait3A_168 = tpu.memref_slice %arg23[%add3A_160, %dma_wait3A_167] : memref<10000x64xf32, #tpu.memory_space<vmem_shared>> -> memref<128x64xf32, #tpu.memory_space<vmem_shared>>
        %dma_wait3A_169 = arith.constant 0 : i32
        %dma_wait3A_170 = tpu.memref_slice %arg23[%add3A_160, %dma_wait3A_169] : memref<10000x64xf32, #tpu.memory_space<vmem_shared>> -> memref<128x64xf32, #tpu.memory_space<vmem_shared>>
        tpu.wait_dma2 semaphore(%run_scoped3A : memref<!tpu.dma_semaphore, #tpu.memory_space<semaphore_mem>>) src(%arg17 : memref<128x64xf32, #tpu.memory_space<vmem>>) dst(%dma_wait3A_170 : memref<128x64xf32, #tpu.memory_space<vmem_shared>>)
        tpu.yield
      }) : () -> ()
      %add3A_161 = arith.constant 512 : i32
      %add3A_162 = arith.addi %multiple_of3A, %add3A_161 : i32
      "tpu.region"() ({
        %run_scoped3A = tpu.sem_alloc : memref<!tpu.dma_semaphore, #tpu.memory_space<semaphore_mem>>
        %dma_start3A_163 = arith.constant 0 : i32
        %dma_start3A_164 = tpu.memref_slice %arg23[%add3A_162, %dma_start3A_163] : memref<10000x64xf32, #tpu.memory_space<vmem_shared>> -> memref<128x64xf32, #tpu.memory_space<vmem_shared>>
        %dma_start3A_165 = arith.constant 0 : i32
        %dma_start3A_166 = tpu.memref_slice %arg23[%add3A_162, %dma_start3A_165] : memref<10000x64xf32, #tpu.memory_space<vmem_shared>> -> memref<128x64xf32, #tpu.memory_space<vmem_shared>>
        tpu.enqueue_dma source(%arg17 : memref<128x64xf32, #tpu.memory_space<vmem>>) target(%dma_start3A_166 : memref<128x64xf32, #tpu.memory_space<vmem_shared>>) target_semaphore(%run_scoped3A : memref<!tpu.dma_semaphore, #tpu.memory_space<semaphore_mem>>)
        %dma_wait3A_167 = arith.constant 0 : i32
        %dma_wait3A_168 = tpu.memref_slice %arg23[%add3A_162, %dma_wait3A_167] : memref<10000x64xf32, #tpu.memory_space<vmem_shared>> -> memref<128x64xf32, #tpu.memory_space<vmem_shared>>
        %dma_wait3A_169 = arith.constant 0 : i32
        %dma_wait3A_170 = tpu.memref_slice %arg23[%add3A_162, %dma_wait3A_169] : memref<10000x64xf32, #tpu.memory_space<vmem_shared>> -> memref<128x64xf32, #tpu.memory_space<vmem_shared>>
        tpu.wait_dma2 semaphore(%run_scoped3A : memref<!tpu.dma_semaphore, #tpu.memory_space<semaphore_mem>>) src(%arg17 : memref<128x64xf32, #tpu.memory_space<vmem>>) dst(%dma_wait3A_170 : memref<128x64xf32, #tpu.memory_space<vmem_shared>>)
        tpu.yield
      }) : () -> ()
    } else {
    }
    %eq3A_20 = arith.constant 0 : i32
    %eq3A_21 = arith.cmpi eq, %arg1, %eq3A_20 : i32
    %convert_element_type3A_22 = arith.extui %eq3A_21 : i1 to i32
    %cond3A_23 = arith.constant 0 : i32
    %cond3A_24 = arith.cmpi ne, %convert_element_type3A_22, %cond3A_23 : i32
    scf.if %cond3A_24 {
      %scan3A_153 = arith.constant 0 : i32
      %scan3A_154 = arith.constant 0 : i32
      %scan3A_155 = arith.constant 5 : i32
      %scan3A_156 = arith.addi %scan3A_154, %scan3A_155 : i32
      %scan3A_157 = arith.constant 1 : i32
      scf.for %scan3A_159 = %scan3A_154 to %scan3A_156 step %scan3A_157  : i32 {
        %mul3A_160 = arith.constant 2048 : i32
        %mul3A_161 = arith.muli %scan3A_159, %mul3A_160 : i32
        "tpu.region"() ({
          %run_scoped3A = tpu.sem_alloc : memref<!tpu.dma_semaphore, #tpu.memory_space<semaphore_mem>>
          %dma_start3A_162 = tpu.memref_slice %arg22[%mul3A_161] : memref<10240xf32, #tpu.memory_space<vmem_shared>> -> memref<2048xf32, #tpu.memory_space<vmem_shared>>
          %dma_start3A_163 = tpu.memref_slice %arg22[%mul3A_161] : memref<10240xf32, #tpu.memory_space<vmem_shared>> -> memref<2048xf32, #tpu.memory_space<vmem_shared>>
          tpu.enqueue_dma source(%arg18 : memref<2048xf32, #tpu.memory_space<vmem>>) target(%dma_start3A_163 : memref<2048xf32, #tpu.memory_space<vmem_shared>>) target_semaphore(%run_scoped3A : memref<!tpu.dma_semaphore, #tpu.memory_space<semaphore_mem>>)
          %dma_wait3A_164 = tpu.memref_slice %arg22[%mul3A_161] : memref<10240xf32, #tpu.memory_space<vmem_shared>> -> memref<2048xf32, #tpu.memory_space<vmem_shared>>
          %dma_wait3A_165 = tpu.memref_slice %arg22[%mul3A_161] : memref<10240xf32, #tpu.memory_space<vmem_shared>> -> memref<2048xf32, #tpu.memory_space<vmem_shared>>
          tpu.wait_dma2 semaphore(%run_scoped3A : memref<!tpu.dma_semaphore, #tpu.memory_space<semaphore_mem>>) src(%arg18 : memref<2048xf32, #tpu.memory_space<vmem>>) dst(%dma_wait3A_165 : memref<2048xf32, #tpu.memory_space<vmem_shared>>)
          tpu.yield
        }) : () -> ()
      }
      %scan3A_158 = arith.constant 5 : i32
    } else {
    }
    "tpu.region"() ({
      %run_scoped3A = tpu.sem_alloc : memref<!tpu.dma_semaphore, #tpu.memory_space<semaphore_mem>>
      tpu.enqueue_dma source(%arg4 : memref<10000xf32, #tpu.memory_space<hbm>>) target(%arg11 : memref<10000xf32, #tpu.memory_space<vmem>>) target_semaphore(%run_scoped3A : memref<!tpu.dma_semaphore, #tpu.memory_space<semaphore_mem>>)
      tpu.wait_dma2 semaphore(%run_scoped3A : memref<!tpu.dma_semaphore, #tpu.memory_space<semaphore_mem>>) src(%arg4 : memref<10000xf32, #tpu.memory_space<hbm>>) dst(%arg11 : memref<10000xf32, #tpu.memory_space<vmem>>)
      tpu.yield
    }) : () -> ()
    "tpu.region"() ({
      %run_scoped3A = tpu.sem_alloc : memref<!tpu.dma_semaphore, #tpu.memory_space<semaphore_mem>>
      tpu.enqueue_dma source(%arg5 : memref<10000xf32, #tpu.memory_space<hbm>>) target(%arg12 : memref<10000xf32, #tpu.memory_space<vmem>>) target_semaphore(%run_scoped3A : memref<!tpu.dma_semaphore, #tpu.memory_space<semaphore_mem>>)
      tpu.wait_dma2 semaphore(%run_scoped3A : memref<!tpu.dma_semaphore, #tpu.memory_space<semaphore_mem>>) src(%arg5 : memref<10000xf32, #tpu.memory_space<hbm>>) dst(%arg12 : memref<10000xf32, #tpu.memory_space<vmem>>)
      tpu.yield
    }) : () -> ()
    "tpu.region"() ({
      %run_scoped3A = tpu.sem_alloc : memref<!tpu.dma_semaphore, #tpu.memory_space<semaphore_mem>>
      %dma_start3A_153 = arith.constant 0 : i32
      %dma_start3A_154 = arith.constant 0 : i32
      %dma_start3A_155 = tpu.memref_slice %arg6[%add3A, %dma_start3A_153, %dma_start3A_154] : memref<32x125x80xi32, #tpu.memory_space<hbm>> -> memref<1x125x80xi32, #tpu.memory_space<hbm>>
      %dma_start3A_156 = tpu.memref_squeeze %dma_start3A_155 : memref<1x125x80xi32, #tpu.memory_space<hbm>> -> memref<125x80xi32, #tpu.memory_space<hbm>>
      %dma_start3A_157 = arith.constant 0 : i32
      %dma_start3A_158 = arith.constant 0 : i32
      %dma_start3A_159 = tpu.memref_slice %arg6[%add3A, %dma_start3A_157, %dma_start3A_158] : memref<32x125x80xi32, #tpu.memory_space<hbm>> -> memref<1x125x80xi32, #tpu.memory_space<hbm>>
      %dma_start3A_160 = tpu.memref_squeeze %dma_start3A_159 : memref<1x125x80xi32, #tpu.memory_space<hbm>> -> memref<125x80xi32, #tpu.memory_space<hbm>>
      tpu.enqueue_dma source(%dma_start3A_160 : memref<125x80xi32, #tpu.memory_space<hbm>>) target(%arg13 : memref<125x80xi32, #tpu.memory_space<vmem>>) target_semaphore(%run_scoped3A : memref<!tpu.dma_semaphore, #tpu.memory_space<semaphore_mem>>)
      %dma_wait3A_161 = arith.constant 0 : i32
      %dma_wait3A_162 = arith.constant 0 : i32
      %dma_wait3A_163 = tpu.memref_slice %arg6[%add3A, %dma_wait3A_161, %dma_wait3A_162] : memref<32x125x80xi32, #tpu.memory_space<hbm>> -> memref<1x125x80xi32, #tpu.memory_space<hbm>>
      %dma_wait3A_164 = tpu.memref_squeeze %dma_wait3A_163 : memref<1x125x80xi32, #tpu.memory_space<hbm>> -> memref<125x80xi32, #tpu.memory_space<hbm>>
      %dma_wait3A_165 = arith.constant 0 : i32
      %dma_wait3A_166 = arith.constant 0 : i32
      %dma_wait3A_167 = tpu.memref_slice %arg6[%add3A, %dma_wait3A_165, %dma_wait3A_166] : memref<32x125x80xi32, #tpu.memory_space<hbm>> -> memref<1x125x80xi32, #tpu.memory_space<hbm>>
      %dma_wait3A_168 = tpu.memref_squeeze %dma_wait3A_167 : memref<1x125x80xi32, #tpu.memory_space<hbm>> -> memref<125x80xi32, #tpu.memory_space<hbm>>
      tpu.wait_dma2 semaphore(%run_scoped3A : memref<!tpu.dma_semaphore, #tpu.memory_space<semaphore_mem>>) src(%dma_wait3A_168 : memref<125x80xi32, #tpu.memory_space<hbm>>) dst(%arg13 : memref<125x80xi32, #tpu.memory_space<vmem>>)
      tpu.yield
    }) : () -> ()
    "tpu.region"() ({
      %run_scoped3A = tpu.sem_alloc : memref<!tpu.dma_semaphore, #tpu.memory_space<semaphore_mem>>
      %dma_start3A_153 = arith.constant 0 : i32
      %dma_start3A_154 = arith.constant 0 : i32
      %dma_start3A_155 = tpu.memref_slice %arg7[%add3A, %dma_start3A_153, %dma_start3A_154] : memref<32x125x80xi32, #tpu.memory_space<hbm>> -> memref<1x125x80xi32, #tpu.memory_space<hbm>>
      %dma_start3A_156 = tpu.memref_squeeze %dma_start3A_155 : memref<1x125x80xi32, #tpu.memory_space<hbm>> -> memref<125x80xi32, #tpu.memory_space<hbm>>
      %dma_start3A_157 = arith.constant 0 : i32
      %dma_start3A_158 = arith.constant 0 : i32
      %dma_start3A_159 = tpu.memref_slice %arg7[%add3A, %dma_start3A_157, %dma_start3A_158] : memref<32x125x80xi32, #tpu.memory_space<hbm>> -> memref<1x125x80xi32, #tpu.memory_space<hbm>>
      %dma_start3A_160 = tpu.memref_squeeze %dma_start3A_159 : memref<1x125x80xi32, #tpu.memory_space<hbm>> -> memref<125x80xi32, #tpu.memory_space<hbm>>
      tpu.enqueue_dma source(%dma_start3A_160 : memref<125x80xi32, #tpu.memory_space<hbm>>) target(%arg14 : memref<125x80xi32, #tpu.memory_space<vmem>>) target_semaphore(%run_scoped3A : memref<!tpu.dma_semaphore, #tpu.memory_space<semaphore_mem>>)
      %dma_wait3A_161 = arith.constant 0 : i32
      %dma_wait3A_162 = arith.constant 0 : i32
      %dma_wait3A_163 = tpu.memref_slice %arg7[%add3A, %dma_wait3A_161, %dma_wait3A_162] : memref<32x125x80xi32, #tpu.memory_space<hbm>> -> memref<1x125x80xi32, #tpu.memory_space<hbm>>
      %dma_wait3A_164 = tpu.memref_squeeze %dma_wait3A_163 : memref<1x125x80xi32, #tpu.memory_space<hbm>> -> memref<125x80xi32, #tpu.memory_space<hbm>>
      %dma_wait3A_165 = arith.constant 0 : i32
      %dma_wait3A_166 = arith.constant 0 : i32
      %dma_wait3A_167 = tpu.memref_slice %arg7[%add3A, %dma_wait3A_165, %dma_wait3A_166] : memref<32x125x80xi32, #tpu.memory_space<hbm>> -> memref<1x125x80xi32, #tpu.memory_space<hbm>>
      %dma_wait3A_168 = tpu.memref_squeeze %dma_wait3A_167 : memref<1x125x80xi32, #tpu.memory_space<hbm>> -> memref<125x80xi32, #tpu.memory_space<hbm>>
      tpu.wait_dma2 semaphore(%run_scoped3A : memref<!tpu.dma_semaphore, #tpu.memory_space<semaphore_mem>>) src(%dma_wait3A_168 : memref<125x80xi32, #tpu.memory_space<hbm>>) dst(%arg14 : memref<125x80xi32, #tpu.memory_space<vmem>>)
      tpu.yield
    }) : () -> ()
    %parallel_loop3A = arith.constant 0 : i32
    %parallel_loop3A_25 = arith.constant 125 : i32
    %parallel_loop3A_26 = arith.constant 1 : i32
    scf.for %parallel_loop3A_153 = %parallel_loop3A to %parallel_loop3A_25 step %parallel_loop3A_26  : i32 {
      %parallel_loop3A_154 = arith.index_cast %parallel_loop3A_153 : i32 to index
      %parallel_loop3A_155 = arith.constant 0 : index
      %parallel_loop3A_156 = tpu.vector_load %arg13[%parallel_loop3A_154, %parallel_loop3A_155] {strides = array<i32>} : memref<125x80xi32, #tpu.memory_space<vmem>>, vector<16xi32>,
      %parallel_loop3A_157 = arith.index_cast %parallel_loop3A_153 : i32 to index
      %parallel_loop3A_158 = arith.constant 0 : index
      %parallel_loop3A_159 = tpu.vector_load %arg14[%parallel_loop3A_157, %parallel_loop3A_158] {strides = array<i32>} : memref<125x80xi32, #tpu.memory_space<vmem>>, vector<16xi32>,
      %parallel_loop3A_160 = tpu.vector_load_idx %arg11[%parallel_loop3A_156] : memref<10000xf32, #tpu.memory_space<vmem>>[vector<16xi32>], vector<16xf32>,
      %parallel_loop3A_161 = tpu.vector_load_idx %arg12[%parallel_loop3A_159] : memref<10000xf32, #tpu.memory_space<vmem>>[vector<16xi32>], vector<16xf32>,
      %parallel_loop3A_162 = arith.addf %parallel_loop3A_160, %parallel_loop3A_161 : vector<16xf32>
      %parallel_loop3A_163 = arith.constant 0.000000e+00 : f32
      %parallel_loop3A_164 = vector.broadcast %parallel_loop3A_163 : f32 to vector<16xf32>
      %parallel_loop3A_165 = arith.cmpf oge, %parallel_loop3A_162, %parallel_loop3A_164 : vector<16xf32>
      %parallel_loop3A_166 = arith.constant 2.000000e-01 : f32
      %parallel_loop3A_167 = vector.broadcast %parallel_loop3A_166 : f32 to vector<16xf32>
      %parallel_loop3A_168 = arith.mulf %parallel_loop3A_167, %parallel_loop3A_162 : vector<16xf32>
      %parallel_loop3A_169 = arith.select %parallel_loop3A_165, %parallel_loop3A_162, %parallel_loop3A_168 : vector<16xi1>, vector<16xf32>
      %parallel_loop3A_170 = math.exp %parallel_loop3A_169 : vector<16xf32>
      %parallel_loop3A_171 = arith.index_cast %parallel_loop3A_153 : i32 to index
      %parallel_loop3A_172 = arith.constant 0 : index
      %parallel_loop3A_173 = tpu.vector_load %arg15[%parallel_loop3A_171, %parallel_loop3A_172] {strides = array<i32>} : memref<125x80xf32, #tpu.memory_space<vmem>>, vector<16xf32>,
      tpu.vector_store %arg15[%parallel_loop3A_171, %parallel_loop3A_172], %parallel_loop3A_170 {strides = array<i32>} : memref<125x80xf32, #tpu.memory_space<vmem>>, vector<16xf32>,
      %parallel_loop3A_174 = arith.index_cast %parallel_loop3A_153 : i32 to index
      %parallel_loop3A_175 = arith.constant 16 : index
      %parallel_loop3A_176 = tpu.vector_load %arg13[%parallel_loop3A_174, %parallel_loop3A_175] {strides = array<i32>} : memref<125x80xi32, #tpu.memory_space<vmem>>, vector<16xi32>,
      %parallel_loop3A_177 = arith.index_cast %parallel_loop3A_153 : i32 to index
      %parallel_loop3A_178 = arith.constant 16 : index
      %parallel_loop3A_179 = tpu.vector_load %arg14[%parallel_loop3A_177, %parallel_loop3A_178] {strides = array<i32>} : memref<125x80xi32, #tpu.memory_space<vmem>>, vector<16xi32>,
      %parallel_loop3A_180 = tpu.vector_load_idx %arg11[%parallel_loop3A_176] : memref<10000xf32, #tpu.memory_space<vmem>>[vector<16xi32>], vector<16xf32>,
      %parallel_loop3A_181 = tpu.vector_load_idx %arg12[%parallel_loop3A_179] : memref<10000xf32, #tpu.memory_space<vmem>>[vector<16xi32>], vector<16xf32>,
      %parallel_loop3A_182 = arith.addf %parallel_loop3A_180, %parallel_loop3A_181 : vector<16xf32>
      %parallel_loop3A_183 = arith.constant 0.000000e+00 : f32
      %parallel_loop3A_184 = vector.broadcast %parallel_loop3A_183 : f32 to vector<16xf32>
      %parallel_loop3A_185 = arith.cmpf oge, %parallel_loop3A_182, %parallel_loop3A_184 : vector<16xf32>
      %parallel_loop3A_186 = arith.constant 2.000000e-01 : f32
      %parallel_loop3A_187 = vector.broadcast %parallel_loop3A_186 : f32 to vector<16xf32>
      %parallel_loop3A_188 = arith.mulf %parallel_loop3A_187, %parallel_loop3A_182 : vector<16xf32>
      %parallel_loop3A_189 = arith.select %parallel_loop3A_185, %parallel_loop3A_182, %parallel_loop3A_188 : vector<16xi1>, vector<16xf32>
      %parallel_loop3A_190 = math.exp %parallel_loop3A_189 : vector<16xf32>
      %parallel_loop3A_191 = arith.index_cast %parallel_loop3A_153 : i32 to index
      %parallel_loop3A_192 = arith.constant 16 : index
      %parallel_loop3A_193 = tpu.vector_load %arg15[%parallel_loop3A_191, %parallel_loop3A_192] {strides = array<i32>} : memref<125x80xf32, #tpu.memory_space<vmem>>, vector<16xf32>,
      tpu.vector_store %arg15[%parallel_loop3A_191, %parallel_loop3A_192], %parallel_loop3A_190 {strides = array<i32>} : memref<125x80xf32, #tpu.memory_space<vmem>>, vector<16xf32>,
      %parallel_loop3A_194 = arith.index_cast %parallel_loop3A_153 : i32 to index
      %parallel_loop3A_195 = arith.constant 32 : index
      %parallel_loop3A_196 = tpu.vector_load %arg13[%parallel_loop3A_194, %parallel_loop3A_195] {strides = array<i32>} : memref<125x80xi32, #tpu.memory_space<vmem>>, vector<16xi32>,
      %parallel_loop3A_197 = arith.index_cast %parallel_loop3A_153 : i32 to index
      %parallel_loop3A_198 = arith.constant 32 : index
      %parallel_loop3A_199 = tpu.vector_load %arg14[%parallel_loop3A_197, %parallel_loop3A_198] {strides = array<i32>} : memref<125x80xi32, #tpu.memory_space<vmem>>, vector<16xi32>,
      %parallel_loop3A_200 = tpu.vector_load_idx %arg11[%parallel_loop3A_196] : memref<10000xf32, #tpu.memory_space<vmem>>[vector<16xi32>], vector<16xf32>,
      %parallel_loop3A_201 = tpu.vector_load_idx %arg12[%parallel_loop3A_199] : memref<10000xf32, #tpu.memory_space<vmem>>[vector<16xi32>], vector<16xf32>,
      %parallel_loop3A_202 = arith.addf %parallel_loop3A_200, %parallel_loop3A_201 : vector<16xf32>
      %parallel_loop3A_203 = arith.constant 0.000000e+00 : f32
      %parallel_loop3A_204 = vector.broadcast %parallel_loop3A_203 : f32 to vector<16xf32>
      %parallel_loop3A_205 = arith.cmpf oge, %parallel_loop3A_202, %parallel_loop3A_204 : vector<16xf32>
      %parallel_loop3A_206 = arith.constant 2.000000e-01 : f32
      %parallel_loop3A_207 = vector.broadcast %parallel_loop3A_206 : f32 to vector<16xf32>
      %parallel_loop3A_208 = arith.mulf %parallel_loop3A_207, %parallel_loop3A_202 : vector<16xf32>
      %parallel_loop3A_209 = arith.select %parallel_loop3A_205, %parallel_loop3A_202, %parallel_loop3A_208 : vector<16xi1>, vector<16xf32>
      %parallel_loop3A_210 = math.exp %parallel_loop3A_209 : vector<16xf32>
      %parallel_loop3A_211 = arith.index_cast %parallel_loop3A_153 : i32 to index
      %parallel_loop3A_212 = arith.constant 32 : index
      %parallel_loop3A_213 = tpu.vector_load %arg15[%parallel_loop3A_211, %parallel_loop3A_212] {strides = array<i32>} : memref<125x80xf32, #tpu.memory_space<vmem>>, vector<16xf32>,
      tpu.vector_store %arg15[%parallel_loop3A_211, %parallel_loop3A_212], %parallel_loop3A_210 {strides = array<i32>} : memref<125x80xf32, #tpu.memory_space<vmem>>, vector<16xf32>,
      %parallel_loop3A_214 = arith.index_cast %parallel_loop3A_153 : i32 to index
      %parallel_loop3A_215 = arith.constant 48 : index
      %parallel_loop3A_216 = tpu.vector_load %arg13[%parallel_loop3A_214, %parallel_loop3A_215] {strides = array<i32>} : memref<125x80xi32, #tpu.memory_space<vmem>>, vector<16xi32>,
      %parallel_loop3A_217 = arith.index_cast %parallel_loop3A_153 : i32 to index
      %parallel_loop3A_218 = arith.constant 48 : index
      %parallel_loop3A_219 = tpu.vector_load %arg14[%parallel_loop3A_217, %parallel_loop3A_218] {strides = array<i32>} : memref<125x80xi32, #tpu.memory_space<vmem>>, vector<16xi32>,
      %parallel_loop3A_220 = tpu.vector_load_idx %arg11[%parallel_loop3A_216] : memref<10000xf32, #tpu.memory_space<vmem>>[vector<16xi32>], vector<16xf32>,
      %parallel_loop3A_221 = tpu.vector_load_idx %arg12[%parallel_loop3A_219] : memref<10000xf32, #tpu.memory_space<vmem>>[vector<16xi32>], vector<16xf32>,
      %parallel_loop3A_222 = arith.addf %parallel_loop3A_220, %parallel_loop3A_221 : vector<16xf32>
      %parallel_loop3A_223 = arith.constant 0.000000e+00 : f32
      %parallel_loop3A_224 = vector.broadcast %parallel_loop3A_223 : f32 to vector<16xf32>
      %parallel_loop3A_225 = arith.cmpf oge, %parallel_loop3A_222, %parallel_loop3A_224 : vector<16xf32>
      %parallel_loop3A_226 = arith.constant 2.000000e-01 : f32
      %parallel_loop3A_227 = vector.broadcast %parallel_loop3A_226 : f32 to vector<16xf32>
      %parallel_loop3A_228 = arith.mulf %parallel_loop3A_227, %parallel_loop3A_222 : vector<16xf32>
      %parallel_loop3A_229 = arith.select %parallel_loop3A_225, %parallel_loop3A_222, %parallel_loop3A_228 : vector<16xi1>, vector<16xf32>
      %parallel_loop3A_230 = math.exp %parallel_loop3A_229 : vector<16xf32>
      %parallel_loop3A_231 = arith.index_cast %parallel_loop3A_153 : i32 to index
      %parallel_loop3A_232 = arith.constant 48 : index
      %parallel_loop3A_233 = tpu.vector_load %arg15[%parallel_loop3A_231, %parallel_loop3A_232] {strides = array<i32>} : memref<125x80xf32, #tpu.memory_space<vmem>>, vector<16xf32>,
      tpu.vector_store %arg15[%parallel_loop3A_231, %parallel_loop3A_232], %parallel_loop3A_230 {strides = array<i32>} : memref<125x80xf32, #tpu.memory_space<vmem>>, vector<16xf32>,
      %parallel_loop3A_234 = arith.index_cast %parallel_loop3A_153 : i32 to index
      %parallel_loop3A_235 = arith.constant 64 : index
      %parallel_loop3A_236 = tpu.vector_load %arg13[%parallel_loop3A_234, %parallel_loop3A_235] {strides = array<i32>} : memref<125x80xi32, #tpu.memory_space<vmem>>, vector<16xi32>,
      %parallel_loop3A_237 = arith.index_cast %parallel_loop3A_153 : i32 to index
      %parallel_loop3A_238 = arith.constant 64 : index
      %parallel_loop3A_239 = tpu.vector_load %arg14[%parallel_loop3A_237, %parallel_loop3A_238] {strides = array<i32>} : memref<125x80xi32, #tpu.memory_space<vmem>>, vector<16xi32>,
      %parallel_loop3A_240 = tpu.vector_load_idx %arg11[%parallel_loop3A_236] : memref<10000xf32, #tpu.memory_space<vmem>>[vector<16xi32>], vector<16xf32>,
      %parallel_loop3A_241 = tpu.vector_load_idx %arg12[%parallel_loop3A_239] : memref<10000xf32, #tpu.memory_space<vmem>>[vector<16xi32>], vector<16xf32>,
      %parallel_loop3A_242 = arith.addf %parallel_loop3A_240, %parallel_loop3A_241 : vector<16xf32>
      %parallel_loop3A_243 = arith.constant 0.000000e+00 : f32
      %parallel_loop3A_244 = vector.broadcast %parallel_loop3A_243 : f32 to vector<16xf32>
      %parallel_loop3A_245 = arith.cmpf oge, %parallel_loop3A_242, %parallel_loop3A_244 : vector<16xf32>
      %parallel_loop3A_246 = arith.constant 2.000000e-01 : f32
      %parallel_loop3A_247 = vector.broadcast %parallel_loop3A_246 : f32 to vector<16xf32>
      %parallel_loop3A_248 = arith.mulf %parallel_loop3A_247, %parallel_loop3A_242 : vector<16xf32>
      %parallel_loop3A_249 = arith.select %parallel_loop3A_245, %parallel_loop3A_242, %parallel_loop3A_248 : vector<16xi1>, vector<16xf32>
      %parallel_loop3A_250 = math.exp %parallel_loop3A_249 : vector<16xf32>
      %parallel_loop3A_251 = arith.index_cast %parallel_loop3A_153 : i32 to index
      %parallel_loop3A_252 = arith.constant 64 : index
      %parallel_loop3A_253 = tpu.vector_load %arg15[%parallel_loop3A_251, %parallel_loop3A_252] {strides = array<i32>} : memref<125x80xf32, #tpu.memory_space<vmem>>, vector<16xf32>,
      tpu.vector_store %arg15[%parallel_loop3A_251, %parallel_loop3A_252], %parallel_loop3A_250 {strides = array<i32>} : memref<125x80xf32, #tpu.memory_space<vmem>>, vector<16xf32>,
    } {sc.loop_unroll_factor = 2 : i64, sc.parallel_access}
    %barrier3A = arith.constant 0 : index
    tpu.barrier barrier_id(%barrier3A)
    %scan3A_27 = arith.constant 0 : i32
    %scan3A_28 = arith.constant 0 : i32
    %scan3A_29 = arith.constant 125 : i32
    %scan3A_30 = arith.addi %scan3A_28, %scan3A_29 : i32
    %scan3A_31 = arith.constant 1 : i32
    scf.for %scan3A_153 = %scan3A_28 to %scan3A_30 step %scan3A_31  : i32 {
      %ge3A = arith.constant 2 : i32
      %ge3A_154 = arith.cmpi sge, %scan3A_153, %ge3A : i32
      %convert_element_type3A_155 = arith.extui %ge3A_154 : i1 to i32
      %cond3A_156 = arith.constant 0 : i32
      %cond3A_157 = arith.cmpi ne, %convert_element_type3A_155, %cond3A_156 : i32
      scf.if %cond3A_157 {
        %sub3A = arith.constant 2 : i32
        %sub3A_166 = arith.subi %scan3A_153, %sub3A : i32
        %sub3A_167 = arith.constant 2 : i32
        %sub3A_168 = arith.subi %scan3A_153, %sub3A_167 : i32
        %dma_wait3A_169 = arith.constant 0 : i32
        %dma_wait3A_170 = tpu.memref_slice %arg15[%sub3A_166, %dma_wait3A_169] : memref<125x80xf32, #tpu.memory_space<vmem>> -> memref<1x80xf32, #tpu.memory_space<vmem>>
        %dma_wait3A_171 = tpu.memref_squeeze %dma_wait3A_170 : memref<1x80xf32, #tpu.memory_space<vmem>> -> memref<80xf32, #tpu.memory_space<vmem>>
        %dma_wait3A_172 = arith.constant 0 : i32
        %dma_wait3A_173 = tpu.memref_slice %arg14[%sub3A_168, %dma_wait3A_172] : memref<125x80xi32, #tpu.memory_space<vmem>> -> memref<1x80xi32, #tpu.memory_space<vmem>>
        %dma_wait3A_174 = tpu.memref_squeeze %dma_wait3A_173 : memref<1x80xi32, #tpu.memory_space<vmem>> -> memref<80xi32, #tpu.memory_space<vmem>>
        %dma_wait3A_175 = arith.constant 0 : i32
        %dma_wait3A_176 = tpu.memref_slice %arg22[%dma_wait3A_175] : memref<10240xf32, #tpu.memory_space<vmem_shared>> -> memref<10240xf32, #tpu.memory_space<vmem_shared>>
        tpu.wait_indirect_dma semaphore(%arg21 : memref<!tpu.dma_semaphore, #tpu.memory_space<semaphore_mem>>) src(%dma_wait3A_171 : memref<80xf32, #tpu.memory_space<vmem>>) dst(%dma_wait3A_176 : memref<10240xf32, #tpu.memory_space<vmem_shared>>)
      } else {
      }
      %dma_start3A_158 = arith.constant 0 : i32
      %dma_start3A_159 = tpu.memref_slice %arg15[%scan3A_153, %dma_start3A_158] : memref<125x80xf32, #tpu.memory_space<vmem>> -> memref<1x80xf32, #tpu.memory_space<vmem>>
      %dma_start3A_160 = tpu.memref_squeeze %dma_start3A_159 : memref<1x80xf32, #tpu.memory_space<vmem>> -> memref<80xf32, #tpu.memory_space<vmem>>
      %dma_start3A_161 = arith.constant 0 : i32
      %dma_start3A_162 = tpu.memref_slice %arg14[%scan3A_153, %dma_start3A_161] : memref<125x80xi32, #tpu.memory_space<vmem>> -> memref<1x80xi32, #tpu.memory_space<vmem>>
      %dma_start3A_163 = tpu.memref_squeeze %dma_start3A_162 : memref<1x80xi32, #tpu.memory_space<vmem>> -> memref<80xi32, #tpu.memory_space<vmem>>
      %dma_start3A_164 = arith.constant 0 : i32
      %dma_start3A_165 = tpu.memref_slice %arg22[%dma_start3A_164] : memref<10240xf32, #tpu.memory_space<vmem_shared>> -> memref<10240xf32, #tpu.memory_space<vmem_shared>>
      tpu.enqueue_indirect_dma source(%dma_start3A_160 : memref<80xf32, #tpu.memory_space<vmem>>) target(%dma_start3A_165 : memref<10240xf32, #tpu.memory_space<vmem_shared>>) offsets(%dma_start3A_163 : memref<80xi32, #tpu.memory_space<vmem>>) semaphore(%arg21 : memref<!tpu.dma_semaphore, #tpu.memory_space<semaphore_mem>>) {add = true}
    }
    %scan3A_32 = arith.constant 125 : i32
    %dma_wait3A = arith.constant 123 : i32
    %dma_wait3A_33 = arith.constant 123 : i32
    %dma_wait3A_34 = arith.constant 0 : i32
    %dma_wait3A_35 = tpu.memref_slice %arg15[%dma_wait3A, %dma_wait3A_34] : memref<125x80xf32, #tpu.memory_space<vmem>> -> memref<1x80xf32, #tpu.memory_space<vmem>>
    %dma_wait3A_36 = tpu.memref_squeeze %dma_wait3A_35 : memref<1x80xf32, #tpu.memory_space<vmem>> -> memref<80xf32, #tpu.memory_space<vmem>>
    %dma_wait3A_37 = arith.constant 0 : i32
    %dma_wait3A_38 = tpu.memref_slice %arg14[%dma_wait3A_33, %dma_wait3A_37] : memref<125x80xi32, #tpu.memory_space<vmem>> -> memref<1x80xi32, #tpu.memory_space<vmem>>
    %dma_wait3A_39 = tpu.memref_squeeze %dma_wait3A_38 : memref<1x80xi32, #tpu.memory_space<vmem>> -> memref<80xi32, #tpu.memory_space<vmem>>
    %dma_wait3A_40 = arith.constant 0 : i32
    %dma_wait3A_41 = tpu.memref_slice %arg22[%dma_wait3A_40] : memref<10240xf32, #tpu.memory_space<vmem_shared>> -> memref<10240xf32, #tpu.memory_space<vmem_shared>>
    tpu.wait_indirect_dma semaphore(%arg21 : memref<!tpu.dma_semaphore, #tpu.memory_space<semaphore_mem>>) src(%dma_wait3A_36 : memref<80xf32, #tpu.memory_space<vmem>>) dst(%dma_wait3A_41 : memref<10240xf32, #tpu.memory_space<vmem_shared>>)
    %dma_wait3A_42 = arith.constant 124 : i32
    %dma_wait3A_43 = arith.constant 124 : i32
    %dma_wait3A_44 = arith.constant 0 : i32
    %dma_wait3A_45 = tpu.memref_slice %arg15[%dma_wait3A_42, %dma_wait3A_44] : memref<125x80xf32, #tpu.memory_space<vmem>> -> memref<1x80xf32, #tpu.memory_space<vmem>>
    %dma_wait3A_46 = tpu.memref_squeeze %dma_wait3A_45 : memref<1x80xf32, #tpu.memory_space<vmem>> -> memref<80xf32, #tpu.memory_space<vmem>>
    %dma_wait3A_47 = arith.constant 0 : i32
    %dma_wait3A_48 = tpu.memref_slice %arg14[%dma_wait3A_43, %dma_wait3A_47] : memref<125x80xi32, #tpu.memory_space<vmem>> -> memref<1x80xi32, #tpu.memory_space<vmem>>
    %dma_wait3A_49 = tpu.memref_squeeze %dma_wait3A_48 : memref<1x80xi32, #tpu.memory_space<vmem>> -> memref<80xi32, #tpu.memory_space<vmem>>
    %dma_wait3A_50 = arith.constant 0 : i32
    %dma_wait3A_51 = tpu.memref_slice %arg22[%dma_wait3A_50] : memref<10240xf32, #tpu.memory_space<vmem_shared>> -> memref<10240xf32, #tpu.memory_space<vmem_shared>>
    tpu.wait_indirect_dma semaphore(%arg21 : memref<!tpu.dma_semaphore, #tpu.memory_space<semaphore_mem>>) src(%dma_wait3A_46 : memref<80xf32, #tpu.memory_space<vmem>>) dst(%dma_wait3A_51 : memref<10240xf32, #tpu.memory_space<vmem_shared>>)
    %dma_start3A = arith.constant 0 : i32
    %dma_start3A_52 = arith.constant 0 : i32
    %dma_start3A_53 = arith.constant 0 : i32
    %dma_start3A_54 = arith.constant 0 : i32
    %dma_start3A_55 = tpu.memref_slice %arg16[%dma_start3A_52, %dma_start3A_53, %dma_start3A_54] : memref<2x80x64xf32, #tpu.memory_space<vmem>> -> memref<1x80x64xf32, #tpu.memory_space<vmem>>
    %dma_start3A_56 = tpu.memref_squeeze %dma_start3A_55 : memref<1x80x64xf32, #tpu.memory_space<vmem>> -> memref<80x64xf32, #tpu.memory_space<vmem>>
    %dma_start3A_57 = arith.constant 0 : i32
    %dma_start3A_58 = tpu.memref_slice %arg13[%dma_start3A, %dma_start3A_57] : memref<125x80xi32, #tpu.memory_space<vmem>> -> memref<1x80xi32, #tpu.memory_space<vmem>>
    %dma_start3A_59 = tpu.memref_squeeze %dma_start3A_58 : memref<1x80xi32, #tpu.memory_space<vmem>> -> memref<80xi32, #tpu.memory_space<vmem>>
    %dma_start3A_60 = arith.constant 0 : i32
    %dma_start3A_61 = arith.constant 0 : i32
    %dma_start3A_62 = tpu.memref_slice %arg2[%dma_start3A_60, %dma_start3A_61] : memref<10000x64xf32, #tpu.memory_space<hbm>> -> memref<10000x64xf32, #tpu.memory_space<hbm>>
    tpu.enqueue_indirect_dma source(%dma_start3A_62 : memref<10000x64xf32, #tpu.memory_space<hbm>>) target(%dma_start3A_56 : memref<80x64xf32, #tpu.memory_space<vmem>>) offsets(%dma_start3A_59 : memref<80xi32, #tpu.memory_space<vmem>>) semaphore(%arg19 : memref<!tpu.dma_semaphore, #tpu.memory_space<semaphore_mem>>)
    %scan3A_63 = arith.constant 0 : i32
    %scan3A_64 = arith.constant 0 : i32
    %scan3A_65 = arith.constant 125 : i32
    %scan3A_66 = arith.addi %scan3A_64, %scan3A_65 : i32
    %scan3A_67 = arith.constant 1 : i32
    scf.for %scan3A_153 = %scan3A_64 to %scan3A_66 step %scan3A_67  : i32 {
      %rem3A = arith.constant 2 : i32
      %rem3A_154 = arith.remsi %scan3A_153, %rem3A : i32
      %dma_wait3A_155 = arith.constant 0 : i32
      %dma_wait3A_156 = arith.constant 0 : i32
      %dma_wait3A_157 = tpu.memref_slice %arg16[%rem3A_154, %dma_wait3A_155, %dma_wait3A_156] : memref<2x80x64xf32, #tpu.memory_space<vmem>> -> memref<1x80x64xf32, #tpu.memory_space<vmem>>
      %dma_wait3A_158 = tpu.memref_squeeze %dma_wait3A_157 : memref<1x80x64xf32, #tpu.memory_space<vmem>> -> memref<80x64xf32, #tpu.memory_space<vmem>>
      %dma_wait3A_159 = arith.constant 0 : i32
      %dma_wait3A_160 = tpu.memref_slice %arg13[%scan3A_153, %dma_wait3A_159] : memref<125x80xi32, #tpu.memory_space<vmem>> -> memref<1x80xi32, #tpu.memory_space<vmem>>
      %dma_wait3A_161 = tpu.memref_squeeze %dma_wait3A_160 : memref<1x80xi32, #tpu.memory_space<vmem>> -> memref<80xi32, #tpu.memory_space<vmem>>
      %dma_wait3A_162 = arith.constant 0 : i32
      %dma_wait3A_163 = arith.constant 0 : i32
      %dma_wait3A_164 = tpu.memref_slice %arg2[%dma_wait3A_162, %dma_wait3A_163] : memref<10000x64xf32, #tpu.memory_space<hbm>> -> memref<10000x64xf32, #tpu.memory_space<hbm>>
      tpu.wait_indirect_dma semaphore(%arg19 : memref<!tpu.dma_semaphore, #tpu.memory_space<semaphore_mem>>) src(%dma_wait3A_164 : memref<10000x64xf32, #tpu.memory_space<hbm>>) dst(%dma_wait3A_158 : memref<80x64xf32, #tpu.memory_space<vmem>>)
      %ge3A = arith.constant 1 : i32
      %ge3A_165 = arith.cmpi sge, %scan3A_153, %ge3A : i32
      %convert_element_type3A_166 = arith.extui %ge3A_165 : i1 to i32
      %cond3A_167 = arith.constant 0 : i32
      %cond3A_168 = arith.cmpi ne, %convert_element_type3A_166, %cond3A_167 : i32
      scf.if %cond3A_168 {
        %sub3A = arith.constant 1 : i32
        %sub3A_192 = arith.subi %sub3A, %rem3A_154 : i32
        %sub3A_193 = arith.constant 1 : i32
        %sub3A_194 = arith.subi %scan3A_153, %sub3A_193 : i32
        %dma_wait3A_195 = arith.constant 0 : i32
        %dma_wait3A_196 = arith.constant 0 : i32
        %dma_wait3A_197 = tpu.memref_slice %arg16[%sub3A_192, %dma_wait3A_195, %dma_wait3A_196] : memref<2x80x64xf32, #tpu.memory_space<vmem>> -> memref<1x80x64xf32, #tpu.memory_space<vmem>>
        %dma_wait3A_198 = tpu.memref_squeeze %dma_wait3A_197 : memref<1x80x64xf32, #tpu.memory_space<vmem>> -> memref<80x64xf32, #tpu.memory_space<vmem>>
        %dma_wait3A_199 = arith.constant 0 : i32
        %dma_wait3A_200 = tpu.memref_slice %arg14[%sub3A_194, %dma_wait3A_199] : memref<125x80xi32, #tpu.memory_space<vmem>> -> memref<1x80xi32, #tpu.memory_space<vmem>>
        %dma_wait3A_201 = tpu.memref_squeeze %dma_wait3A_200 : memref<1x80xi32, #tpu.memory_space<vmem>> -> memref<80xi32, #tpu.memory_space<vmem>>
        %dma_wait3A_202 = arith.constant 0 : i32
        %dma_wait3A_203 = arith.constant 0 : i32
        %dma_wait3A_204 = tpu.memref_slice %arg23[%dma_wait3A_202, %dma_wait3A_203] : memref<10000x64xf32, #tpu.memory_space<vmem_shared>> -> memref<10000x64xf32, #tpu.memory_space<vmem_shared>>
        tpu.wait_indirect_dma semaphore(%arg20 : memref<!tpu.dma_semaphore, #tpu.memory_space<semaphore_mem>>) src(%dma_wait3A_198 : memref<80x64xf32, #tpu.memory_space<vmem>>) dst(%dma_wait3A_204 : memref<10000x64xf32, #tpu.memory_space<vmem_shared>>)
      } else {
      }
      %add3A_169 = arith.constant 1 : i32
      %add3A_170 = arith.addi %scan3A_153, %add3A_169 : i32
      %lt3A_171 = arith.constant 125 : i32
      %lt3A_172 = arith.cmpi slt, %add3A_170, %lt3A_171 : i32
      %convert_element_type3A_173 = arith.extui %lt3A_172 : i1 to i32
      %cond3A_174 = arith.constant 0 : i32
      %cond3A_175 = arith.cmpi ne, %convert_element_type3A_173, %cond3A_174 : i32
      scf.if %cond3A_175 {
        %add3A_192 = arith.constant 1 : i32
        %add3A_193 = arith.addi %scan3A_153, %add3A_192 : i32
        %sub3A = arith.constant 1 : i32
        %sub3A_194 = arith.subi %sub3A, %rem3A_154 : i32
        %dma_start3A_195 = arith.constant 0 : i32
        %dma_start3A_196 = arith.constant 0 : i32
        %dma_start3A_197 = tpu.memref_slice %arg16[%sub3A_194, %dma_start3A_195, %dma_start3A_196] : memref<2x80x64xf32, #tpu.memory_space<vmem>> -> memref<1x80x64xf32, #tpu.memory_space<vmem>>
        %dma_start3A_198 = tpu.memref_squeeze %dma_start3A_197 : memref<1x80x64xf32, #tpu.memory_space<vmem>> -> memref<80x64xf32, #tpu.memory_space<vmem>>
        %dma_start3A_199 = arith.constant 0 : i32
        %dma_start3A_200 = tpu.memref_slice %arg13[%add3A_193, %dma_start3A_199] : memref<125x80xi32, #tpu.memory_space<vmem>> -> memref<1x80xi32, #tpu.memory_space<vmem>>
        %dma_start3A_201 = tpu.memref_squeeze %dma_start3A_200 : memref<1x80xi32, #tpu.memory_space<vmem>> -> memref<80xi32, #tpu.memory_space<vmem>>
        %dma_start3A_202 = arith.constant 0 : i32
        %dma_start3A_203 = arith.constant 0 : i32
        %dma_start3A_204 = tpu.memref_slice %arg2[%dma_start3A_202, %dma_start3A_203] : memref<10000x64xf32, #tpu.memory_space<hbm>> -> memref<10000x64xf32, #tpu.memory_space<hbm>>
        tpu.enqueue_indirect_dma source(%dma_start3A_204 : memref<10000x64xf32, #tpu.memory_space<hbm>>) target(%dma_start3A_198 : memref<80x64xf32, #tpu.memory_space<vmem>>) offsets(%dma_start3A_201 : memref<80xi32, #tpu.memory_space<vmem>>) semaphore(%arg19 : memref<!tpu.dma_semaphore, #tpu.memory_space<semaphore_mem>>)
      } else {
      }
      %broadcast_in_dim3A = arith.constant 0 : i32
      %broadcast_in_dim3A_176 = vector.broadcast %broadcast_in_dim3A : i32 to vector<16xi32>
      %add3A_177 = vector.broadcast %scan3A_153 : i32 to vector<16xi32>
      %add3A_178 = arith.addi %broadcast_in_dim3A_176, %add3A_177 : vector<16xi32>
      %parallel_loop3A_179 = arith.constant 0 : i32
      %parallel_loop3A_180 = arith.constant 80 : i32
      %parallel_loop3A_181 = arith.constant 1 : i32
      scf.for %parallel_loop3A_192 = %parallel_loop3A_179 to %parallel_loop3A_180 step %parallel_loop3A_181  : i32 {
        %parallel_loop3A_193 = arith.constant 0 : i32
        %parallel_loop3A_194 = vector.broadcast %parallel_loop3A_193 : i32 to vector<16xi32>
        %parallel_loop3A_195 = vector.broadcast %parallel_loop3A_192 : i32 to vector<16xi32>
        %parallel_loop3A_196 = arith.addi %parallel_loop3A_194, %parallel_loop3A_195 : vector<16xi32>
        %parallel_loop3A_197 = tpu.vector_load_idx %arg15[%add3A_178, %parallel_loop3A_196] : memref<125x80xf32, #tpu.memory_space<vmem>>[vector<16xi32>, vector<16xi32>], vector<16xf32>,
        %parallel_loop3A_198 = arith.constant 0 : i32
        %parallel_loop3A_199 = arith.constant 0 : i32
        %parallel_loop3A_200 = tpu.memref_slice %arg16[%rem3A_154, %parallel_loop3A_198, %parallel_loop3A_199] : memref<2x80x64xf32, #tpu.memory_space<vmem>> -> memref<1x80x64xf32, #tpu.memory_space<vmem>>
        %parallel_loop3A_201 = tpu.memref_squeeze %parallel_loop3A_200 : memref<1x80x64xf32, #tpu.memory_space<vmem>> -> memref<80x64xf32, #tpu.memory_space<vmem>>
        %parallel_loop3A_202 = arith.index_cast %parallel_loop3A_192 : i32 to index
        %parallel_loop3A_203 = arith.constant 0 : index
        %parallel_loop3A_204 = tpu.vector_load %parallel_loop3A_201[%parallel_loop3A_202, %parallel_loop3A_203] {strides = array<i32>} : memref<80x64xf32, #tpu.memory_space<vmem>>, vector<16xf32>,
        %parallel_loop3A_205 = arith.mulf %parallel_loop3A_204, %parallel_loop3A_197 : vector<16xf32>
        %parallel_loop3A_206 = arith.constant 0 : i32
        %parallel_loop3A_207 = arith.constant 0 : i32
        %parallel_loop3A_208 = tpu.memref_slice %arg16[%rem3A_154, %parallel_loop3A_206, %parallel_loop3A_207] : memref<2x80x64xf32, #tpu.memory_space<vmem>> -> memref<1x80x64xf32, #tpu.memory_space<vmem>>
        %parallel_loop3A_209 = tpu.memref_squeeze %parallel_loop3A_208 : memref<1x80x64xf32, #tpu.memory_space<vmem>> -> memref<80x64xf32, #tpu.memory_space<vmem>>
        %parallel_loop3A_210 = arith.index_cast %parallel_loop3A_192 : i32 to index
        %parallel_loop3A_211 = arith.constant 0 : index
        %parallel_loop3A_212 = tpu.vector_load %parallel_loop3A_209[%parallel_loop3A_210, %parallel_loop3A_211] {strides = array<i32>} : memref<80x64xf32, #tpu.memory_space<vmem>>, vector<16xf32>,
        tpu.vector_store %parallel_loop3A_209[%parallel_loop3A_210, %parallel_loop3A_211], %parallel_loop3A_205 {strides = array<i32>} : memref<80x64xf32, #tpu.memory_space<vmem>>, vector<16xf32>,
        %parallel_loop3A_213 = arith.constant 0 : i32
        %parallel_loop3A_214 = arith.constant 0 : i32
        %parallel_loop3A_215 = tpu.memref_slice %arg16[%rem3A_154, %parallel_loop3A_213, %parallel_loop3A_214] : memref<2x80x64xf32, #tpu.memory_space<vmem>> -> memref<1x80x64xf32, #tpu.memory_space<vmem>>
        %parallel_loop3A_216 = tpu.memref_squeeze %parallel_loop3A_215 : memref<1x80x64xf32, #tpu.memory_space<vmem>> -> memref<80x64xf32, #tpu.memory_space<vmem>>
        %parallel_loop3A_217 = arith.index_cast %parallel_loop3A_192 : i32 to index
        %parallel_loop3A_218 = arith.constant 16 : index
        %parallel_loop3A_219 = tpu.vector_load %parallel_loop3A_216[%parallel_loop3A_217, %parallel_loop3A_218] {strides = array<i32>} : memref<80x64xf32, #tpu.memory_space<vmem>>, vector<16xf32>,
        %parallel_loop3A_220 = arith.mulf %parallel_loop3A_219, %parallel_loop3A_197 : vector<16xf32>
        %parallel_loop3A_221 = arith.constant 0 : i32
        %parallel_loop3A_222 = arith.constant 0 : i32
        %parallel_loop3A_223 = tpu.memref_slice %arg16[%rem3A_154, %parallel_loop3A_221, %parallel_loop3A_222] : memref<2x80x64xf32, #tpu.memory_space<vmem>> -> memref<1x80x64xf32, #tpu.memory_space<vmem>>
        %parallel_loop3A_224 = tpu.memref_squeeze %parallel_loop3A_223 : memref<1x80x64xf32, #tpu.memory_space<vmem>> -> memref<80x64xf32, #tpu.memory_space<vmem>>
        %parallel_loop3A_225 = arith.index_cast %parallel_loop3A_192 : i32 to index
        %parallel_loop3A_226 = arith.constant 16 : index
        %parallel_loop3A_227 = tpu.vector_load %parallel_loop3A_224[%parallel_loop3A_225, %parallel_loop3A_226] {strides = array<i32>} : memref<80x64xf32, #tpu.memory_space<vmem>>, vector<16xf32>,
        tpu.vector_store %parallel_loop3A_224[%parallel_loop3A_225, %parallel_loop3A_226], %parallel_loop3A_220 {strides = array<i32>} : memref<80x64xf32, #tpu.memory_space<vmem>>, vector<16xf32>,
        %parallel_loop3A_228 = arith.constant 0 : i32
        %parallel_loop3A_229 = arith.constant 0 : i32
        %parallel_loop3A_230 = tpu.memref_slice %arg16[%rem3A_154, %parallel_loop3A_228, %parallel_loop3A_229] : memref<2x80x64xf32, #tpu.memory_space<vmem>> -> memref<1x80x64xf32, #tpu.memory_space<vmem>>
        %parallel_loop3A_231 = tpu.memref_squeeze %parallel_loop3A_230 : memref<1x80x64xf32, #tpu.memory_space<vmem>> -> memref<80x64xf32, #tpu.memory_space<vmem>>
        %parallel_loop3A_232 = arith.index_cast %parallel_loop3A_192 : i32 to index
        %parallel_loop3A_233 = arith.constant 32 : index
        %parallel_loop3A_234 = tpu.vector_load %parallel_loop3A_231[%parallel_loop3A_232, %parallel_loop3A_233] {strides = array<i32>} : memref<80x64xf32, #tpu.memory_space<vmem>>, vector<16xf32>,
        %parallel_loop3A_235 = arith.mulf %parallel_loop3A_234, %parallel_loop3A_197 : vector<16xf32>
        %parallel_loop3A_236 = arith.constant 0 : i32
        %parallel_loop3A_237 = arith.constant 0 : i32
        %parallel_loop3A_238 = tpu.memref_slice %arg16[%rem3A_154, %parallel_loop3A_236, %parallel_loop3A_237] : memref<2x80x64xf32, #tpu.memory_space<vmem>> -> memref<1x80x64xf32, #tpu.memory_space<vmem>>
        %parallel_loop3A_239 = tpu.memref_squeeze %parallel_loop3A_238 : memref<1x80x64xf32, #tpu.memory_space<vmem>> -> memref<80x64xf32, #tpu.memory_space<vmem>>
        %parallel_loop3A_240 = arith.index_cast %parallel_loop3A_192 : i32 to index
        %parallel_loop3A_241 = arith.constant 32 : index
        %parallel_loop3A_242 = tpu.vector_load %parallel_loop3A_239[%parallel_loop3A_240, %parallel_loop3A_241] {strides = array<i32>} : memref<80x64xf32, #tpu.memory_space<vmem>>, vector<16xf32>,
        tpu.vector_store %parallel_loop3A_239[%parallel_loop3A_240, %parallel_loop3A_241], %parallel_loop3A_235 {strides = array<i32>} : memref<80x64xf32, #tpu.memory_space<vmem>>, vector<16xf32>,
        %parallel_loop3A_243 = arith.constant 0 : i32
        %parallel_loop3A_244 = arith.constant 0 : i32
        %parallel_loop3A_245 = tpu.memref_slice %arg16[%rem3A_154, %parallel_loop3A_243, %parallel_loop3A_244] : memref<2x80x64xf32, #tpu.memory_space<vmem>> -> memref<1x80x64xf32, #tpu.memory_space<vmem>>
        %parallel_loop3A_246 = tpu.memref_squeeze %parallel_loop3A_245 : memref<1x80x64xf32, #tpu.memory_space<vmem>> -> memref<80x64xf32, #tpu.memory_space<vmem>>
        %parallel_loop3A_247 = arith.index_cast %parallel_loop3A_192 : i32 to index
        %parallel_loop3A_248 = arith.constant 48 : index
        %parallel_loop3A_249 = tpu.vector_load %parallel_loop3A_246[%parallel_loop3A_247, %parallel_loop3A_248] {strides = array<i32>} : memref<80x64xf32, #tpu.memory_space<vmem>>, vector<16xf32>,
        %parallel_loop3A_250 = arith.mulf %parallel_loop3A_249, %parallel_loop3A_197 : vector<16xf32>
        %parallel_loop3A_251 = arith.constant 0 : i32
        %parallel_loop3A_252 = arith.constant 0 : i32
        %parallel_loop3A_253 = tpu.memref_slice %arg16[%rem3A_154, %parallel_loop3A_251, %parallel_loop3A_252] : memref<2x80x64xf32, #tpu.memory_space<vmem>> -> memref<1x80x64xf32, #tpu.memory_space<vmem>>
        %parallel_loop3A_254 = tpu.memref_squeeze %parallel_loop3A_253 : memref<1x80x64xf32, #tpu.memory_space<vmem>> -> memref<80x64xf32, #tpu.memory_space<vmem>>
        %parallel_loop3A_255 = arith.index_cast %parallel_loop3A_192 : i32 to index
        %parallel_loop3A_256 = arith.constant 48 : index
        %parallel_loop3A_257 = tpu.vector_load %parallel_loop3A_254[%parallel_loop3A_255, %parallel_loop3A_256] {strides = array<i32>} : memref<80x64xf32, #tpu.memory_space<vmem>>, vector<16xf32>,
        tpu.vector_store %parallel_loop3A_254[%parallel_loop3A_255, %parallel_loop3A_256], %parallel_loop3A_250 {strides = array<i32>} : memref<80x64xf32, #tpu.memory_space<vmem>>, vector<16xf32>,
      } {sc.loop_unroll_factor = 8 : i64, sc.parallel_access}
      %dma_start3A_182 = arith.constant 0 : i32
      %dma_start3A_183 = arith.constant 0 : i32
      %dma_start3A_184 = tpu.memref_slice %arg16[%rem3A_154, %dma_start3A_182, %dma_start3A_183] : memref<2x80x64xf32, #tpu.memory_space<vmem>> -> memref<1x80x64xf32, #tpu.memory_space<vmem>>
      %dma_start3A_185 = tpu.memref_squeeze %dma_start3A_184 : memref<1x80x64xf32, #tpu.memory_space<vmem>> -> memref<80x64xf32, #tpu.memory_space<vmem>>
      %dma_start3A_186 = arith.constant 0 : i32
      %dma_start3A_187 = tpu.memref_slice %arg14[%scan3A_153, %dma_start3A_186] : memref<125x80xi32, #tpu.memory_space<vmem>> -> memref<1x80xi32, #tpu.memory_space<vmem>>
      %dma_start3A_188 = tpu.memref_squeeze %dma_start3A_187 : memref<1x80xi32, #tpu.memory_space<vmem>> -> memref<80xi32, #tpu.memory_space<vmem>>
      %dma_start3A_189 = arith.constant 0 : i32
      %dma_start3A_190 = arith.constant 0 : i32
      %dma_start3A_191 = tpu.memref_slice %arg23[%dma_start3A_189, %dma_start3A_190] : memref<10000x64xf32, #tpu.memory_space<vmem_shared>> -> memref<10000x64xf32, #tpu.memory_space<vmem_shared>>
      tpu.enqueue_indirect_dma source(%dma_start3A_185 : memref<80x64xf32, #tpu.memory_space<vmem>>) target(%dma_start3A_191 : memref<10000x64xf32, #tpu.memory_space<vmem_shared>>) offsets(%dma_start3A_188 : memref<80xi32, #tpu.memory_space<vmem>>) semaphore(%arg20 : memref<!tpu.dma_semaphore, #tpu.memory_space<semaphore_mem>>) {add = true}
    }
    %scan3A_68 = arith.constant 125 : i32
    %dma_wait3A_69 = arith.constant 0 : i32
    %dma_wait3A_70 = arith.constant 124 : i32
    %dma_wait3A_71 = arith.constant 0 : i32
    %dma_wait3A_72 = arith.constant 0 : i32
    %dma_wait3A_73 = tpu.memref_slice %arg16[%dma_wait3A_69, %dma_wait3A_71, %dma_wait3A_72] : memref<2x80x64xf32, #tpu.memory_space<vmem>> -> memref<1x80x64xf32, #tpu.memory_space<vmem>>
    %dma_wait3A_74 = tpu.memref_squeeze %dma_wait3A_73 : memref<1x80x64xf32, #tpu.memory_space<vmem>> -> memref<80x64xf32, #tpu.memory_space<vmem>>
    %dma_wait3A_75 = arith.constant 0 : i32
    %dma_wait3A_76 = tpu.memref_slice %arg14[%dma_wait3A_70, %dma_wait3A_75] : memref<125x80xi32, #tpu.memory_space<vmem>> -> memref<1x80xi32, #tpu.memory_space<vmem>>
    %dma_wait3A_77 = tpu.memref_squeeze %dma_wait3A_76 : memref<1x80xi32, #tpu.memory_space<vmem>> -> memref<80xi32, #tpu.memory_space<vmem>>
    %dma_wait3A_78 = arith.constant 0 : i32
    %dma_wait3A_79 = arith.constant 0 : i32
    %dma_wait3A_80 = tpu.memref_slice %arg23[%dma_wait3A_78, %dma_wait3A_79] : memref<10000x64xf32, #tpu.memory_space<vmem_shared>> -> memref<10000x64xf32, #tpu.memory_space<vmem_shared>>
    tpu.wait_indirect_dma semaphore(%arg20 : memref<!tpu.dma_semaphore, #tpu.memory_space<semaphore_mem>>) src(%dma_wait3A_74 : memref<80x64xf32, #tpu.memory_space<vmem>>) dst(%dma_wait3A_80 : memref<10000x64xf32, #tpu.memory_space<vmem_shared>>)
    %barrier3A_81 = arith.constant 0 : index
    tpu.barrier barrier_id(%barrier3A_81)
    %mul3A_82 = arith.constant 10000 : i32
    %mul3A_83 = arith.muli %arg0, %mul3A_82 : i32
    %add3A_84 = arith.addi %mul3A_83, %multiple_of3A : i32
    %multiple_of3A_85 = tpu.assume_multiple %add3A_84, 8 : i32
    %lt3A_86 = arith.constant 15 : i32
    %lt3A_87 = arith.cmpi slt, %arg1, %lt3A_86 : i32
    %convert_element_type3A_88 = arith.extui %lt3A_87 : i1 to i32
    %cond3A_89 = arith.constant 0 : i32
    %cond3A_90 = arith.cmpi ne, %convert_element_type3A_88, %cond3A_89 : i32
    scf.if %cond3A_90 {
      "tpu.region"() ({
        %run_scoped3A = tpu.sem_alloc : memref<!tpu.dma_semaphore, #tpu.memory_space<semaphore_mem>>
        %dma_start3A_153 = arith.constant 0 : i32
        %dma_start3A_154 = tpu.memref_slice %arg9[%multiple_of3A_85, %dma_start3A_153] : memref<20000x64xf32, #tpu.memory_space<hbm>> -> memref<624x64xf32, #tpu.memory_space<hbm>>
        %dma_start3A_155 = arith.constant 0 : i32
        %dma_start3A_156 = tpu.memref_slice %arg23[%multiple_of3A, %dma_start3A_155] : memref<10000x64xf32, #tpu.memory_space<vmem_shared>> -> memref<624x64xf32, #tpu.memory_space<vmem_shared>>
        tpu.enqueue_dma source(%dma_start3A_156 : memref<624x64xf32, #tpu.memory_space<vmem_shared>>) target(%dma_start3A_154 : memref<624x64xf32, #tpu.memory_space<hbm>>) target_semaphore(%run_scoped3A : memref<!tpu.dma_semaphore, #tpu.memory_space<semaphore_mem>>)
        %dma_wait3A_157 = arith.constant 0 : i32
        %dma_wait3A_158 = tpu.memref_slice %arg9[%multiple_of3A_85, %dma_wait3A_157] : memref<20000x64xf32, #tpu.memory_space<hbm>> -> memref<624x64xf32, #tpu.memory_space<hbm>>
        %dma_wait3A_159 = arith.constant 0 : i32
        %dma_wait3A_160 = tpu.memref_slice %arg23[%multiple_of3A, %dma_wait3A_159] : memref<10000x64xf32, #tpu.memory_space<vmem_shared>> -> memref<624x64xf32, #tpu.memory_space<vmem_shared>>
        tpu.wait_dma2 semaphore(%run_scoped3A : memref<!tpu.dma_semaphore, #tpu.memory_space<semaphore_mem>>) src(%dma_wait3A_160 : memref<624x64xf32, #tpu.memory_space<vmem_shared>>) dst(%dma_wait3A_158 : memref<624x64xf32, #tpu.memory_space<hbm>>)
        tpu.yield
      }) : () -> ()
    } else {
    }
    %eq3A_91 = arith.constant 15 : i32
    %eq3A_92 = arith.cmpi eq, %arg1, %eq3A_91 : i32
    %convert_element_type3A_93 = arith.extui %eq3A_92 : i1 to i32
    %cond3A_94 = arith.constant 0 : i32
    %cond3A_95 = arith.cmpi ne, %convert_element_type3A_93, %cond3A_94 : i32
    scf.if %cond3A_95 {
      "tpu.region"() ({
        %run_scoped3A = tpu.sem_alloc : memref<!tpu.dma_semaphore, #tpu.memory_space<semaphore_mem>>
        %dma_start3A_153 = arith.constant 0 : i32
        %dma_start3A_154 = tpu.memref_slice %arg9[%multiple_of3A_85, %dma_start3A_153] : memref<20000x64xf32, #tpu.memory_space<hbm>> -> memref<640x64xf32, #tpu.memory_space<hbm>>
        %dma_start3A_155 = arith.constant 0 : i32
        %dma_start3A_156 = tpu.memref_slice %arg23[%multiple_of3A, %dma_start3A_155] : memref<10000x64xf32, #tpu.memory_space<vmem_shared>> -> memref<640x64xf32, #tpu.memory_space<vmem_shared>>
        tpu.enqueue_dma source(%dma_start3A_156 : memref<640x64xf32, #tpu.memory_space<vmem_shared>>) target(%dma_start3A_154 : memref<640x64xf32, #tpu.memory_space<hbm>>) target_semaphore(%run_scoped3A : memref<!tpu.dma_semaphore, #tpu.memory_space<semaphore_mem>>)
        %dma_wait3A_157 = arith.constant 0 : i32
        %dma_wait3A_158 = tpu.memref_slice %arg9[%multiple_of3A_85, %dma_wait3A_157] : memref<20000x64xf32, #tpu.memory_space<hbm>> -> memref<640x64xf32, #tpu.memory_space<hbm>>
        %dma_wait3A_159 = arith.constant 0 : i32
        %dma_wait3A_160 = tpu.memref_slice %arg23[%multiple_of3A, %dma_wait3A_159] : memref<10000x64xf32, #tpu.memory_space<vmem_shared>> -> memref<640x64xf32, #tpu.memory_space<vmem_shared>>
        tpu.wait_dma2 semaphore(%run_scoped3A : memref<!tpu.dma_semaphore, #tpu.memory_space<semaphore_mem>>) src(%dma_wait3A_160 : memref<640x64xf32, #tpu.memory_space<vmem_shared>>) dst(%dma_wait3A_158 : memref<640x64xf32, #tpu.memory_space<hbm>>)
        tpu.yield
      }) : () -> ()
    } else {
    }
    %eq3A_96 = arith.constant 0 : i32
    %eq3A_97 = arith.cmpi eq, %arg1, %eq3A_96 : i32
    %convert_element_type3A_98 = arith.extui %eq3A_97 : i1 to i32
    %cond3A_99 = arith.constant 0 : i32
    %cond3A_100 = arith.cmpi ne, %convert_element_type3A_98, %cond3A_99 : i32
    scf.if %cond3A_100 {
      %mul3A_153 = arith.constant 10240 : i32
      %mul3A_154 = arith.muli %arg0, %mul3A_153 : i32
      %multiple_of3A_155 = tpu.assume_multiple %mul3A_154, 8 : i32
      "tpu.region"() ({
        %run_scoped3A = tpu.sem_alloc : memref<!tpu.dma_semaphore, #tpu.memory_space<semaphore_mem>>
        %dma_start3A_156 = tpu.memref_slice %arg8[%multiple_of3A_155] : memref<20480xf32, #tpu.memory_space<hbm>> -> memref<10240xf32, #tpu.memory_space<hbm>>
        tpu.enqueue_dma source(%arg22 : memref<10240xf32, #tpu.memory_space<vmem_shared>>) target(%dma_start3A_156 : memref<10240xf32, #tpu.memory_space<hbm>>) target_semaphore(%run_scoped3A : memref<!tpu.dma_semaphore, #tpu.memory_space<semaphore_mem>>)
        %dma_wait3A_157 = tpu.memref_slice %arg8[%multiple_of3A_155] : memref<20480xf32, #tpu.memory_space<hbm>> -> memref<10240xf32, #tpu.memory_space<hbm>>
        tpu.wait_dma2 semaphore(%run_scoped3A : memref<!tpu.dma_semaphore, #tpu.memory_space<semaphore_mem>>) src(%arg22 : memref<10240xf32, #tpu.memory_space<vmem_shared>>) dst(%dma_wait3A_157 : memref<10240xf32, #tpu.memory_space<hbm>>)
        tpu.yield
      }) : () -> ()
    } else {
    }
    %lt3A_101 = arith.constant 15 : i32
    %lt3A_102 = arith.cmpi slt, %arg1, %lt3A_101 : i32
    %convert_element_type3A_103 = arith.extui %lt3A_102 : i1 to i32
    %cond3A_104 = arith.constant 0 : i32
    %cond3A_105 = arith.cmpi ne, %convert_element_type3A_103, %cond3A_104 : i32
    scf.if %cond3A_105 {
      %add3A_153 = arith.constant 0 : i32
      %add3A_154 = arith.addi %multiple_of3A, %add3A_153 : i32
      "tpu.region"() ({
        %run_scoped3A = tpu.sem_alloc : memref<!tpu.dma_semaphore, #tpu.memory_space<semaphore_mem>>
        %dma_start3A_165 = arith.constant 0 : i32
        %dma_start3A_166 = arith.constant 0 : i32
        %dma_start3A_167 = tpu.memref_slice %arg17[%dma_start3A_165, %dma_start3A_166] : memref<128x64xf32, #tpu.memory_space<vmem>> -> memref<104x64xf32, #tpu.memory_space<vmem>>
        %dma_start3A_168 = arith.constant 0 : i32
        %dma_start3A_169 = tpu.memref_slice %arg23[%add3A_154, %dma_start3A_168] : memref<10000x64xf32, #tpu.memory_space<vmem_shared>> -> memref<104x64xf32, #tpu.memory_space<vmem_shared>>
        %dma_start3A_170 = arith.constant 0 : i32
        %dma_start3A_171 = tpu.memref_slice %arg23[%add3A_154, %dma_start3A_170] : memref<10000x64xf32, #tpu.memory_space<vmem_shared>> -> memref<104x64xf32, #tpu.memory_space<vmem_shared>>
        %dma_start3A_172 = arith.constant 0 : i32
        %dma_start3A_173 = arith.constant 0 : i32
        %dma_start3A_174 = tpu.memref_slice %arg17[%dma_start3A_172, %dma_start3A_173] : memref<128x64xf32, #tpu.memory_space<vmem>> -> memref<104x64xf32, #tpu.memory_space<vmem>>
        tpu.enqueue_dma source(%dma_start3A_174 : memref<104x64xf32, #tpu.memory_space<vmem>>) target(%dma_start3A_171 : memref<104x64xf32, #tpu.memory_space<vmem_shared>>) target_semaphore(%run_scoped3A : memref<!tpu.dma_semaphore, #tpu.memory_space<semaphore_mem>>)
        %dma_wait3A_175 = arith.constant 0 : i32
        %dma_wait3A_176 = arith.constant 0 : i32
        %dma_wait3A_177 = tpu.memref_slice %arg17[%dma_wait3A_175, %dma_wait3A_176] : memref<128x64xf32, #tpu.memory_space<vmem>> -> memref<104x64xf32, #tpu.memory_space<vmem>>
        %dma_wait3A_178 = arith.constant 0 : i32
        %dma_wait3A_179 = tpu.memref_slice %arg23[%add3A_154, %dma_wait3A_178] : memref<10000x64xf32, #tpu.memory_space<vmem_shared>> -> memref<104x64xf32, #tpu.memory_space<vmem_shared>>
        %dma_wait3A_180 = arith.constant 0 : i32
        %dma_wait3A_181 = tpu.memref_slice %arg23[%add3A_154, %dma_wait3A_180] : memref<10000x64xf32, #tpu.memory_space<vmem_shared>> -> memref<104x64xf32, #tpu.memory_space<vmem_shared>>
        %dma_wait3A_182 = arith.constant 0 : i32
        %dma_wait3A_183 = arith.constant 0 : i32
        %dma_wait3A_184 = tpu.memref_slice %arg17[%dma_wait3A_182, %dma_wait3A_183] : memref<128x64xf32, #tpu.memory_space<vmem>> -> memref<104x64xf32, #tpu.memory_space<vmem>>
        tpu.wait_dma2 semaphore(%run_scoped3A : memref<!tpu.dma_semaphore, #tpu.memory_space<semaphore_mem>>) src(%dma_wait3A_184 : memref<104x64xf32, #tpu.memory_space<vmem>>) dst(%dma_wait3A_181 : memref<104x64xf32, #tpu.memory_space<vmem_shared>>)
        tpu.yield
      }) : () -> ()
      %add3A_155 = arith.constant 104 : i32
      %add3A_156 = arith.addi %multiple_of3A, %add3A_155 : i32
      "tpu.region"() ({
        %run_scoped3A = tpu.sem_alloc : memref<!tpu.dma_semaphore, #tpu.memory_space<semaphore_mem>>
        %dma_start3A_165 = arith.constant 0 : i32
        %dma_start3A_166 = arith.constant 0 : i32
        %dma_start3A_167 = tpu.memref_slice %arg17[%dma_start3A_165, %dma_start3A_166] : memref<128x64xf32, #tpu.memory_space<vmem>> -> memref<104x64xf32, #tpu.memory_space<vmem>>
        %dma_start3A_168 = arith.constant 0 : i32
        %dma_start3A_169 = tpu.memref_slice %arg23[%add3A_156, %dma_start3A_168] : memref<10000x64xf32, #tpu.memory_space<vmem_shared>> -> memref<104x64xf32, #tpu.memory_space<vmem_shared>>
        %dma_start3A_170 = arith.constant 0 : i32
        %dma_start3A_171 = tpu.memref_slice %arg23[%add3A_156, %dma_start3A_170] : memref<10000x64xf32, #tpu.memory_space<vmem_shared>> -> memref<104x64xf32, #tpu.memory_space<vmem_shared>>
        %dma_start3A_172 = arith.constant 0 : i32
        %dma_start3A_173 = arith.constant 0 : i32
        %dma_start3A_174 = tpu.memref_slice %arg17[%dma_start3A_172, %dma_start3A_173] : memref<128x64xf32, #tpu.memory_space<vmem>> -> memref<104x64xf32, #tpu.memory_space<vmem>>
        tpu.enqueue_dma source(%dma_start3A_174 : memref<104x64xf32, #tpu.memory_space<vmem>>) target(%dma_start3A_171 : memref<104x64xf32, #tpu.memory_space<vmem_shared>>) target_semaphore(%run_scoped3A : memref<!tpu.dma_semaphore, #tpu.memory_space<semaphore_mem>>)
        %dma_wait3A_175 = arith.constant 0 : i32
        %dma_wait3A_176 = arith.constant 0 : i32
        %dma_wait3A_177 = tpu.memref_slice %arg17[%dma_wait3A_175, %dma_wait3A_176] : memref<128x64xf32, #tpu.memory_space<vmem>> -> memref<104x64xf32, #tpu.memory_space<vmem>>
        %dma_wait3A_178 = arith.constant 0 : i32
        %dma_wait3A_179 = tpu.memref_slice %arg23[%add3A_156, %dma_wait3A_178] : memref<10000x64xf32, #tpu.memory_space<vmem_shared>> -> memref<104x64xf32, #tpu.memory_space<vmem_shared>>
        %dma_wait3A_180 = arith.constant 0 : i32
        %dma_wait3A_181 = tpu.memref_slice %arg23[%add3A_156, %dma_wait3A_180] : memref<10000x64xf32, #tpu.memory_space<vmem_shared>> -> memref<104x64xf32, #tpu.memory_space<vmem_shared>>
        %dma_wait3A_182 = arith.constant 0 : i32
        %dma_wait3A_183 = arith.constant 0 : i32
        %dma_wait3A_184 = tpu.memref_slice %arg17[%dma_wait3A_182, %dma_wait3A_183] : memref<128x64xf32, #tpu.memory_space<vmem>> -> memref<104x64xf32, #tpu.memory_space<vmem>>
        tpu.wait_dma2 semaphore(%run_scoped3A : memref<!tpu.dma_semaphore, #tpu.memory_space<semaphore_mem>>) src(%dma_wait3A_184 : memref<104x64xf32, #tpu.memory_space<vmem>>) dst(%dma_wait3A_181 : memref<104x64xf32, #tpu.memory_space<vmem_shared>>)
        tpu.yield
      }) : () -> ()
      %add3A_157 = arith.constant 208 : i32
      %add3A_158 = arith.addi %multiple_of3A, %add3A_157 : i32
      "tpu.region"() ({
        %run_scoped3A = tpu.sem_alloc : memref<!tpu.dma_semaphore, #tpu.memory_space<semaphore_mem>>
        %dma_start3A_165 = arith.constant 0 : i32
        %dma_start3A_166 = arith.constant 0 : i32
        %dma_start3A_167 = tpu.memref_slice %arg17[%dma_start3A_165, %dma_start3A_166] : memref<128x64xf32, #tpu.memory_space<vmem>> -> memref<104x64xf32, #tpu.memory_space<vmem>>
        %dma_start3A_168 = arith.constant 0 : i32
        %dma_start3A_169 = tpu.memref_slice %arg23[%add3A_158, %dma_start3A_168] : memref<10000x64xf32, #tpu.memory_space<vmem_shared>> -> memref<104x64xf32, #tpu.memory_space<vmem_shared>>
        %dma_start3A_170 = arith.constant 0 : i32
        %dma_start3A_171 = tpu.memref_slice %arg23[%add3A_158, %dma_start3A_170] : memref<10000x64xf32, #tpu.memory_space<vmem_shared>> -> memref<104x64xf32, #tpu.memory_space<vmem_shared>>
        %dma_start3A_172 = arith.constant 0 : i32
        %dma_start3A_173 = arith.constant 0 : i32
        %dma_start3A_174 = tpu.memref_slice %arg17[%dma_start3A_172, %dma_start3A_173] : memref<128x64xf32, #tpu.memory_space<vmem>> -> memref<104x64xf32, #tpu.memory_space<vmem>>
        tpu.enqueue_dma source(%dma_start3A_174 : memref<104x64xf32, #tpu.memory_space<vmem>>) target(%dma_start3A_171 : memref<104x64xf32, #tpu.memory_space<vmem_shared>>) target_semaphore(%run_scoped3A : memref<!tpu.dma_semaphore, #tpu.memory_space<semaphore_mem>>)
        %dma_wait3A_175 = arith.constant 0 : i32
        %dma_wait3A_176 = arith.constant 0 : i32
        %dma_wait3A_177 = tpu.memref_slice %arg17[%dma_wait3A_175, %dma_wait3A_176] : memref<128x64xf32, #tpu.memory_space<vmem>> -> memref<104x64xf32, #tpu.memory_space<vmem>>
        %dma_wait3A_178 = arith.constant 0 : i32
        %dma_wait3A_179 = tpu.memref_slice %arg23[%add3A_158, %dma_wait3A_178] : memref<10000x64xf32, #tpu.memory_space<vmem_shared>> -> memref<104x64xf32, #tpu.memory_space<vmem_shared>>
        %dma_wait3A_180 = arith.constant 0 : i32
        %dma_wait3A_181 = tpu.memref_slice %arg23[%add3A_158, %dma_wait3A_180] : memref<10000x64xf32, #tpu.memory_space<vmem_shared>> -> memref<104x64xf32, #tpu.memory_space<vmem_shared>>
        %dma_wait3A_182 = arith.constant 0 : i32
        %dma_wait3A_183 = arith.constant 0 : i32
        %dma_wait3A_184 = tpu.memref_slice %arg17[%dma_wait3A_182, %dma_wait3A_183] : memref<128x64xf32, #tpu.memory_space<vmem>> -> memref<104x64xf32, #tpu.memory_space<vmem>>
        tpu.wait_dma2 semaphore(%run_scoped3A : memref<!tpu.dma_semaphore, #tpu.memory_space<semaphore_mem>>) src(%dma_wait3A_184 : memref<104x64xf32, #tpu.memory_space<vmem>>) dst(%dma_wait3A_181 : memref<104x64xf32, #tpu.memory_space<vmem_shared>>)
        tpu.yield
      }) : () -> ()
      %add3A_159 = arith.constant 312 : i32
      %add3A_160 = arith.addi %multiple_of3A, %add3A_159 : i32
      "tpu.region"() ({
        %run_scoped3A = tpu.sem_alloc : memref<!tpu.dma_semaphore, #tpu.memory_space<semaphore_mem>>
        %dma_start3A_165 = arith.constant 0 : i32
        %dma_start3A_166 = arith.constant 0 : i32
        %dma_start3A_167 = tpu.memref_slice %arg17[%dma_start3A_165, %dma_start3A_166] : memref<128x64xf32, #tpu.memory_space<vmem>> -> memref<104x64xf32, #tpu.memory_space<vmem>>
        %dma_start3A_168 = arith.constant 0 : i32
        %dma_start3A_169 = tpu.memref_slice %arg23[%add3A_160, %dma_start3A_168] : memref<10000x64xf32, #tpu.memory_space<vmem_shared>> -> memref<104x64xf32, #tpu.memory_space<vmem_shared>>
        %dma_start3A_170 = arith.constant 0 : i32
        %dma_start3A_171 = tpu.memref_slice %arg23[%add3A_160, %dma_start3A_170] : memref<10000x64xf32, #tpu.memory_space<vmem_shared>> -> memref<104x64xf32, #tpu.memory_space<vmem_shared>>
        %dma_start3A_172 = arith.constant 0 : i32
        %dma_start3A_173 = arith.constant 0 : i32
        %dma_start3A_174 = tpu.memref_slice %arg17[%dma_start3A_172, %dma_start3A_173] : memref<128x64xf32, #tpu.memory_space<vmem>> -> memref<104x64xf32, #tpu.memory_space<vmem>>
        tpu.enqueue_dma source(%dma_start3A_174 : memref<104x64xf32, #tpu.memory_space<vmem>>) target(%dma_start3A_171 : memref<104x64xf32, #tpu.memory_space<vmem_shared>>) target_semaphore(%run_scoped3A : memref<!tpu.dma_semaphore, #tpu.memory_space<semaphore_mem>>)
        %dma_wait3A_175 = arith.constant 0 : i32
        %dma_wait3A_176 = arith.constant 0 : i32
        %dma_wait3A_177 = tpu.memref_slice %arg17[%dma_wait3A_175, %dma_wait3A_176] : memref<128x64xf32, #tpu.memory_space<vmem>> -> memref<104x64xf32, #tpu.memory_space<vmem>>
        %dma_wait3A_178 = arith.constant 0 : i32
        %dma_wait3A_179 = tpu.memref_slice %arg23[%add3A_160, %dma_wait3A_178] : memref<10000x64xf32, #tpu.memory_space<vmem_shared>> -> memref<104x64xf32, #tpu.memory_space<vmem_shared>>
        %dma_wait3A_180 = arith.constant 0 : i32
        %dma_wait3A_181 = tpu.memref_slice %arg23[%add3A_160, %dma_wait3A_180] : memref<10000x64xf32, #tpu.memory_space<vmem_shared>> -> memref<104x64xf32, #tpu.memory_space<vmem_shared>>
        %dma_wait3A_182 = arith.constant 0 : i32
        %dma_wait3A_183 = arith.constant 0 : i32
        %dma_wait3A_184 = tpu.memref_slice %arg17[%dma_wait3A_182, %dma_wait3A_183] : memref<128x64xf32, #tpu.memory_space<vmem>> -> memref<104x64xf32, #tpu.memory_space<vmem>>
        tpu.wait_dma2 semaphore(%run_scoped3A : memref<!tpu.dma_semaphore, #tpu.memory_space<semaphore_mem>>) src(%dma_wait3A_184 : memref<104x64xf32, #tpu.memory_space<vmem>>) dst(%dma_wait3A_181 : memref<104x64xf32, #tpu.memory_space<vmem_shared>>)
        tpu.yield
      }) : () -> ()
      %add3A_161 = arith.constant 416 : i32
      %add3A_162 = arith.addi %multiple_of3A, %add3A_161 : i32
      "tpu.region"() ({
        %run_scoped3A = tpu.sem_alloc : memref<!tpu.dma_semaphore, #tpu.memory_space<semaphore_mem>>
        %dma_start3A_165 = arith.constant 0 : i32
        %dma_start3A_166 = arith.constant 0 : i32
        %dma_start3A_167 = tpu.memref_slice %arg17[%dma_start3A_165, %dma_start3A_166] : memref<128x64xf32, #tpu.memory_space<vmem>> -> memref<104x64xf32, #tpu.memory_space<vmem>>
        %dma_start3A_168 = arith.constant 0 : i32
        %dma_start3A_169 = tpu.memref_slice %arg23[%add3A_162, %dma_start3A_168] : memref<10000x64xf32, #tpu.memory_space<vmem_shared>> -> memref<104x64xf32, #tpu.memory_space<vmem_shared>>
        %dma_start3A_170 = arith.constant 0 : i32
        %dma_start3A_171 = tpu.memref_slice %arg23[%add3A_162, %dma_start3A_170] : memref<10000x64xf32, #tpu.memory_space<vmem_shared>> -> memref<104x64xf32, #tpu.memory_space<vmem_shared>>
        %dma_start3A_172 = arith.constant 0 : i32
        %dma_start3A_173 = arith.constant 0 : i32
        %dma_start3A_174 = tpu.memref_slice %arg17[%dma_start3A_172, %dma_start3A_173] : memref<128x64xf32, #tpu.memory_space<vmem>> -> memref<104x64xf32, #tpu.memory_space<vmem>>
        tpu.enqueue_dma source(%dma_start3A_174 : memref<104x64xf32, #tpu.memory_space<vmem>>) target(%dma_start3A_171 : memref<104x64xf32, #tpu.memory_space<vmem_shared>>) target_semaphore(%run_scoped3A : memref<!tpu.dma_semaphore, #tpu.memory_space<semaphore_mem>>)
        %dma_wait3A_175 = arith.constant 0 : i32
        %dma_wait3A_176 = arith.constant 0 : i32
        %dma_wait3A_177 = tpu.memref_slice %arg17[%dma_wait3A_175, %dma_wait3A_176] : memref<128x64xf32, #tpu.memory_space<vmem>> -> memref<104x64xf32, #tpu.memory_space<vmem>>
        %dma_wait3A_178 = arith.constant 0 : i32
        %dma_wait3A_179 = tpu.memref_slice %arg23[%add3A_162, %dma_wait3A_178] : memref<10000x64xf32, #tpu.memory_space<vmem_shared>> -> memref<104x64xf32, #tpu.memory_space<vmem_shared>>
        %dma_wait3A_180 = arith.constant 0 : i32
        %dma_wait3A_181 = tpu.memref_slice %arg23[%add3A_162, %dma_wait3A_180] : memref<10000x64xf32, #tpu.memory_space<vmem_shared>> -> memref<104x64xf32, #tpu.memory_space<vmem_shared>>
        %dma_wait3A_182 = arith.constant 0 : i32
        %dma_wait3A_183 = arith.constant 0 : i32
        %dma_wait3A_184 = tpu.memref_slice %arg17[%dma_wait3A_182, %dma_wait3A_183] : memref<128x64xf32, #tpu.memory_space<vmem>> -> memref<104x64xf32, #tpu.memory_space<vmem>>
        tpu.wait_dma2 semaphore(%run_scoped3A : memref<!tpu.dma_semaphore, #tpu.memory_space<semaphore_mem>>) src(%dma_wait3A_184 : memref<104x64xf32, #tpu.memory_space<vmem>>) dst(%dma_wait3A_181 : memref<104x64xf32, #tpu.memory_space<vmem_shared>>)
        tpu.yield
      }) : () -> ()
      %add3A_163 = arith.constant 520 : i32
      %add3A_164 = arith.addi %multiple_of3A, %add3A_163 : i32
      "tpu.region"() ({
        %run_scoped3A = tpu.sem_alloc : memref<!tpu.dma_semaphore, #tpu.memory_space<semaphore_mem>>
        %dma_start3A_165 = arith.constant 0 : i32
        %dma_start3A_166 = arith.constant 0 : i32
        %dma_start3A_167 = tpu.memref_slice %arg17[%dma_start3A_165, %dma_start3A_166] : memref<128x64xf32, #tpu.memory_space<vmem>> -> memref<104x64xf32, #tpu.memory_space<vmem>>
        %dma_start3A_168 = arith.constant 0 : i32
        %dma_start3A_169 = tpu.memref_slice %arg23[%add3A_164, %dma_start3A_168] : memref<10000x64xf32, #tpu.memory_space<vmem_shared>> -> memref<104x64xf32, #tpu.memory_space<vmem_shared>>
        %dma_start3A_170 = arith.constant 0 : i32
        %dma_start3A_171 = tpu.memref_slice %arg23[%add3A_164, %dma_start3A_170] : memref<10000x64xf32, #tpu.memory_space<vmem_shared>> -> memref<104x64xf32, #tpu.memory_space<vmem_shared>>
        %dma_start3A_172 = arith.constant 0 : i32
        %dma_start3A_173 = arith.constant 0 : i32
        %dma_start3A_174 = tpu.memref_slice %arg17[%dma_start3A_172, %dma_start3A_173] : memref<128x64xf32, #tpu.memory_space<vmem>> -> memref<104x64xf32, #tpu.memory_space<vmem>>
        tpu.enqueue_dma source(%dma_start3A_174 : memref<104x64xf32, #tpu.memory_space<vmem>>) target(%dma_start3A_171 : memref<104x64xf32, #tpu.memory_space<vmem_shared>>) target_semaphore(%run_scoped3A : memref<!tpu.dma_semaphore, #tpu.memory_space<semaphore_mem>>)
        %dma_wait3A_175 = arith.constant 0 : i32
        %dma_wait3A_176 = arith.constant 0 : i32
        %dma_wait3A_177 = tpu.memref_slice %arg17[%dma_wait3A_175, %dma_wait3A_176] : memref<128x64xf32, #tpu.memory_space<vmem>> -> memref<104x64xf32, #tpu.memory_space<vmem>>
        %dma_wait3A_178 = arith.constant 0 : i32
        %dma_wait3A_179 = tpu.memref_slice %arg23[%add3A_164, %dma_wait3A_178] : memref<10000x64xf32, #tpu.memory_space<vmem_shared>> -> memref<104x64xf32, #tpu.memory_space<vmem_shared>>
        %dma_wait3A_180 = arith.constant 0 : i32
        %dma_wait3A_181 = tpu.memref_slice %arg23[%add3A_164, %dma_wait3A_180] : memref<10000x64xf32, #tpu.memory_space<vmem_shared>> -> memref<104x64xf32, #tpu.memory_space<vmem_shared>>
        %dma_wait3A_182 = arith.constant 0 : i32
        %dma_wait3A_183 = arith.constant 0 : i32
        %dma_wait3A_184 = tpu.memref_slice %arg17[%dma_wait3A_182, %dma_wait3A_183] : memref<128x64xf32, #tpu.memory_space<vmem>> -> memref<104x64xf32, #tpu.memory_space<vmem>>
        tpu.wait_dma2 semaphore(%run_scoped3A : memref<!tpu.dma_semaphore, #tpu.memory_space<semaphore_mem>>) src(%dma_wait3A_184 : memref<104x64xf32, #tpu.memory_space<vmem>>) dst(%dma_wait3A_181 : memref<104x64xf32, #tpu.memory_space<vmem_shared>>)
        tpu.yield
      }) : () -> ()
    } else {
    }
    %eq3A_106 = arith.constant 15 : i32
    %eq3A_107 = arith.cmpi eq, %arg1, %eq3A_106 : i32
    %convert_element_type3A_108 = arith.extui %eq3A_107 : i1 to i32
    %cond3A_109 = arith.constant 0 : i32
    %cond3A_110 = arith.cmpi ne, %convert_element_type3A_108, %cond3A_109 : i32
    scf.if %cond3A_110 {
      %add3A_153 = arith.constant 0 : i32
      %add3A_154 = arith.addi %multiple_of3A, %add3A_153 : i32
      "tpu.region"() ({
        %run_scoped3A = tpu.sem_alloc : memref<!tpu.dma_semaphore, #tpu.memory_space<semaphore_mem>>
        %dma_start3A_163 = arith.constant 0 : i32
        %dma_start3A_164 = tpu.memref_slice %arg23[%add3A_154, %dma_start3A_163] : memref<10000x64xf32, #tpu.memory_space<vmem_shared>> -> memref<128x64xf32, #tpu.memory_space<vmem_shared>>
        %dma_start3A_165 = arith.constant 0 : i32
        %dma_start3A_166 = tpu.memref_slice %arg23[%add3A_154, %dma_start3A_165] : memref<10000x64xf32, #tpu.memory_space<vmem_shared>> -> memref<128x64xf32, #tpu.memory_space<vmem_shared>>
        tpu.enqueue_dma source(%arg17 : memref<128x64xf32, #tpu.memory_space<vmem>>) target(%dma_start3A_166 : memref<128x64xf32, #tpu.memory_space<vmem_shared>>) target_semaphore(%run_scoped3A : memref<!tpu.dma_semaphore, #tpu.memory_space<semaphore_mem>>)
        %dma_wait3A_167 = arith.constant 0 : i32
        %dma_wait3A_168 = tpu.memref_slice %arg23[%add3A_154, %dma_wait3A_167] : memref<10000x64xf32, #tpu.memory_space<vmem_shared>> -> memref<128x64xf32, #tpu.memory_space<vmem_shared>>
        %dma_wait3A_169 = arith.constant 0 : i32
        %dma_wait3A_170 = tpu.memref_slice %arg23[%add3A_154, %dma_wait3A_169] : memref<10000x64xf32, #tpu.memory_space<vmem_shared>> -> memref<128x64xf32, #tpu.memory_space<vmem_shared>>
        tpu.wait_dma2 semaphore(%run_scoped3A : memref<!tpu.dma_semaphore, #tpu.memory_space<semaphore_mem>>) src(%arg17 : memref<128x64xf32, #tpu.memory_space<vmem>>) dst(%dma_wait3A_170 : memref<128x64xf32, #tpu.memory_space<vmem_shared>>)
        tpu.yield
      }) : () -> ()
      %add3A_155 = arith.constant 128 : i32
      %add3A_156 = arith.addi %multiple_of3A, %add3A_155 : i32
      "tpu.region"() ({
        %run_scoped3A = tpu.sem_alloc : memref<!tpu.dma_semaphore, #tpu.memory_space<semaphore_mem>>
        %dma_start3A_163 = arith.constant 0 : i32
        %dma_start3A_164 = tpu.memref_slice %arg23[%add3A_156, %dma_start3A_163] : memref<10000x64xf32, #tpu.memory_space<vmem_shared>> -> memref<128x64xf32, #tpu.memory_space<vmem_shared>>
        %dma_start3A_165 = arith.constant 0 : i32
        %dma_start3A_166 = tpu.memref_slice %arg23[%add3A_156, %dma_start3A_165] : memref<10000x64xf32, #tpu.memory_space<vmem_shared>> -> memref<128x64xf32, #tpu.memory_space<vmem_shared>>
        tpu.enqueue_dma source(%arg17 : memref<128x64xf32, #tpu.memory_space<vmem>>) target(%dma_start3A_166 : memref<128x64xf32, #tpu.memory_space<vmem_shared>>) target_semaphore(%run_scoped3A : memref<!tpu.dma_semaphore, #tpu.memory_space<semaphore_mem>>)
        %dma_wait3A_167 = arith.constant 0 : i32
        %dma_wait3A_168 = tpu.memref_slice %arg23[%add3A_156, %dma_wait3A_167] : memref<10000x64xf32, #tpu.memory_space<vmem_shared>> -> memref<128x64xf32, #tpu.memory_space<vmem_shared>>
        %dma_wait3A_169 = arith.constant 0 : i32
        %dma_wait3A_170 = tpu.memref_slice %arg23[%add3A_156, %dma_wait3A_169] : memref<10000x64xf32, #tpu.memory_space<vmem_shared>> -> memref<128x64xf32, #tpu.memory_space<vmem_shared>>
        tpu.wait_dma2 semaphore(%run_scoped3A : memref<!tpu.dma_semaphore, #tpu.memory_space<semaphore_mem>>) src(%arg17 : memref<128x64xf32, #tpu.memory_space<vmem>>) dst(%dma_wait3A_170 : memref<128x64xf32, #tpu.memory_space<vmem_shared>>)
        tpu.yield
      }) : () -> ()
      %add3A_157 = arith.constant 256 : i32
      %add3A_158 = arith.addi %multiple_of3A, %add3A_157 : i32
      "tpu.region"() ({
        %run_scoped3A = tpu.sem_alloc : memref<!tpu.dma_semaphore, #tpu.memory_space<semaphore_mem>>
        %dma_start3A_163 = arith.constant 0 : i32
        %dma_start3A_164 = tpu.memref_slice %arg23[%add3A_158, %dma_start3A_163] : memref<10000x64xf32, #tpu.memory_space<vmem_shared>> -> memref<128x64xf32, #tpu.memory_space<vmem_shared>>
        %dma_start3A_165 = arith.constant 0 : i32
        %dma_start3A_166 = tpu.memref_slice %arg23[%add3A_158, %dma_start3A_165] : memref<10000x64xf32, #tpu.memory_space<vmem_shared>> -> memref<128x64xf32, #tpu.memory_space<vmem_shared>>
        tpu.enqueue_dma source(%arg17 : memref<128x64xf32, #tpu.memory_space<vmem>>) target(%dma_start3A_166 : memref<128x64xf32, #tpu.memory_space<vmem_shared>>) target_semaphore(%run_scoped3A : memref<!tpu.dma_semaphore, #tpu.memory_space<semaphore_mem>>)
        %dma_wait3A_167 = arith.constant 0 : i32
        %dma_wait3A_168 = tpu.memref_slice %arg23[%add3A_158, %dma_wait3A_167] : memref<10000x64xf32, #tpu.memory_space<vmem_shared>> -> memref<128x64xf32, #tpu.memory_space<vmem_shared>>
        %dma_wait3A_169 = arith.constant 0 : i32
        %dma_wait3A_170 = tpu.memref_slice %arg23[%add3A_158, %dma_wait3A_169] : memref<10000x64xf32, #tpu.memory_space<vmem_shared>> -> memref<128x64xf32, #tpu.memory_space<vmem_shared>>
        tpu.wait_dma2 semaphore(%run_scoped3A : memref<!tpu.dma_semaphore, #tpu.memory_space<semaphore_mem>>) src(%arg17 : memref<128x64xf32, #tpu.memory_space<vmem>>) dst(%dma_wait3A_170 : memref<128x64xf32, #tpu.memory_space<vmem_shared>>)
        tpu.yield
      }) : () -> ()
      %add3A_159 = arith.constant 384 : i32
      %add3A_160 = arith.addi %multiple_of3A, %add3A_159 : i32
      "tpu.region"() ({
        %run_scoped3A = tpu.sem_alloc : memref<!tpu.dma_semaphore, #tpu.memory_space<semaphore_mem>>
        %dma_start3A_163 = arith.constant 0 : i32
        %dma_start3A_164 = tpu.memref_slice %arg23[%add3A_160, %dma_start3A_163] : memref<10000x64xf32, #tpu.memory_space<vmem_shared>> -> memref<128x64xf32, #tpu.memory_space<vmem_shared>>
        %dma_start3A_165 = arith.constant 0 : i32
        %dma_start3A_166 = tpu.memref_slice %arg23[%add3A_160, %dma_start3A_165] : memref<10000x64xf32, #tpu.memory_space<vmem_shared>> -> memref<128x64xf32, #tpu.memory_space<vmem_shared>>
        tpu.enqueue_dma source(%arg17 : memref<128x64xf32, #tpu.memory_space<vmem>>) target(%dma_start3A_166 : memref<128x64xf32, #tpu.memory_space<vmem_shared>>) target_semaphore(%run_scoped3A : memref<!tpu.dma_semaphore, #tpu.memory_space<semaphore_mem>>)
        %dma_wait3A_167 = arith.constant 0 : i32
        %dma_wait3A_168 = tpu.memref_slice %arg23[%add3A_160, %dma_wait3A_167] : memref<10000x64xf32, #tpu.memory_space<vmem_shared>> -> memref<128x64xf32, #tpu.memory_space<vmem_shared>>
        %dma_wait3A_169 = arith.constant 0 : i32
        %dma_wait3A_170 = tpu.memref_slice %arg23[%add3A_160, %dma_wait3A_169] : memref<10000x64xf32, #tpu.memory_space<vmem_shared>> -> memref<128x64xf32, #tpu.memory_space<vmem_shared>>
        tpu.wait_dma2 semaphore(%run_scoped3A : memref<!tpu.dma_semaphore, #tpu.memory_space<semaphore_mem>>) src(%arg17 : memref<128x64xf32, #tpu.memory_space<vmem>>) dst(%dma_wait3A_170 : memref<128x64xf32, #tpu.memory_space<vmem_shared>>)
        tpu.yield
      }) : () -> ()
      %add3A_161 = arith.constant 512 : i32
      %add3A_162 = arith.addi %multiple_of3A, %add3A_161 : i32
      "tpu.region"() ({
        %run_scoped3A = tpu.sem_alloc : memref<!tpu.dma_semaphore, #tpu.memory_space<semaphore_mem>>
        %dma_start3A_163 = arith.constant 0 : i32
        %dma_start3A_164 = tpu.memref_slice %arg23[%add3A_162, %dma_start3A_163] : memref<10000x64xf32, #tpu.memory_space<vmem_shared>> -> memref<128x64xf32, #tpu.memory_space<vmem_shared>>
        %dma_start3A_165 = arith.constant 0 : i32
        %dma_start3A_166 = tpu.memref_slice %arg23[%add3A_162, %dma_start3A_165] : memref<10000x64xf32, #tpu.memory_space<vmem_shared>> -> memref<128x64xf32, #tpu.memory_space<vmem_shared>>
        tpu.enqueue_dma source(%arg17 : memref<128x64xf32, #tpu.memory_space<vmem>>) target(%dma_start3A_166 : memref<128x64xf32, #tpu.memory_space<vmem_shared>>) target_semaphore(%run_scoped3A : memref<!tpu.dma_semaphore, #tpu.memory_space<semaphore_mem>>)
        %dma_wait3A_167 = arith.constant 0 : i32
        %dma_wait3A_168 = tpu.memref_slice %arg23[%add3A_162, %dma_wait3A_167] : memref<10000x64xf32, #tpu.memory_space<vmem_shared>> -> memref<128x64xf32, #tpu.memory_space<vmem_shared>>
        %dma_wait3A_169 = arith.constant 0 : i32
        %dma_wait3A_170 = tpu.memref_slice %arg23[%add3A_162, %dma_wait3A_169] : memref<10000x64xf32, #tpu.memory_space<vmem_shared>> -> memref<128x64xf32, #tpu.memory_space<vmem_shared>>
        tpu.wait_dma2 semaphore(%run_scoped3A : memref<!tpu.dma_semaphore, #tpu.memory_space<semaphore_mem>>) src(%arg17 : memref<128x64xf32, #tpu.memory_space<vmem>>) dst(%dma_wait3A_170 : memref<128x64xf32, #tpu.memory_space<vmem_shared>>)
        tpu.yield
      }) : () -> ()
    } else {
    }
    %barrier3A_111 = arith.constant 0 : index
    tpu.barrier barrier_id(%barrier3A_111)
    %dma_start3A_112 = arith.constant 0 : i32
    %dma_start3A_113 = arith.constant 0 : i32
    %dma_start3A_114 = arith.constant 0 : i32
    %dma_start3A_115 = arith.constant 0 : i32
    %dma_start3A_116 = tpu.memref_slice %arg16[%dma_start3A_113, %dma_start3A_114, %dma_start3A_115] : memref<2x80x64xf32, #tpu.memory_space<vmem>> -> memref<1x80x64xf32, #tpu.memory_space<vmem>>
    %dma_start3A_117 = tpu.memref_squeeze %dma_start3A_116 : memref<1x80x64xf32, #tpu.memory_space<vmem>> -> memref<80x64xf32, #tpu.memory_space<vmem>>
    %dma_start3A_118 = arith.constant 0 : i32
    %dma_start3A_119 = tpu.memref_slice %arg13[%dma_start3A_112, %dma_start3A_118] : memref<125x80xi32, #tpu.memory_space<vmem>> -> memref<1x80xi32, #tpu.memory_space<vmem>>
    %dma_start3A_120 = tpu.memref_squeeze %dma_start3A_119 : memref<1x80xi32, #tpu.memory_space<vmem>> -> memref<80xi32, #tpu.memory_space<vmem>>
    %dma_start3A_121 = arith.constant 0 : i32
    %dma_start3A_122 = arith.constant 0 : i32
    %dma_start3A_123 = tpu.memref_slice %arg3[%dma_start3A_121, %dma_start3A_122] : memref<10000x64xf32, #tpu.memory_space<hbm>> -> memref<10000x64xf32, #tpu.memory_space<hbm>>
    tpu.enqueue_indirect_dma source(%dma_start3A_123 : memref<10000x64xf32, #tpu.memory_space<hbm>>) target(%dma_start3A_117 : memref<80x64xf32, #tpu.memory_space<vmem>>) offsets(%dma_start3A_120 : memref<80xi32, #tpu.memory_space<vmem>>) semaphore(%arg19 : memref<!tpu.dma_semaphore, #tpu.memory_space<semaphore_mem>>)
    %scan3A_124 = arith.constant 0 : i32
    %scan3A_125 = arith.constant 0 : i32
    %scan3A_126 = arith.constant 125 : i32
    %scan3A_127 = arith.addi %scan3A_125, %scan3A_126 : i32
    %scan3A_128 = arith.constant 1 : i32
    scf.for %scan3A_153 = %scan3A_125 to %scan3A_127 step %scan3A_128  : i32 {
      %rem3A = arith.constant 2 : i32
      %rem3A_154 = arith.remsi %scan3A_153, %rem3A : i32
      %dma_wait3A_155 = arith.constant 0 : i32
      %dma_wait3A_156 = arith.constant 0 : i32
      %dma_wait3A_157 = tpu.memref_slice %arg16[%rem3A_154, %dma_wait3A_155, %dma_wait3A_156] : memref<2x80x64xf32, #tpu.memory_space<vmem>> -> memref<1x80x64xf32, #tpu.memory_space<vmem>>
      %dma_wait3A_158 = tpu.memref_squeeze %dma_wait3A_157 : memref<1x80x64xf32, #tpu.memory_space<vmem>> -> memref<80x64xf32, #tpu.memory_space<vmem>>
      %dma_wait3A_159 = arith.constant 0 : i32
      %dma_wait3A_160 = tpu.memref_slice %arg13[%scan3A_153, %dma_wait3A_159] : memref<125x80xi32, #tpu.memory_space<vmem>> -> memref<1x80xi32, #tpu.memory_space<vmem>>
      %dma_wait3A_161 = tpu.memref_squeeze %dma_wait3A_160 : memref<1x80xi32, #tpu.memory_space<vmem>> -> memref<80xi32, #tpu.memory_space<vmem>>
      %dma_wait3A_162 = arith.constant 0 : i32
      %dma_wait3A_163 = arith.constant 0 : i32
      %dma_wait3A_164 = tpu.memref_slice %arg3[%dma_wait3A_162, %dma_wait3A_163] : memref<10000x64xf32, #tpu.memory_space<hbm>> -> memref<10000x64xf32, #tpu.memory_space<hbm>>
      tpu.wait_indirect_dma semaphore(%arg19 : memref<!tpu.dma_semaphore, #tpu.memory_space<semaphore_mem>>) src(%dma_wait3A_164 : memref<10000x64xf32, #tpu.memory_space<hbm>>) dst(%dma_wait3A_158 : memref<80x64xf32, #tpu.memory_space<vmem>>)
      %ge3A = arith.constant 1 : i32
      %ge3A_165 = arith.cmpi sge, %scan3A_153, %ge3A : i32
      %convert_element_type3A_166 = arith.extui %ge3A_165 : i1 to i32
      %cond3A_167 = arith.constant 0 : i32
      %cond3A_168 = arith.cmpi ne, %convert_element_type3A_166, %cond3A_167 : i32
      scf.if %cond3A_168 {
        %sub3A = arith.constant 1 : i32
        %sub3A_192 = arith.subi %sub3A, %rem3A_154 : i32
        %sub3A_193 = arith.constant 1 : i32
        %sub3A_194 = arith.subi %scan3A_153, %sub3A_193 : i32
        %dma_wait3A_195 = arith.constant 0 : i32
        %dma_wait3A_196 = arith.constant 0 : i32
        %dma_wait3A_197 = tpu.memref_slice %arg16[%sub3A_192, %dma_wait3A_195, %dma_wait3A_196] : memref<2x80x64xf32, #tpu.memory_space<vmem>> -> memref<1x80x64xf32, #tpu.memory_space<vmem>>
        %dma_wait3A_198 = tpu.memref_squeeze %dma_wait3A_197 : memref<1x80x64xf32, #tpu.memory_space<vmem>> -> memref<80x64xf32, #tpu.memory_space<vmem>>
        %dma_wait3A_199 = arith.constant 0 : i32
        %dma_wait3A_200 = tpu.memref_slice %arg14[%sub3A_194, %dma_wait3A_199] : memref<125x80xi32, #tpu.memory_space<vmem>> -> memref<1x80xi32, #tpu.memory_space<vmem>>
        %dma_wait3A_201 = tpu.memref_squeeze %dma_wait3A_200 : memref<1x80xi32, #tpu.memory_space<vmem>> -> memref<80xi32, #tpu.memory_space<vmem>>
        %dma_wait3A_202 = arith.constant 0 : i32
        %dma_wait3A_203 = arith.constant 0 : i32
        %dma_wait3A_204 = tpu.memref_slice %arg23[%dma_wait3A_202, %dma_wait3A_203] : memref<10000x64xf32, #tpu.memory_space<vmem_shared>> -> memref<10000x64xf32, #tpu.memory_space<vmem_shared>>
        tpu.wait_indirect_dma semaphore(%arg20 : memref<!tpu.dma_semaphore, #tpu.memory_space<semaphore_mem>>) src(%dma_wait3A_198 : memref<80x64xf32, #tpu.memory_space<vmem>>) dst(%dma_wait3A_204 : memref<10000x64xf32, #tpu.memory_space<vmem_shared>>)
      } else {
      }
      %add3A_169 = arith.constant 1 : i32
      %add3A_170 = arith.addi %scan3A_153, %add3A_169 : i32
      %lt3A_171 = arith.constant 125 : i32
      %lt3A_172 = arith.cmpi slt, %add3A_170, %lt3A_171 : i32
      %convert_element_type3A_173 = arith.extui %lt3A_172 : i1 to i32
      %cond3A_174 = arith.constant 0 : i32
      %cond3A_175 = arith.cmpi ne, %convert_element_type3A_173, %cond3A_174 : i32
      scf.if %cond3A_175 {
        %add3A_192 = arith.constant 1 : i32
        %add3A_193 = arith.addi %scan3A_153, %add3A_192 : i32
        %sub3A = arith.constant 1 : i32
        %sub3A_194 = arith.subi %sub3A, %rem3A_154 : i32
        %dma_start3A_195 = arith.constant 0 : i32
        %dma_start3A_196 = arith.constant 0 : i32
        %dma_start3A_197 = tpu.memref_slice %arg16[%sub3A_194, %dma_start3A_195, %dma_start3A_196] : memref<2x80x64xf32, #tpu.memory_space<vmem>> -> memref<1x80x64xf32, #tpu.memory_space<vmem>>
        %dma_start3A_198 = tpu.memref_squeeze %dma_start3A_197 : memref<1x80x64xf32, #tpu.memory_space<vmem>> -> memref<80x64xf32, #tpu.memory_space<vmem>>
        %dma_start3A_199 = arith.constant 0 : i32
        %dma_start3A_200 = tpu.memref_slice %arg13[%add3A_193, %dma_start3A_199] : memref<125x80xi32, #tpu.memory_space<vmem>> -> memref<1x80xi32, #tpu.memory_space<vmem>>
        %dma_start3A_201 = tpu.memref_squeeze %dma_start3A_200 : memref<1x80xi32, #tpu.memory_space<vmem>> -> memref<80xi32, #tpu.memory_space<vmem>>
        %dma_start3A_202 = arith.constant 0 : i32
        %dma_start3A_203 = arith.constant 0 : i32
        %dma_start3A_204 = tpu.memref_slice %arg3[%dma_start3A_202, %dma_start3A_203] : memref<10000x64xf32, #tpu.memory_space<hbm>> -> memref<10000x64xf32, #tpu.memory_space<hbm>>
        tpu.enqueue_indirect_dma source(%dma_start3A_204 : memref<10000x64xf32, #tpu.memory_space<hbm>>) target(%dma_start3A_198 : memref<80x64xf32, #tpu.memory_space<vmem>>) offsets(%dma_start3A_201 : memref<80xi32, #tpu.memory_space<vmem>>) semaphore(%arg19 : memref<!tpu.dma_semaphore, #tpu.memory_space<semaphore_mem>>)
      } else {
      }
      %broadcast_in_dim3A = arith.constant 0 : i32
      %broadcast_in_dim3A_176 = vector.broadcast %broadcast_in_dim3A : i32 to vector<16xi32>
      %add3A_177 = vector.broadcast %scan3A_153 : i32 to vector<16xi32>
      %add3A_178 = arith.addi %broadcast_in_dim3A_176, %add3A_177 : vector<16xi32>
      %parallel_loop3A_179 = arith.constant 0 : i32
      %parallel_loop3A_180 = arith.constant 80 : i32
      %parallel_loop3A_181 = arith.constant 1 : i32
      scf.for %parallel_loop3A_192 = %parallel_loop3A_179 to %parallel_loop3A_180 step %parallel_loop3A_181  : i32 {
        %parallel_loop3A_193 = arith.constant 0 : i32
        %parallel_loop3A_194 = vector.broadcast %parallel_loop3A_193 : i32 to vector<16xi32>
        %parallel_loop3A_195 = vector.broadcast %parallel_loop3A_192 : i32 to vector<16xi32>
        %parallel_loop3A_196 = arith.addi %parallel_loop3A_194, %parallel_loop3A_195 : vector<16xi32>
        %parallel_loop3A_197 = tpu.vector_load_idx %arg15[%add3A_178, %parallel_loop3A_196] : memref<125x80xf32, #tpu.memory_space<vmem>>[vector<16xi32>, vector<16xi32>], vector<16xf32>,
        %parallel_loop3A_198 = arith.constant 0 : i32
        %parallel_loop3A_199 = arith.constant 0 : i32
        %parallel_loop3A_200 = tpu.memref_slice %arg16[%rem3A_154, %parallel_loop3A_198, %parallel_loop3A_199] : memref<2x80x64xf32, #tpu.memory_space<vmem>> -> memref<1x80x64xf32, #tpu.memory_space<vmem>>
        %parallel_loop3A_201 = tpu.memref_squeeze %parallel_loop3A_200 : memref<1x80x64xf32, #tpu.memory_space<vmem>> -> memref<80x64xf32, #tpu.memory_space<vmem>>
        %parallel_loop3A_202 = arith.index_cast %parallel_loop3A_192 : i32 to index
        %parallel_loop3A_203 = arith.constant 0 : index
        %parallel_loop3A_204 = tpu.vector_load %parallel_loop3A_201[%parallel_loop3A_202, %parallel_loop3A_203] {strides = array<i32>} : memref<80x64xf32, #tpu.memory_space<vmem>>, vector<16xf32>,
        %parallel_loop3A_205 = arith.mulf %parallel_loop3A_204, %parallel_loop3A_197 : vector<16xf32>
        %parallel_loop3A_206 = arith.constant 0 : i32
        %parallel_loop3A_207 = arith.constant 0 : i32
        %parallel_loop3A_208 = tpu.memref_slice %arg16[%rem3A_154, %parallel_loop3A_206, %parallel_loop3A_207] : memref<2x80x64xf32, #tpu.memory_space<vmem>> -> memref<1x80x64xf32, #tpu.memory_space<vmem>>
        %parallel_loop3A_209 = tpu.memref_squeeze %parallel_loop3A_208 : memref<1x80x64xf32, #tpu.memory_space<vmem>> -> memref<80x64xf32, #tpu.memory_space<vmem>>
        %parallel_loop3A_210 = arith.index_cast %parallel_loop3A_192 : i32 to index
        %parallel_loop3A_211 = arith.constant 0 : index
        %parallel_loop3A_212 = tpu.vector_load %parallel_loop3A_209[%parallel_loop3A_210, %parallel_loop3A_211] {strides = array<i32>} : memref<80x64xf32, #tpu.memory_space<vmem>>, vector<16xf32>,
        tpu.vector_store %parallel_loop3A_209[%parallel_loop3A_210, %parallel_loop3A_211], %parallel_loop3A_205 {strides = array<i32>} : memref<80x64xf32, #tpu.memory_space<vmem>>, vector<16xf32>,
        %parallel_loop3A_213 = arith.constant 0 : i32
        %parallel_loop3A_214 = arith.constant 0 : i32
        %parallel_loop3A_215 = tpu.memref_slice %arg16[%rem3A_154, %parallel_loop3A_213, %parallel_loop3A_214] : memref<2x80x64xf32, #tpu.memory_space<vmem>> -> memref<1x80x64xf32, #tpu.memory_space<vmem>>
        %parallel_loop3A_216 = tpu.memref_squeeze %parallel_loop3A_215 : memref<1x80x64xf32, #tpu.memory_space<vmem>> -> memref<80x64xf32, #tpu.memory_space<vmem>>
        %parallel_loop3A_217 = arith.index_cast %parallel_loop3A_192 : i32 to index
        %parallel_loop3A_218 = arith.constant 16 : index
        %parallel_loop3A_219 = tpu.vector_load %parallel_loop3A_216[%parallel_loop3A_217, %parallel_loop3A_218] {strides = array<i32>} : memref<80x64xf32, #tpu.memory_space<vmem>>, vector<16xf32>,
        %parallel_loop3A_220 = arith.mulf %parallel_loop3A_219, %parallel_loop3A_197 : vector<16xf32>
        %parallel_loop3A_221 = arith.constant 0 : i32
        %parallel_loop3A_222 = arith.constant 0 : i32
        %parallel_loop3A_223 = tpu.memref_slice %arg16[%rem3A_154, %parallel_loop3A_221, %parallel_loop3A_222] : memref<2x80x64xf32, #tpu.memory_space<vmem>> -> memref<1x80x64xf32, #tpu.memory_space<vmem>>
        %parallel_loop3A_224 = tpu.memref_squeeze %parallel_loop3A_223 : memref<1x80x64xf32, #tpu.memory_space<vmem>> -> memref<80x64xf32, #tpu.memory_space<vmem>>
        %parallel_loop3A_225 = arith.index_cast %parallel_loop3A_192 : i32 to index
        %parallel_loop3A_226 = arith.constant 16 : index
        %parallel_loop3A_227 = tpu.vector_load %parallel_loop3A_224[%parallel_loop3A_225, %parallel_loop3A_226] {strides = array<i32>} : memref<80x64xf32, #tpu.memory_space<vmem>>, vector<16xf32>,
        tpu.vector_store %parallel_loop3A_224[%parallel_loop3A_225, %parallel_loop3A_226], %parallel_loop3A_220 {strides = array<i32>} : memref<80x64xf32, #tpu.memory_space<vmem>>, vector<16xf32>,
        %parallel_loop3A_228 = arith.constant 0 : i32
        %parallel_loop3A_229 = arith.constant 0 : i32
        %parallel_loop3A_230 = tpu.memref_slice %arg16[%rem3A_154, %parallel_loop3A_228, %parallel_loop3A_229] : memref<2x80x64xf32, #tpu.memory_space<vmem>> -> memref<1x80x64xf32, #tpu.memory_space<vmem>>
        %parallel_loop3A_231 = tpu.memref_squeeze %parallel_loop3A_230 : memref<1x80x64xf32, #tpu.memory_space<vmem>> -> memref<80x64xf32, #tpu.memory_space<vmem>>
        %parallel_loop3A_232 = arith.index_cast %parallel_loop3A_192 : i32 to index
        %parallel_loop3A_233 = arith.constant 32 : index
        %parallel_loop3A_234 = tpu.vector_load %parallel_loop3A_231[%parallel_loop3A_232, %parallel_loop3A_233] {strides = array<i32>} : memref<80x64xf32, #tpu.memory_space<vmem>>, vector<16xf32>,
        %parallel_loop3A_235 = arith.mulf %parallel_loop3A_234, %parallel_loop3A_197 : vector<16xf32>
        %parallel_loop3A_236 = arith.constant 0 : i32
        %parallel_loop3A_237 = arith.constant 0 : i32
        %parallel_loop3A_238 = tpu.memref_slice %arg16[%rem3A_154, %parallel_loop3A_236, %parallel_loop3A_237] : memref<2x80x64xf32, #tpu.memory_space<vmem>> -> memref<1x80x64xf32, #tpu.memory_space<vmem>>
        %parallel_loop3A_239 = tpu.memref_squeeze %parallel_loop3A_238 : memref<1x80x64xf32, #tpu.memory_space<vmem>> -> memref<80x64xf32, #tpu.memory_space<vmem>>
        %parallel_loop3A_240 = arith.index_cast %parallel_loop3A_192 : i32 to index
        %parallel_loop3A_241 = arith.constant 32 : index
        %parallel_loop3A_242 = tpu.vector_load %parallel_loop3A_239[%parallel_loop3A_240, %parallel_loop3A_241] {strides = array<i32>} : memref<80x64xf32, #tpu.memory_space<vmem>>, vector<16xf32>,
        tpu.vector_store %parallel_loop3A_239[%parallel_loop3A_240, %parallel_loop3A_241], %parallel_loop3A_235 {strides = array<i32>} : memref<80x64xf32, #tpu.memory_space<vmem>>, vector<16xf32>,
        %parallel_loop3A_243 = arith.constant 0 : i32
        %parallel_loop3A_244 = arith.constant 0 : i32
        %parallel_loop3A_245 = tpu.memref_slice %arg16[%rem3A_154, %parallel_loop3A_243, %parallel_loop3A_244] : memref<2x80x64xf32, #tpu.memory_space<vmem>> -> memref<1x80x64xf32, #tpu.memory_space<vmem>>
        %parallel_loop3A_246 = tpu.memref_squeeze %parallel_loop3A_245 : memref<1x80x64xf32, #tpu.memory_space<vmem>> -> memref<80x64xf32, #tpu.memory_space<vmem>>
        %parallel_loop3A_247 = arith.index_cast %parallel_loop3A_192 : i32 to index
        %parallel_loop3A_248 = arith.constant 48 : index
        %parallel_loop3A_249 = tpu.vector_load %parallel_loop3A_246[%parallel_loop3A_247, %parallel_loop3A_248] {strides = array<i32>} : memref<80x64xf32, #tpu.memory_space<vmem>>, vector<16xf32>,
        %parallel_loop3A_250 = arith.mulf %parallel_loop3A_249, %parallel_loop3A_197 : vector<16xf32>
        %parallel_loop3A_251 = arith.constant 0 : i32
        %parallel_loop3A_252 = arith.constant 0 : i32
        %parallel_loop3A_253 = tpu.memref_slice %arg16[%rem3A_154, %parallel_loop3A_251, %parallel_loop3A_252] : memref<2x80x64xf32, #tpu.memory_space<vmem>> -> memref<1x80x64xf32, #tpu.memory_space<vmem>>
        %parallel_loop3A_254 = tpu.memref_squeeze %parallel_loop3A_253 : memref<1x80x64xf32, #tpu.memory_space<vmem>> -> memref<80x64xf32, #tpu.memory_space<vmem>>
        %parallel_loop3A_255 = arith.index_cast %parallel_loop3A_192 : i32 to index
        %parallel_loop3A_256 = arith.constant 48 : index
        %parallel_loop3A_257 = tpu.vector_load %parallel_loop3A_254[%parallel_loop3A_255, %parallel_loop3A_256] {strides = array<i32>} : memref<80x64xf32, #tpu.memory_space<vmem>>, vector<16xf32>,
        tpu.vector_store %parallel_loop3A_254[%parallel_loop3A_255, %parallel_loop3A_256], %parallel_loop3A_250 {strides = array<i32>} : memref<80x64xf32, #tpu.memory_space<vmem>>, vector<16xf32>,
      } {sc.loop_unroll_factor = 8 : i64, sc.parallel_access}
      %dma_start3A_182 = arith.constant 0 : i32
      %dma_start3A_183 = arith.constant 0 : i32
      %dma_start3A_184 = tpu.memref_slice %arg16[%rem3A_154, %dma_start3A_182, %dma_start3A_183] : memref<2x80x64xf32, #tpu.memory_space<vmem>> -> memref<1x80x64xf32, #tpu.memory_space<vmem>>
      %dma_start3A_185 = tpu.memref_squeeze %dma_start3A_184 : memref<1x80x64xf32, #tpu.memory_space<vmem>> -> memref<80x64xf32, #tpu.memory_space<vmem>>
      %dma_start3A_186 = arith.constant 0 : i32
      %dma_start3A_187 = tpu.memref_slice %arg14[%scan3A_153, %dma_start3A_186] : memref<125x80xi32, #tpu.memory_space<vmem>> -> memref<1x80xi32, #tpu.memory_space<vmem>>
      %dma_start3A_188 = tpu.memref_squeeze %dma_start3A_187 : memref<1x80xi32, #tpu.memory_space<vmem>> -> memref<80xi32, #tpu.memory_space<vmem>>
      %dma_start3A_189 = arith.constant 0 : i32
      %dma_start3A_190 = arith.constant 0 : i32
      %dma_start3A_191 = tpu.memref_slice %arg23[%dma_start3A_189, %dma_start3A_190] : memref<10000x64xf32, #tpu.memory_space<vmem_shared>> -> memref<10000x64xf32, #tpu.memory_space<vmem_shared>>
      tpu.enqueue_indirect_dma source(%dma_start3A_185 : memref<80x64xf32, #tpu.memory_space<vmem>>) target(%dma_start3A_191 : memref<10000x64xf32, #tpu.memory_space<vmem_shared>>) offsets(%dma_start3A_188 : memref<80xi32, #tpu.memory_space<vmem>>) semaphore(%arg20 : memref<!tpu.dma_semaphore, #tpu.memory_space<semaphore_mem>>) {add = true}
    }
    %scan3A_129 = arith.constant 125 : i32
    %dma_wait3A_130 = arith.constant 0 : i32
    %dma_wait3A_131 = arith.constant 124 : i32
    %dma_wait3A_132 = arith.constant 0 : i32
    %dma_wait3A_133 = arith.constant 0 : i32
    %dma_wait3A_134 = tpu.memref_slice %arg16[%dma_wait3A_130, %dma_wait3A_132, %dma_wait3A_133] : memref<2x80x64xf32, #tpu.memory_space<vmem>> -> memref<1x80x64xf32, #tpu.memory_space<vmem>>
    %dma_wait3A_135 = tpu.memref_squeeze %dma_wait3A_134 : memref<1x80x64xf32, #tpu.memory_space<vmem>> -> memref<80x64xf32, #tpu.memory_space<vmem>>
    %dma_wait3A_136 = arith.constant 0 : i32
    %dma_wait3A_137 = tpu.memref_slice %arg14[%dma_wait3A_131, %dma_wait3A_136] : memref<125x80xi32, #tpu.memory_space<vmem>> -> memref<1x80xi32, #tpu.memory_space<vmem>>
    %dma_wait3A_138 = tpu.memref_squeeze %dma_wait3A_137 : memref<1x80xi32, #tpu.memory_space<vmem>> -> memref<80xi32, #tpu.memory_space<vmem>>
    %dma_wait3A_139 = arith.constant 0 : i32
    %dma_wait3A_140 = arith.constant 0 : i32
    %dma_wait3A_141 = tpu.memref_slice %arg23[%dma_wait3A_139, %dma_wait3A_140] : memref<10000x64xf32, #tpu.memory_space<vmem_shared>> -> memref<10000x64xf32, #tpu.memory_space<vmem_shared>>
    tpu.wait_indirect_dma semaphore(%arg20 : memref<!tpu.dma_semaphore, #tpu.memory_space<semaphore_mem>>) src(%dma_wait3A_135 : memref<80x64xf32, #tpu.memory_space<vmem>>) dst(%dma_wait3A_141 : memref<10000x64xf32, #tpu.memory_space<vmem_shared>>)
    %barrier3A_142 = arith.constant 0 : index
    tpu.barrier barrier_id(%barrier3A_142)
    %lt3A_143 = arith.constant 15 : i32
    %lt3A_144 = arith.cmpi slt, %arg1, %lt3A_143 : i32
    %convert_element_type3A_145 = arith.extui %lt3A_144 : i1 to i32
    %cond3A_146 = arith.constant 0 : i32
    %cond3A_147 = arith.cmpi ne, %convert_element_type3A_145, %cond3A_146 : i32
    scf.if %cond3A_147 {
      "tpu.region"() ({
        %run_scoped3A = tpu.sem_alloc : memref<!tpu.dma_semaphore, #tpu.memory_space<semaphore_mem>>
        %dma_start3A_153 = arith.constant 0 : i32
        %dma_start3A_154 = tpu.memref_slice %arg10[%multiple_of3A_85, %dma_start3A_153] : memref<20000x64xf32, #tpu.memory_space<hbm>> -> memref<624x64xf32, #tpu.memory_space<hbm>>
        %dma_start3A_155 = arith.constant 0 : i32
        %dma_start3A_156 = tpu.memref_slice %arg23[%multiple_of3A, %dma_start3A_155] : memref<10000x64xf32, #tpu.memory_space<vmem_shared>> -> memref<624x64xf32, #tpu.memory_space<vmem_shared>>
        tpu.enqueue_dma source(%dma_start3A_156 : memref<624x64xf32, #tpu.memory_space<vmem_shared>>) target(%dma_start3A_154 : memref<624x64xf32, #tpu.memory_space<hbm>>) target_semaphore(%run_scoped3A : memref<!tpu.dma_semaphore, #tpu.memory_space<semaphore_mem>>)
        %dma_wait3A_157 = arith.constant 0 : i32
        %dma_wait3A_158 = tpu.memref_slice %arg10[%multiple_of3A_85, %dma_wait3A_157] : memref<20000x64xf32, #tpu.memory_space<hbm>> -> memref<624x64xf32, #tpu.memory_space<hbm>>
        %dma_wait3A_159 = arith.constant 0 : i32
        %dma_wait3A_160 = tpu.memref_slice %arg23[%multiple_of3A, %dma_wait3A_159] : memref<10000x64xf32, #tpu.memory_space<vmem_shared>> -> memref<624x64xf32, #tpu.memory_space<vmem_shared>>
        tpu.wait_dma2 semaphore(%run_scoped3A : memref<!tpu.dma_semaphore, #tpu.memory_space<semaphore_mem>>) src(%dma_wait3A_160 : memref<624x64xf32, #tpu.memory_space<vmem_shared>>) dst(%dma_wait3A_158 : memref<624x64xf32, #tpu.memory_space<hbm>>)
        tpu.yield
      }) : () -> ()
    } else {
    }
    %eq3A_148 = arith.constant 15 : i32
    %eq3A_149 = arith.cmpi eq, %arg1, %eq3A_148 : i32
    %convert_element_type3A_150 = arith.extui %eq3A_149 : i1 to i32
    %cond3A_151 = arith.constant 0 : i32
    %cond3A_152 = arith.cmpi ne, %convert_element_type3A_150, %cond3A_151 : i32
    scf.if %cond3A_152 {
      "tpu.region"() ({
        %run_scoped3A = tpu.sem_alloc : memref<!tpu.dma_semaphore, #tpu.memory_space<semaphore_mem>>
        %dma_start3A_153 = arith.constant 0 : i32
        %dma_start3A_154 = tpu.memref_slice %arg10[%multiple_of3A_85, %dma_start3A_153] : memref<20000x64xf32, #tpu.memory_space<hbm>> -> memref<640x64xf32, #tpu.memory_space<hbm>>
        %dma_start3A_155 = arith.constant 0 : i32
        %dma_start3A_156 = tpu.memref_slice %arg23[%multiple_of3A, %dma_start3A_155] : memref<10000x64xf32, #tpu.memory_space<vmem_shared>> -> memref<640x64xf32, #tpu.memory_space<vmem_shared>>
        tpu.enqueue_dma source(%dma_start3A_156 : memref<640x64xf32, #tpu.memory_space<vmem_shared>>) target(%dma_start3A_154 : memref<640x64xf32, #tpu.memory_space<hbm>>) target_semaphore(%run_scoped3A : memref<!tpu.dma_semaphore, #tpu.memory_space<semaphore_mem>>)
        %dma_wait3A_157 = arith.constant 0 : i32
        %dma_wait3A_158 = tpu.memref_slice %arg10[%multiple_of3A_85, %dma_wait3A_157] : memref<20000x64xf32, #tpu.memory_space<hbm>> -> memref<640x64xf32, #tpu.memory_space<hbm>>
        %dma_wait3A_159 = arith.constant 0 : i32
        %dma_wait3A_160 = tpu.memref_slice %arg23[%multiple_of3A, %dma_wait3A_159] : memref<10000x64xf32, #tpu.memory_space<vmem_shared>> -> memref<640x64xf32, #tpu.memory_space<vmem_shared>>
        tpu.wait_dma2 semaphore(%run_scoped3A : memref<!tpu.dma_semaphore, #tpu.memory_space<semaphore_mem>>) src(%dma_wait3A_160 : memref<640x64xf32, #tpu.memory_space<vmem_shared>>) dst(%dma_wait3A_158 : memref<640x64xf32, #tpu.memory_space<hbm>>)
        tpu.yield
      }) : () -> ()
    } else {
    }
    return
  }
}

module attributes {stable_mosaic.version = 14 : i64} {
  func.func @_k1_body(%arg0: i32, %arg1: memref<2000x128xf32, #tpu.memory_space<vmem>>, %arg2: memref<128x128xf32, #tpu.memory_space<vmem>>, %arg3: memref<128x128xf32, #tpu.memory_space<vmem>>, %arg4: memref<2000x64xf32, #tpu.memory_space<vmem>>, %arg5: memref<2000x64xf32, #tpu.memory_space<vmem>>, %arg6: memref<2000x128xf32, #tpu.memory_space<vmem>>) attributes {dimension_semantics = [#tpu.dimension_semantics<arbitrary>], iteration_bounds = array<i64: 5>, scalar_prefetch = 0 : i64, scratch_operands = 0 : i64, tpu.core_type = #tpu.core_type<tc>, window_params = [{transform_indices = @transform_0, window_bounds = array<i64: 2000, 128>}, {pipeline_mode = #tpu.pipeline_mode<synchronous>, transform_indices = @transform_1, window_bounds = array<i64: 128, 128>}, {pipeline_mode = #tpu.pipeline_mode<synchronous>, transform_indices = @transform_2, window_bounds = array<i64: 128, 128>}, {transform_indices = @transform_3, window_bounds = array<i64: 2000, 64>}, {transform_indices = @transform_4, window_bounds = array<i64: 2000, 64>}, {transform_indices = @transform_5, window_bounds = array<i64: 2000, 128>}]} {
    %get3A = arith.constant 0 : index
    %get3A_0 = arith.constant 0 : index
    %get3A_1 = vector.load %arg1[%get3A, %get3A_0] : memref<2000x128xf32, #tpu.memory_space<vmem>>, vector<2000x128xf32>
    %get3A_2 = arith.constant 0 : index
    %get3A_3 = arith.constant 0 : index
    %get3A_4 = vector.load %arg2[%get3A_2, %get3A_3] : memref<128x128xf32, #tpu.memory_space<vmem>>, vector<128x128xf32>
    %dot_general3A = arith.constant dense<0.000000e+00> : vector<2000x128xf32>
    %dot_general3A_5 = tpu.matmul %get3A_1, %get3A_4, %dot_general3A {dimension_numbers = #tpu.dot_dimension_numbers<[1], [0], [0], [1], [0, 0, 1, 1], [], []>, transpose_lhs_hint = false} : vector<2000x128xf32>, vector<128x128xf32>, vector<2000x128xf32> -> vector<2000x128xf32>
    %slice3A = vector.extract_strided_slice %dot_general3A_5 {offsets = [0, 0], sizes = [2000, 64], strides = [1, 1]} : vector<2000x128xf32> to vector<2000x64xf32>
    %swap3A = arith.constant 0 : index
    %swap3A_6 = arith.constant 0 : index
    %swap3A_7 = vector.load %arg4[%swap3A, %swap3A_6] : memref<2000x64xf32, #tpu.memory_space<vmem>>, vector<2000x64xf32>
    tpu.vector_store %arg4[%swap3A, %swap3A_6], %slice3A {strides = array<i32>} : memref<2000x64xf32, #tpu.memory_space<vmem>>, vector<2000x64xf32>,
    %slice3A_8 = vector.extract_strided_slice %dot_general3A_5 {offsets = [0, 64], sizes = [2000, 64], strides = [1, 1]} : vector<2000x128xf32> to vector<2000x64xf32>
    %swap3A_9 = arith.constant 0 : index
    %swap3A_10 = arith.constant 0 : index
    %swap3A_11 = vector.load %arg5[%swap3A_9, %swap3A_10] : memref<2000x64xf32, #tpu.memory_space<vmem>>, vector<2000x64xf32>
    tpu.vector_store %arg5[%swap3A_9, %swap3A_10], %slice3A_8 {strides = array<i32>} : memref<2000x64xf32, #tpu.memory_space<vmem>>, vector<2000x64xf32>,
    %get3A_12 = arith.constant 0 : index
    %get3A_13 = arith.constant 0 : index
    %get3A_14 = vector.load %arg3[%get3A_12, %get3A_13] : memref<128x128xf32, #tpu.memory_space<vmem>>, vector<128x128xf32>
    %dot_general3A_15 = arith.constant dense<0.000000e+00> : vector<2000x128xf32>
    %dot_general3A_16 = tpu.matmul %dot_general3A_5, %get3A_14, %dot_general3A_15 {dimension_numbers = #tpu.dot_dimension_numbers<[1], [0], [0], [1], [0, 0, 1, 1], [], []>, transpose_lhs_hint = false} : vector<2000x128xf32>, vector<128x128xf32>, vector<2000x128xf32> -> vector<2000x128xf32>
    %swap3A_17 = arith.constant 0 : index
    %swap3A_18 = arith.constant 0 : index
    %swap3A_19 = vector.load %arg6[%swap3A_17, %swap3A_18] : memref<2000x128xf32, #tpu.memory_space<vmem>>, vector<2000x128xf32>
    tpu.vector_store %arg6[%swap3A_17, %swap3A_18], %dot_general3A_16 {strides = array<i32>} : memref<2000x128xf32, #tpu.memory_space<vmem>>, vector<2000x128xf32>,
    return
  }
  func.func @transform_0(%arg0: i32) -> (i32, i32) {
    %c0_i32 = arith.constant 0 : i32
    %c0_i32_0 = arith.constant 0 : i32
    return %arg0, %c0_i32 : i32, i32
  }
  func.func @transform_1(%arg0: i32) -> (i32, i32) {
    %c0_i32 = arith.constant 0 : i32
    %c0_i32_0 = arith.constant 0 : i32
    %c0_i32_1 = arith.constant 0 : i32
    return %c0_i32, %c0_i32_0 : i32, i32
  }
  func.func @transform_2(%arg0: i32) -> (i32, i32) {
    %c0_i32 = arith.constant 0 : i32
    %c0_i32_0 = arith.constant 0 : i32
    %c0_i32_1 = arith.constant 0 : i32
    return %c0_i32, %c0_i32_0 : i32, i32
  }
  func.func @transform_3(%arg0: i32) -> (i32, i32) {
    %c0_i32 = arith.constant 0 : i32
    %c0_i32_0 = arith.constant 0 : i32
    return %arg0, %c0_i32 : i32, i32
  }
  func.func @transform_4(%arg0: i32) -> (i32, i32) {
    %c0_i32 = arith.constant 0 : i32
    %c0_i32_0 = arith.constant 0 : i32
    return %arg0, %c0_i32 : i32, i32
  }
  func.func @transform_5(%arg0: i32) -> (i32, i32) {
    %c0_i32 = arith.constant 0 : i32
    %c0_i32_0 = arith.constant 0 : i32
    return %arg0, %c0_i32 : i32, i32
  }
}

module attributes {stable_mosaic.version = 14 : i64} {
  func.func @_k3_body(%arg0: i32, %arg1: memref<2000x64xf32, #tpu.memory_space<vmem>>, %arg2: memref<2000x64xf32, #tpu.memory_space<vmem>>, %arg3: memref<2000x64xf32, #tpu.memory_space<vmem>>, %arg4: memref<2000x64xf32, #tpu.memory_space<vmem>>, %arg5: memref<2000x1xf32, #tpu.memory_space<vmem>>, %arg6: memref<2000x1xf32, #tpu.memory_space<vmem>>, %arg7: memref<2000x128xf32, #tpu.memory_space<vmem>>) attributes {dimension_semantics = [#tpu.dimension_semantics<arbitrary>], iteration_bounds = array<i64: 5>, scalar_prefetch = 0 : i64, scratch_operands = 0 : i64, tpu.core_type = #tpu.core_type<tc>, window_params = [{transform_indices = @transform_0, window_bounds = array<i64: 2000, 64>}, {transform_indices = @transform_1, window_bounds = array<i64: 2000, 64>}, {transform_indices = @transform_2, window_bounds = array<i64: 2000, 64>}, {transform_indices = @transform_3, window_bounds = array<i64: 2000, 64>}, {transform_indices = @transform_4, window_bounds = array<i64: 2000, 1>}, {transform_indices = @transform_5, window_bounds = array<i64: 2000, 1>}, {transform_indices = @transform_6, window_bounds = array<i64: 2000, 128>}]} {
    %get3A = arith.constant 0 : index
    %get3A_0 = arith.constant 0 : index
    %get3A_1 = vector.load %arg5[%get3A, %get3A_0] : memref<2000x1xf32, #tpu.memory_space<vmem>>, vector<2000x1xf32>
    %get3A_2 = arith.constant 0 : index
    %get3A_3 = arith.constant 0 : index
    %get3A_4 = vector.load %arg6[%get3A_2, %get3A_3] : memref<2000x1xf32, #tpu.memory_space<vmem>>, vector<2000x1xf32>
    %add3A = arith.addf %get3A_1, %get3A_4 : vector<2000x1xf32>
    %gt3A = arith.constant 0.000000e+00 : f32
    %gt3A_5 = vector.broadcast %gt3A : f32 to vector<2000x1xf32>
    %gt3A_6 = arith.cmpf ogt, %add3A, %gt3A_5 : vector<2000x1xf32>
    %jit3A = arith.constant 1.000000e+00 : f32
    %broadcast_in_dim3A = vector.broadcast %jit3A : f32 to vector<2000x1xf32>
    %select_n3A = arith.select %gt3A_6, %add3A, %broadcast_in_dim3A : vector<2000x1xi1>, vector<2000x1xf32>
    %div3A = arith.constant 1.000000e+00 : f32
    %div3A_7 = vector.broadcast %div3A : f32 to vector<2000x1xf32>
    %div3A_8 = arith.divf %div3A_7, %select_n3A : vector<2000x1xf32>
    %get3A_9 = arith.constant 0 : index
    %get3A_10 = arith.constant 0 : index
    %get3A_11 = vector.load %arg1[%get3A_9, %get3A_10] : memref<2000x64xf32, #tpu.memory_space<vmem>>, vector<2000x64xf32>
    %get3A_12 = arith.constant 0 : index
    %get3A_13 = arith.constant 0 : index
    %get3A_14 = vector.load %arg2[%get3A_12, %get3A_13] : memref<2000x64xf32, #tpu.memory_space<vmem>>, vector<2000x64xf32>
    %add3A_15 = arith.addf %get3A_11, %get3A_14 : vector<2000x64xf32>
    %mul3A = vector.broadcast %div3A_8 : vector<2000x1xf32> to vector<2000x64xf32>
    %mul3A_16 = arith.mulf %add3A_15, %mul3A : vector<2000x64xf32>
    %swap3A = arith.constant 0 : index
    %swap3A_17 = arith.constant 0 : index
    %swap3A_18 = vector.load %arg7[%swap3A, %swap3A_17] : memref<2000x128xf32, #tpu.memory_space<vmem>>, vector<2000x64xf32>
    tpu.vector_store %arg7[%swap3A, %swap3A_17], %mul3A_16 {strides = array<i32>} : memref<2000x128xf32, #tpu.memory_space<vmem>>, vector<2000x64xf32>,
    %get3A_19 = arith.constant 0 : index
    %get3A_20 = arith.constant 0 : index
    %get3A_21 = vector.load %arg3[%get3A_19, %get3A_20] : memref<2000x64xf32, #tpu.memory_space<vmem>>, vector<2000x64xf32>
    %get3A_22 = arith.constant 0 : index
    %get3A_23 = arith.constant 0 : index
    %get3A_24 = vector.load %arg4[%get3A_22, %get3A_23] : memref<2000x64xf32, #tpu.memory_space<vmem>>, vector<2000x64xf32>
    %add3A_25 = arith.addf %get3A_21, %get3A_24 : vector<2000x64xf32>
    %mul3A_26 = vector.broadcast %div3A_8 : vector<2000x1xf32> to vector<2000x64xf32>
    %mul3A_27 = arith.mulf %add3A_25, %mul3A_26 : vector<2000x64xf32>
    %swap3A_28 = arith.constant 0 : index
    %swap3A_29 = arith.constant 64 : index
    %swap3A_30 = vector.load %arg7[%swap3A_28, %swap3A_29] : memref<2000x128xf32, #tpu.memory_space<vmem>>, vector<2000x64xf32>
    tpu.vector_store %arg7[%swap3A_28, %swap3A_29], %mul3A_27 {strides = array<i32>} : memref<2000x128xf32, #tpu.memory_space<vmem>>, vector<2000x64xf32>,
    return
  }
  func.func @transform_0(%arg0: i32) -> (i32, i32) {
    %c0_i32 = arith.constant 0 : i32
    %c0_i32_0 = arith.constant 0 : i32
    return %arg0, %c0_i32 : i32, i32
  }
  func.func @transform_1(%arg0: i32) -> (i32, i32) {
    %add3A = arith.constant 5 : i32
    %add3A_0 = arith.addi %arg0, %add3A : i32
    %c0_i32 = arith.constant 0 : i32
    %c0_i32_1 = arith.constant 0 : i32
    return %add3A_0, %c0_i32 : i32, i32
  }
  func.func @transform_2(%arg0: i32) -> (i32, i32) {
    %c0_i32 = arith.constant 0 : i32
    %c0_i32_0 = arith.constant 0 : i32
    return %arg0, %c0_i32 : i32, i32
  }
  func.func @transform_3(%arg0: i32) -> (i32, i32) {
    %add3A = arith.constant 5 : i32
    %add3A_0 = arith.addi %arg0, %add3A : i32
    %c0_i32 = arith.constant 0 : i32
    %c0_i32_1 = arith.constant 0 : i32
    return %add3A_0, %c0_i32 : i32, i32
  }
  func.func @transform_4(%arg0: i32) -> (i32, i32) {
    %c0_i32 = arith.constant 0 : i32
    %c0_i32_0 = arith.constant 0 : i32
    return %arg0, %c0_i32 : i32, i32
  }
  func.func @transform_5(%arg0: i32) -> (i32, i32) {
    %c0_i32 = arith.constant 0 : i32
    %c0_i32_0 = arith.constant 0 : i32
    return %arg0, %c0_i32 : i32, i32
  }
  func.func @transform_6(%arg0: i32) -> (i32, i32) {
    %c0_i32 = arith.constant 0 : i32
    %c0_i32_0 = arith.constant 0 : i32
    return %arg0, %c0_i32 : i32, i32
  }
}

</mosaic_0001>

<sc_bundles>
// kernel: kernel.5.cloned.1.call-start
scs
__scs_entry_jumppad:
0x0: {  	(pc) =	sbr.rel $0x88, $3  }
0x1: {  	(tag) =	ssettag $0x0;
	lr =	simm.s32 $0x1  }
0x2: {  	[smem:$0x3F9D] =	sst lr;
	_ =	strace $0xD0000000  }
0x3: {  	_ = 	snop  }
0x4: {  	_ = 	snop  }
0x5: {  	_ = 	snop  }
0x6: {  	_ = 	snop  }
0x7: {  	_ = 	snop  }
__scs_overlays_trampoline_lowered:
0x8: {  	[smem:$0x3FAC] =	sst s0  }
0x9: {  	[smem:$0x3FAD] =	sst s1  }
0xa: {  	[smem:$0x3FAE] =	sst s2  }
0xb: {  	[smem:$0x3FAF] =	sst s3  }
0xc: {  	[smem:$0x3FB0] =	sst s4  }
0xd: {  	[smem:$0x3FB1] =	sst s5  }
0xe: {  	[smem:$0x3FB2] =	sst s6  }
0xf: {  	[smem:$0x3FB3] =	sst s7  }
0x10: {  	[smem:$0x3FB4] =	sst s8  }
0x11: {  	[smem:$0x3FB5] =	sst s9;
	s0 =	simm.s32 @!p0 $0x0  }
0x12: {  	s1 =	sld [smem:$0x3F9B];
	s0 =	simm.s32 @p0 $0x1  }
0x13: {  	[smem:$0x3FB6] =	sst s0;
	s0 =	simm.s32 @!p1 $0x0  }
0x14: {  	s2 =	sld [smem:$0x3F9A];
	s0 =	simm.s32 @p1 $0x1  }
0x15: {  	[smem:$0x3FB7] =	sst s0;
	s0 =	simm.s32 @!p2 $0x0  }
0x16: {  	s3 =	sld [smem:$0x3FDB];
	s0 =	simm.s32 @p2 $0x1  }
0x17: {  	s4 =	simm.s32 $0x1BF5;
	[smem:$0x3FB9] =	sst s0  }
0x18: {  	s0 =	sld [smem:$0x3F9C];
	_ =	swait.ge [sflag:s4], $0x0  }
0x19: {  	s7 =	sld [smem:$0x3F9D]  }
0x1a: {  	s8 =	sadd.s32 $0xFFFFE003, lr  }
0x1b: {  	s9 =	sadd.s32 $0xFFFFFEF7, lr;
	s5 =	simm.s32 $0xFFFFFFFF;
	p2 =	slt.u32 s8, $0xFFFFF086  }
0x1c: {  	p1 =	slt.u32 s9, $0xF7A;
	s5 =	simm.s32 @!p2 $0x0  }
0x1d: {  	s5 =	simm.s32 @p1 $0x1;
	p0 =	seq.s32 s7, s2  }
0x1e: {  	s7 =	smul.u32 @!p0 $0xF7A, s2;
	p2 =	seq.s32 @!p0 s5, $0x0  }
0x1f: {  	s9 =	smul.u32 $0xF7A, s1;
	s8 =	simm.s32 @!p0 $0x1BF5;
	p2 =	por !p2, p0  }
0x20: {  	[sflag:s8] =	ssyncset.s32 @!p0 $0xFFFFF086;
	s6 =	sadd.s32 @!p0 s3, s7;
	s7 =	simm.s32 @!p0 $0x108  }
0x21: {  	s3 =	sadd.s32 s3, s9;
	s6 =	sadd.s32 @!p0 $0x88, s6;
	s7 =	simm.s32 @p2 $0x1082  }
0x22: {  	[simem:s7], [sflag:s8] =	dma.local @!p0 [hbm:s6], $0xF7A  }
0x23: {  	s9 =	sor.u32 $0xD0000000, s2;
	s6 =	simm.s32 $0x108;
	_ =	swait.ge @!p0 [sflag:s8], $0x0  }
0x24: {  	s3 =	sadd.s32 $0x88, s3;
	s6 =	simm.s32 @!p1 $0x1082;
	[sflag:s4] =	ssyncset.s32 $0xFFFFF086  }
0x25: {  	[simem:s6], [sflag:s4] =	dma.local [hbm:s3], $0xF7A  }
0x26: {  	[smem:$0x3F9D] =	sst s1;
	(tag) =	ssettag s2;
	_ =	strace s9  }
0x27: {  	s1 =	sld [smem:$0x3FAD]  }
0x28: {  	s2 =	sld [smem:$0x3FAE]  }
0x29: {  	s4 =	sld [smem:$0x3FB0]  }
0x2a: {  	p0 =	seq.s32 s5, $0x0;
	s5 =	sld [smem:$0x3FB1]  }
0x2b: {  	s6 =	sld [smem:$0x3FB2]  }
0x2c: {  	s7 =	sld [smem:$0x3FB3]  }
0x2d: {  	s3 =	simm.s32 $0x108;
	s8 =	sld [smem:$0x3FB4]  }
0x2e: {  	s3 =	simm.s32 @!p0 $0x1082;
	s9 =	sld [smem:$0x3FB5]  }
0x2f: {  	lr =	sadd.s32 s0, s3;
	s0 =	sld [smem:$0x3FAC]  }
0x30: {  	s3 =	sld [smem:$0x3FAF]  }
0x31: {  	[smem:$0x3FB8] =	sst s10  }
0x32: {  	s10 =	sld [smem:$0x3FB6];
	_ =	sdelay $0x3  }
0x33: {  	p0 =	seq.s32 s10, $0x1;
	s10 =	sld [smem:$0x3FB8];
	_ =	sdelay $0x3  }
0x34: {  	[smem:$0x3FB8] =	sst s10  }
0x35: {  	s10 =	sld [smem:$0x3FB7];
	_ =	sdelay $0x3  }
0x36: {  	p1 =	seq.s32 s10, $0x1;
	s10 =	sld [smem:$0x3FB8];
	_ =	sdelay $0x3  }
0x37: {  	[smem:$0x3FB8] =	sst s10  }
0x38: {  	s10 =	sld [smem:$0x3FB9]  }
0x39: {  	_ = 	snop;
	(pc) =	sbr.ind lr, $3  }
0x3a: {  	_ = 	snop  }
0x3b: {  	_ = 	snop  }
0x3c: {  	p2 =	seq.s32 s10, $0x1;
	s10 =	sld [smem:$0x3FB8]  }
0x3d: {  	_ =	shalt  }
0x3e: {  	_ =	shalt  }
0x3f: {  	_ =	shalt  }
0x40: {  	_ =	shalt  }
0x41: {  	_ =	shalt  }
0x42: {  	_ =	shalt  }
0x43: {  	_ =	shalt  }
0x44: {  	_ =	shalt  }
0x45: {  	_ =	shalt  }
0x46: {  	_ =	shalt  }
0x47: {  	_ =	shalt  }
0x48: {  	_ =	shalt  }
0x49: {  	_ =	shalt  }
0x4a: {  	_ =	shalt  }
0x4b: {  	_ =	shalt  }
0x4c: {  	_ =	shalt  }
0x4d: {  	_ =	shalt  }
0x4e: {  	_ =	shalt  }
0x4f: {  	_ =	shalt  }
0x50: {  	_ =	shalt  }
0x51: {  	_ =	shalt  }
0x52: {  	_ =	shalt  }
0x53: {  	_ =	shalt  }
0x54: {  	_ =	shalt  }
0x55: {  	_ =	shalt  }
0x56: {  	_ =	shalt  }
0x57: {  	_ =	shalt  }
0x58: {  	_ =	shalt  }
0x59: {  	_ =	shalt  }
0x5a: {  	_ =	shalt  }
0x5b: {  	_ =	shalt  }
0x5c: {  	_ =	shalt  }
0x5d: {  	_ =	shalt  }
0x5e: {  	_ =	shalt  }
0x5f: {  	_ =	shalt  }
0x60: {  	_ =	shalt  }
0x61: {  	_ =	shalt  }
0x62: {  	_ =	shalt  }
0x63: {  	_ =	shalt  }
0x64: {  	_ =	shalt  }
0x65: {  	_ =	shalt  }
0x66: {  	_ =	shalt  }
0x67: {  	_ =	shalt  }
0x68: {  	_ =	shalt  }
0x69: {  	_ =	shalt  }
0x6a: {  	_ =	shalt  }
0x6b: {  	_ =	shalt  }
0x6c: {  	_ =	shalt  }
0x6d: {  	_ =	shalt  }
0x6e: {  	_ =	shalt  }
0x6f: {  	_ =	shalt  }
0x70: {  	_ =	shalt  }
0x71: {  	_ =	shalt  }
0x72: {  	_ =	shalt  }
0x73: {  	_ =	shalt  }
0x74: {  	_ =	shalt  }
0x75: {  	_ =	shalt  }
0x76: {  	_ =	shalt  }
0x77: {  	_ =	shalt  }
0x78: {  	_ =	shalt  }
0x79: {  	_ =	shalt  }
0x7a: {  	_ =	shalt  }
0x7b: {  	_ =	shalt  }
0x7c: {  	_ =	shalt  }
0x7d: {  	_ =	shalt  }
0x7e: {  	_ =	shalt  }
0x7f: {  	_ =	shalt  }
0x80: {  	_ =	shalt  }
0x81: {  	_ =	shalt  }
0x82: {  	_ =	shalt  }
0x83: {  	_ =	shalt  }
0x84: {  	_ =	shalt  }
0x85: {  	_ =	shalt  }
0x86: {  	_ =	shalt  }
0x87: {  	_ =	shalt  }
.Lfunc_end0:
.L_simem_size_0:
called_computation_lowered:
.L_overlay_start_0:
0x88: {  	s2 =	sld [smem:$0x3FD9]  }
0x89: {  	s3 =	sld [smem:$0x3FFE];
	_ =	sdelay $0x1  }
0x8a: {  	s1 =	srdreg.scid  }
0x8b: {  	s0 =	sand.u32 $0x1, s1  }
0x8c: {  	s17 =	sshll.u32 s0, $0xA;
	s2 =	sadd.s32 s3, s2  }
0x8d: {  	s2 =	sadd.s32 s2, s17  }
0x8e: {  	[smem:$0x3FC4] =	sst s2  }
0x8f: {  	_ = 	snop  }
0x90: {  	s2 =	sld [smem:$0x3FD0];
	(tm) =	ssettm $0x1  }
0x91: {  	s18 =	sld [smem:$0x3FFB];
	_ =	sdelay $0x3  }
0x92: {  	_ =	strace s18  }
0x93: {  	s3 =	sld [smem:$0x3FFC];
	_ =	sdelay $0x3  }
0x94: {  	_ =	strace s3  }
0x95: {  	s3 =	sld [smem:$0x3FFD];
	_ =	sdelay $0x3  }
0x96: {  	_ =	strace s3  }
0x97: {  	_ =	strace $0x8FFFFFFF  }
0x98: {  	s19 =	sld [smem:$0x3FDB];
	_ =	sdelay $0x1  }
0x99: {  	s4 =	simm.s32 $_scs_section_size  }
0x9a: {  	s5 =	simm.s32 $_size__tile_overlayer_lowered;
	s6 =	simm.s32 $_tile_overlayer_lowered  }
0x9b: {  	s22 =	simm.s32 $0x1BFF;
	s21 =	sshll.u32 s6, $0x1;
	s3 =	sadd.s32 s4, s19  }
0x9c: {  	s7 =	simm.s32 $0x0;
	s20 =	sshll.u32 s5, $0x1;
	s5 =	sadd.s32 s21, s3  }
0x9d: {  	[timem:s7], [sflag:s22] =	dma.local [hbm:s5], s20  }
0x9e: {  	_ =	swait.ge [sflag:s22], s20  }
0x9f: {  	s4 =	ssub.s32 $0x0, s20;
	[sflag:s22] =	ssyncset.done $0x0  }
0xa0: {  	[sflag:s22] =	ssyncadd.s32 s4;
	_ =	sdelay $0x1  }
0xa1: {  	s23 =	simm.s32 $0x1B8B  }
0xa2: {  	_ =	swait.ge [sflag:s23], $0x1  }
0xa3: {  	[sflag:s23] =	ssyncset.done $0x0  }
0xa4: {  	s25 =	simm.s32 $0x1B8E;
	s24 =	sld [smem:$0x3FFE];
	[sflag:s23] =	ssyncadd.s32 $0xFFFFFFFF  }
0xa5: {  	s26 =	simm.s32 $execute0_lowered;
	[smem:$0x3FD2] =	sst s25  }
0xa6: {  	s5 =	sshll.u32 s26, $0x1;
	_ =	strace $0x80000046;
	[dreg:$0x1] =	wrdreg $0xFFFFFFFF  }
0xa7: {  	s28 =	simm.s32 $_size_execute0_lowered;
	s3 =	sadd.s32 s3, s5;
	[dreg:$0x0] =	wrdreg $0x0  }
0xa8: {  	s5 =	sshll.u32 s28, $0x1;
	[dreg:$0x2] =	wrdreg s3  }
0xa9: {  	[dreg:$0x3] =	wrdreg s5  }
0xaa: {  	[dreg:$0x4] =	wrdreg $0xC0  }
0xab: {  	_ =	task [dreg:s7], $0x5FFFF  }
0xac: {  	[dreg:$0x1] =	wrdreg $0xFFFFFFFF  }
0xad: {  	[dreg:$0x0] =	wrdreg $0x60  }
0xae: {  	[dreg:$0x2] =	wrdreg s24  }
0xaf: {  	[dreg:$0x3] =	wrdreg s2  }
0xb0: {  	[dreg:$0x4] =	wrdreg $0x115D00  }
0xb1: {  	[dreg:$0x5] =	wrdreg $0x113500  }
0xb2: {  	[dreg:$0x6] =	wrdreg $0x9  }
0xb3: {  	_ =	task.clear_ibuf [dreg:s7], $0x7FFFF;
	_ =	strace $0x90000046  }
0xb4: {  	s29 =	simm.s32 $0x9;
	_ =	strace $0x80000048  }
0xb5: {  	_ =	swait.ge [sflag:s29], $0x1  }
0xb6: {  	[sflag:s29] =	ssyncadd.s32 $0xFFFFFFFF  }
0xb7: {  	_ =	strace $0x90000048  }
0xb8: {  	_ =	sfence  }
0xb9: {  	s30 =	sld [smem:$0x0];
	_ =	sdelay $0x2  }
0xba: {  	s31 =	sshll.u32 s1, $0xD;
	s1 =	sshrl.u32 s1, $0x2  }
0xbb: {  	s3 =	sand.u32 $0x4000, s31;
	s1 =	sadd.s32 s1, s30  }
0xbc: {  	s0 =	sor.u32 s3, s0;
	s1 =	sshll.u32 s1, $0x11  }
0xbd: {  	s0 =	sor.u32 s1, s0  }
0xbe: {  	s0 =	sadd.s32 $0x8F2B, s0  }
0xbf: {  	[sflag:s0] =	ssyncadd.remote.s32 $0x1  }
0xc0: {  	_ =	sfence.sel $0xFFFF  }
0xc1: {  	[dreg:$0x0] =	wrdreg $0xFFFFFFFF;
	(pc) =	sbr.abs _section_cstart, $3  }
0xc2: {  	[dreg:$0x1] =	wrdreg $0xFFFFFFFF  }
0xc3: {  	_ =	task.clear_ibuf [dreg:s7], $0x2FFFF;
	_ =	strace $0x9FFFFFFF  }
0xc4: {  	(tm) =	ssettm $0x7FFFFFFF  }
0xc5: {  	_ =	shalt  }
tec
execute0_lowered:
.L_overlay_start_1:
0x0: {  	(tag) =	ssettag $0x1  }
0x1: {  	s0 =	rddreg [dreg:$0x0]  }
0x2: {  	s1 =	srdreg.scid;
	s7 =	rddreg [dreg:$0x1]  }
0x3: {  	s2 =	rddreg [dreg:$0x2];
	s14 =	stileid.u32  }
0x4: {  	s3 =	rddreg [dreg:$0x3];
	s31 =	simm.s32 $0x4;
	s1 =	sand.u32 $0x1, s1  }
0x5: {  	s10 =	smul.u32 $0x270, s14;
	s6 =	sadd.s32 $0x28400, s0;
	s12 =	sadd.s32 $0x27E00, s0  }
0x6: {  	s23 =	sadd.s32 $0x27800, s0;
	s24 =	smul.u32 $0x27000, s14;
	s29 =	sadd.s32 $0x92400, s2  }
0x7: {  	s30 =	sadd.s32 $0x94400, s2;
	s15 =	sadd.s32 $0x98400, s2;
	s4 =	sshll.u32 s1, $0x4  }
0x8: {  	s16 =	sadd.s32 $0x9A400, s2;
	s5 =	sor.u32 s14, s4;
	s4 =	simm.s32 $0x0  }
0x9: {  	p0 =	sne.s32 s14, $0xF;
	p3 =	seq.s32 s14, $0xF;
	[smem:$0x7FF] =	sst s4  }
0xa: {  	s9 =	smul.u32 $0x500, s1;
	_ =	strace $0x80000047;
	[dreg:$0x5] =	wrdreg s12  }
0xb: {  	s11 =	smul.u32 $0x2710, s1;
	s1 =	ssub.s32 $0x2, s1;
	[dreg:$0x6] =	wrdreg s23  }
0xc: {  	p2 =	sne.s32 @p0 s14, $0x0;
	s26 =	sshrl.u32 s24, $0x2;
	[dreg:$0xa] =	wrdreg s29  }
0xd: {  	s28 =	sshrl.u32 s1, $0x1;
	p1 =	por p2, !p0;
	[dreg:$0xb] =	wrdreg s30  }
0xe: {  	p2 =	por !p2, !p0;
	s13 =	sadd.s32 s9, s0;
	[dreg:$0xd] =	wrdreg s15  }
0xf: {  	s9 =	sadd.s32 s26, s2;
	s26 =	sadd.s32 $0x800, s3;
	[dreg:$0xe] =	wrdreg s16  }
0x10: {  	s1 =	ssub.s32 s1, s28;
	s28 =	sadd.s32 $0x1000, s3;
	[dreg:$0x15] =	wrdreg s26  }
0x11: {  	s8 =	smul.u32 $0x4E2, s5;
	s5 =	sadd.s32 $0x13E00, s0;
	[dreg:$0x16] =	wrdreg s28  }
0x12: {  	s25 =	sadd.s32 s10, s11;
	s12 =	sadd.s32 $0x96400, s2;
	[dreg:$0x7] =	wrdreg s9  }
0x13: {  	s10 =	sshll.u32 s25, $0x3;
	s23 =	sadd.s32 $0x3BE00, s13;
	[dreg:$0xc] =	wrdreg s12  }
0x14: {  	s17 =	sadd.s32 $0x1A00, s9;
	s25 =	smax.u32 s1, $0x1;
	[dreg:$0x12] =	wrdreg s23  }
0x15: {  	s18 =	sadd.s32 $0x3400, s9;
	s29 =	sadd.s32 $0x1800, s3;
	[dreg:$0x14] =	wrdreg s25  }
0x16: {  	s19 =	sadd.s32 $0x4E00, s9;
	s30 =	sadd.s32 $0x2000, s3;
	[dreg:$0x17] =	wrdreg s29  }
0x17: {  	s20 =	sadd.s32 $0x6800, s9;
	s24 =	sadd.s32 $0x8200, s9;
	[dreg:$0x18] =	wrdreg s30  }
0x18: {  	s1 =	simm.s32 $0x2710;
	s26 =	simm.s32 $0x0;
	[dreg:$0x8] =	wrdreg s17  }
0x19: {  	s8 =	sadd.s32 s8, s0;
	s7 =	sadd.s32 s7, s10;
	[dreg:$0x9] =	wrdreg s18  }
0x1a: {  	s0 =	sadd.s32 s10, s0;
	[dreg:$0xf] =	wrdreg s7;
	s21 =	sadd.s32 $0xA000, s8  }
0x1b: {  	s23 =	simm.s32 $0x1;
	s22 =	sadd.s32 $0x200, s8;
	[dreg:$0x10] =	wrdreg s21  }
0x1c: {  	v1 =	vimm.s32 $0x0;
	vm0 =	vcmask $0x300;
	s0 =	sadd.s32 $0x3C800, s0;
	s8 =	simm.s32 $0x50;
	[dreg:$0x11] =	wrdreg s22  }
0x1d: {  	v0 =	vimm.f32 $0.0e+00;
	v1 =	vsel vm0, $0x3, v1;
	[dreg:$0x13] =	wrdreg s0;
	s21 =	simm.s32 $0x9C40;
	s22 =	simm.s32 $0x3  }
.LBB2_1:
0x1e: {  	s0 =	simm.s32 $0x0  }
.LBB2_2:
0x1f: {  	p4 =	sne.s32 s0, $0x7F00  }
.Ltmp0:
0x20: {  	s7 =	sshra.s32 s0, $0x2;
	(pc) =	sbr.rel @p4 .LBB2_2-.Ltmp0, $4  }
0x21: {  	[tilespmem:s7+$0xEB50] =	vst v0  }
0x22: {  	[tilespmem:s7+$0xEB60] =	vst v0  }
0x23: {  	[tilespmem:s7+$0xEB70] =	vst v0  }
0x24: {  	s0 =	sadd.s32 $0x100, s0;
	[tilespmem:s7+$0xEB80] =	vst v0  }
0x25: {  	s0 =	simm.s32 $0x40;
	s7 =	simm.s32 $0x0  }
.LBB2_4:
0x26: {  	p4 =	sne.s32 s0, $0x1FC0;
	[tilespmem:s7+$0x10B50] =	vst v0;
	s7 =	smov.u32 s0;
	s0 =	sadd.s32 $0x40, s0  }
.Ltmp1:
0x27: {  	(pc) =	sbr.rel @p4 .LBB2_4-.Ltmp1, $2  }
0x28: {  	_ =	sdelay $0x2  }
0x29: {  	s7 =	sshra.s32 s7, $0x2  }
0x2a: {  	[tilespmem:s7+$0x10B50] =	vst v0;
	s0 =	simm.s32 @p0 $0xEB50;
	s7 =	simm.s32 @p0 $0x4  }
0x2b: {  	[spmem:s9] =	stream.linear.scatter @p0 [tilespmem:s0], [sflag:$0x4], $0x1A00, $0x38;
	[tilespmem:$0x1B210] =	vst v63  }
0x2c: {  	_ =	swait.ge @p0 [sflag:s7], $0x1A00  }
0x2d: {  	[sflag:s7] =	ssyncset.done @p0 $0x0  }
0x2e: {  	[sflag:s7] =	ssyncadd.s32 @p0 $0xFFFFE600  }
0x2f: {  	[spmem:s17] =	stream.linear.scatter @p0 [tilespmem:s0], [sflag:$0x4], $0x1A00, $0x38;
	[tilespmem:$0x1B210] =	vst v63  }
0x30: {  	_ =	swait.ge @p0 [sflag:s7], $0x1A00  }
0x31: {  	[sflag:s7] =	ssyncset.done @p0 $0x0  }
0x32: {  	[sflag:s7] =	ssyncadd.s32 @p0 $0xFFFFE600  }
0x33: {  	[spmem:s18] =	stream.linear.scatter @p0 [tilespmem:s0], [sflag:$0x4], $0x1A00, $0x38;
	[tilespmem:$0x1B210] =	vst v63  }
0x34: {  	_ =	swait.ge @p0 [sflag:s7], $0x1A00  }
0x35: {  	[sflag:s7] =	ssyncset.done @p0 $0x0  }
0x36: {  	[sflag:s7] =	ssyncadd.s32 @p0 $0xFFFFE600  }
0x37: {  	[spmem:s19] =	stream.linear.scatter @p0 [tilespmem:s0], [sflag:$0x4], $0x1A00, $0x38;
	[tilespmem:$0x1B210] =	vst v63  }
0x38: {  	_ =	swait.ge @p0 [sflag:s7], $0x1A00  }
0x39: {  	[sflag:s7] =	ssyncset.done @p0 $0x0  }
0x3a: {  	[sflag:s7] =	ssyncadd.s32 @p0 $0xFFFFE600  }
0x3b: {  	[spmem:s20] =	stream.linear.scatter @p0 [tilespmem:s0], [sflag:$0x4], $0x1A00, $0x38;
	[tilespmem:$0x1B210] =	vst v63  }
0x3c: {  	_ =	swait.ge @p0 [sflag:s7], $0x1A00  }
0x3d: {  	[sflag:s7] =	ssyncset.done @p0 $0x0  }
0x3e: {  	[sflag:s7] =	ssyncadd.s32 @p0 $0xFFFFE600  }
0x3f: {  	[spmem:s24] =	stream.linear.scatter @p0 [tilespmem:s0], [sflag:$0x4], $0x1A00, $0x38;
	[tilespmem:$0x1B210] =	vst v63  }
0x40: {  	_ =	swait.ge @p0 [sflag:s7], $0x1A00  }
0x41: {  	[sflag:s7] =	ssyncset.done @p0 $0x0  }
0x42: {  	s0 =	simm.s32 @!p1 $0x10B50;
	[sflag:s7] =	ssyncadd.s32 @p0 $0xFFFFE600;
	s7 =	simm.s32 @!p1 $0x4  }
0x43: {  	[spmem:s3] =	stream.linear.scatter @!p1 [tilespmem:s0], [sflag:$0x4], $0x800, $0x38;
	[tilespmem:$0x1B210] =	vst v63  }
0x44: {  	_ =	swait.ge @!p1 [sflag:s7], $0x800  }
0x45: {  	[sflag:s7] =	ssyncset.done @!p1 $0x0  }
0x46: {  	s10 =	rddreg [dreg:$0x15];
	[sflag:s7] =	ssyncadd.s32 @!p1 $0xFFFFF800  }
0x47: {  	[spmem:s10] =	stream.linear.scatter @!p1 [tilespmem:s0], [sflag:$0x4], $0x800, $0x38;
	[tilespmem:$0x1B210] =	vst v63  }
0x48: {  	_ =	swait.ge @!p1 [sflag:s7], $0x800  }
0x49: {  	[sflag:s7] =	ssyncset.done @!p1 $0x0  }
0x4a: {  	s10 =	rddreg [dreg:$0x16];
	[sflag:s7] =	ssyncadd.s32 @!p1 $0xFFFFF800  }
0x4b: {  	[spmem:s10] =	stream.linear.scatter @!p1 [tilespmem:s0], [sflag:$0x4], $0x800, $0x38;
	[tilespmem:$0x1B210] =	vst v63  }
0x4c: {  	_ =	swait.ge @!p1 [sflag:s7], $0x800  }
0x4d: {  	[sflag:s7] =	ssyncset.done @!p1 $0x0  }
0x4e: {  	s10 =	rddreg [dreg:$0x17];
	[sflag:s7] =	ssyncadd.s32 @!p1 $0xFFFFF800  }
0x4f: {  	[spmem:s10] =	stream.linear.scatter @!p1 [tilespmem:s0], [sflag:$0x4], $0x800, $0x38;
	[tilespmem:$0x1B210] =	vst v63  }
0x50: {  	_ =	swait.ge @!p1 [sflag:s7], $0x800  }
0x51: {  	[sflag:s7] =	ssyncset.done @!p1 $0x0  }
0x52: {  	s10 =	rddreg [dreg:$0x18];
	[sflag:s7] =	ssyncadd.s32 @!p1 $0xFFFFF800  }
0x53: {  	[spmem:s10] =	stream.linear.scatter @!p1 [tilespmem:s0], [sflag:$0x4], $0x800, $0x38;
	[tilespmem:$0x1B210] =	vst v63  }
0x54: {  	_ =	swait.ge @!p1 [sflag:s7], $0x800  }
0x55: {  	[sflag:s7] =	ssyncset.done @!p1 $0x0  }
0x56: {  	s0 =	simm.s32 @!p0 $0xEB50;
	[sflag:s7] =	ssyncadd.s32 @!p1 $0xFFFFF800;
	s7 =	rddreg [dreg:$0xa]  }
0x57: {  	[spmem:s7] =	stream.linear.scatter @!p0 [tilespmem:s0], [sflag:$0x4], $0x2000, $0x38;
	[tilespmem:$0x1B210] =	vst v63  }
0x58: {  	s7 =	simm.s32 @!p0 $0x4  }
0x59: {  	_ =	swait.ge @!p0 [sflag:s7], $0x2000  }
0x5a: {  	[sflag:s7] =	ssyncset.done @!p0 $0x0  }
0x5b: {  	s10 =	rddreg [dreg:$0xb];
	[sflag:s7] =	ssyncadd.s32 @!p0 $0xFFFFE000  }
0x5c: {  	[spmem:s10] =	stream.linear.scatter @!p0 [tilespmem:s0], [sflag:$0x4], $0x2000, $0x38;
	[tilespmem:$0x1B210] =	vst v63  }
0x5d: {  	_ =	swait.ge @!p0 [sflag:s7], $0x2000  }
0x5e: {  	[sflag:s7] =	ssyncset.done @!p0 $0x0  }
0x5f: {  	s10 =	rddreg [dreg:$0xc];
	[sflag:s7] =	ssyncadd.s32 @!p0 $0xFFFFE000  }
0x60: {  	[spmem:s10] =	stream.linear.scatter @!p0 [tilespmem:s0], [sflag:$0x4], $0x2000, $0x38;
	[tilespmem:$0x1B210] =	vst v63  }
0x61: {  	_ =	swait.ge @!p0 [sflag:s7], $0x2000  }
0x62: {  	[sflag:s7] =	ssyncset.done @!p0 $0x0  }
0x63: {  	s10 =	rddreg [dreg:$0xd];
	[sflag:s7] =	ssyncadd.s32 @!p0 $0xFFFFE000  }
0x64: {  	[spmem:s10] =	stream.linear.scatter @!p0 [tilespmem:s0], [sflag:$0x4], $0x2000, $0x38;
	[tilespmem:$0x1B210] =	vst v63  }
0x65: {  	_ =	swait.ge @!p0 [sflag:s7], $0x2000  }
0x66: {  	[sflag:s7] =	ssyncset.done @!p0 $0x0  }
0x67: {  	s10 =	rddreg [dreg:$0xe];
	[sflag:s7] =	ssyncadd.s32 @!p0 $0xFFFFE000  }
0x68: {  	[spmem:s10] =	stream.linear.scatter @!p0 [tilespmem:s0], [sflag:$0x4], $0x2000, $0x38;
	[tilespmem:$0x1B210] =	vst v63  }
0x69: {  	_ =	swait.ge @!p0 [sflag:s7], $0x2000  }
0x6a: {  	[sflag:s7] =	ssyncset.done @!p0 $0x0  }
0x6b: {  	s13 =	rddreg [dreg:$0x5];
	[sflag:s7] =	ssyncadd.s32 @!p0 $0xFFFFE000  }
0x6c: {  	[tilespmem:s4], [sflag:$0x4] =	stream.linear.gather [hbm4b:s13+s4], $0x2710, $0x38;
	[tilespmem:$0x1B210] =	vst v63  }
0x6d: {  	_ =	swait.ge [sflag:s31], $0x2710  }
0x6e: {  	[sflag:s31] =	ssyncset.done $0x0  }
0x6f: {  	s14 =	rddreg [dreg:$0x6];
	[sflag:s31] =	ssyncadd.s32 $0xFFFFD8F0  }
0x70: {  	[tilespmem:s1], [sflag:$0x4] =	stream.linear.gather [hbm4b:s14+s4], $0x2710, $0x38;
	[tilespmem:$0x1B210] =	vst v63  }
0x71: {  	_ =	swait.ge [sflag:s31], $0x2710  }
0x72: {  	[sflag:s31] =	ssyncset.done $0x0  }
0x73: {  	s17 =	simm.s32 $0x4E20;
	s16 =	rddreg [dreg:$0x10];
	[sflag:s31] =	ssyncadd.s32 $0xFFFFD8F0  }
0x74: {  	[tilespmem:s17], [sflag:$0x4] =	stream.linear.gather [hbm4b:s16+s4], $0x2710, $0x38;
	[tilespmem:$0x1B210] =	vst v63  }
0x75: {  	_ =	swait.ge [sflag:s31], $0x2710  }
0x76: {  	s9 =	smov.u32 s19;
	[sflag:s31] =	ssyncset.done $0x0  }
0x77: {  	s19 =	simm.s32 $0x7530;
	s18 =	rddreg [dreg:$0x11];
	[sflag:s31] =	ssyncadd.s32 $0xFFFFD8F0  }
0x78: {  	[tilespmem:s19], [sflag:$0x4] =	stream.linear.gather [hbm4b:s18+s4], $0x2710, $0x38;
	[tilespmem:$0x1B210] =	vst v63  }
0x79: {  	_ =	swait.ge [sflag:s31], $0x2710  }
0x7a: {  	[sflag:s31] =	ssyncset.done $0x0  }
0x7b: {  	s15 =	smov.u32 s20;
	s20 =	simm.s32 $0x4E70;
	[sflag:s31] =	ssyncadd.s32 $0xFFFFD8F0  }
0x7c: {  	s25 =	smov.u32 s24;
	s24 =	simm.s32 $0x7580;
	v2 =	vld [tilespmem:s20+$0x0]  }
0x7d: {  	v3 =	vld [tilespmem:s24+$0x0];
	_ =	sdelay $0x3  }
0x7e: {  	v4 =	vld [tilespmem:s24+$0xFFFFFFB0]  }
0x7f: {  	v5 =	vld [tilespmem:s20+$0xFFFFFFB0];
	_ =	sdelay $0x1  }
0x80: {  	v2 =	vld.idx.msk [tilespmem:v2+s4+$0x0], $0xffff  }
0x81: {  	v3 =	vld.idx.msk [tilespmem:v3+s1+$0x0], $0xffff;
	_ =	sdelay $0x3  }
0x82: {  	v4 =	vld.idx.msk [tilespmem:v4+s1+$0x0], $0xffff  }
0x83: {  	v5 =	vld.idx.msk [tilespmem:v5+s4+$0x0], $0xffff;
	v2 =	vadd.f32 v3, v2;
	_ =	sdelay $0x1  }
0x84: {  	v3 =	vmul.f32 $2.000000030e-01, v2  }
0x85: {  	vm0 =	vge.f32 v2, $0.0e+00  }
0x86: {  	v2 =	vsel vm0, v2, v3  }
0x87: {  	v4 =	vadd.f32 v4, v5;
	v2 =	vmul.f32 $1.442695020e+00, v2;
	_ =	sdelay $0x1  }
0x88: {  	v3 =	vmul.f32 $2.000000030e-01, v4;
	(erf) = vpow2.f32 v2  }
0x89: {  	vm0 =	vge.f32 v4, $0.0e+00  }
0x8a: {  	v2 =	vsel vm0, v4, v3  }
0x8b: {  	v2 =	vmul.f32 $1.442695020e+00, v2;
	_ =	sdelay $0x1  }
0x8c: {  	(erf) = vpow2.f32 v2;
	_ =	sdelay $0x3  }
0x8d: {  	s28 =	simm.s32 $0x9C90;
	v2 =	vpop (erf)  }
0x8e: {  	[tilespmem:s28+$0x0] =	vst v2  }
0x8f: {  	v2 =	vld [tilespmem:s20+$0x10]  }
0x90: {  	v3 =	vld [tilespmem:s24+$0x10];
	_ =	sdelay $0x1  }
0x91: {  	s12 =	simm.s32 $0x4F10;
	v4 =	vpop (erf)  }
0x92: {  	v6 =	vld [tilespmem:s12+$0x0];
	[tilespmem:s28+$0xFFFFFFB0] =	vst v4  }
0x93: {  	v4 =	vld [tilespmem:s20+$0xFFFFFFC0]  }
0x94: {  	s13 =	simm.s32 $0x7620;
	v5 =	vld [tilespmem:s24+$0xFFFFFFC0]  }
0x95: {  	v7 =	vld [tilespmem:s13+$0x0]  }
0x96: {  	v2 =	vld.idx.msk [tilespmem:v2+s4+$0x0], $0xffff  }
0x97: {  	v3 =	vld.idx.msk [tilespmem:v3+s1+$0x0], $0xffff  }
0x98: {  	v8 =	vld [tilespmem:s13+$0xFFFFFFB0]  }
0x99: {  	v9 =	vld [tilespmem:s12+$0xFFFFFFB0]  }
0x9a: {  	v6 =	vld.idx.msk [tilespmem:v6+s4+$0x0], $0xffff  }
0x9b: {  	v4 =	vld.idx.msk [tilespmem:v4+s4+$0x0], $0xffff  }
0x9c: {  	v5 =	vld.idx.msk [tilespmem:v5+s1+$0x0], $0xffff;
	v2 =	vadd.f32 v3, v2  }
0x9d: {  	v3 =	vld.idx.msk [tilespmem:v7+s1+$0x0], $0xffff  }
0x9e: {  	v7 =	vmul.f32 $2.000000030e-01, v2  }
0x9f: {  	vm0 =	vge.f32 v2, $0.0e+00  }
0xa0: {  	v8 =	vld.idx.msk [tilespmem:v8+s1+$0x0], $0xffff;
	v2 =	vsel vm0, v2, v7  }
0xa1: {  	v4 =	vadd.f32 v5, v4;
	v5 =	vld.idx.msk [tilespmem:v9+s4+$0x0], $0xffff;
	v2 =	vmul.f32 $1.442695020e+00, v2  }
0xa2: {  	v3 =	vadd.f32 v3, v6  }
0xa3: {  	v6 =	vmul.f32 $2.000000030e-01, v4;
	(erf) = vpow2.f32 v2  }
0xa4: {  	vm0 =	vge.f32 v4, $0.0e+00;
	v2 =	vmul.f32 $2.000000030e-01, v3  }
0xa5: {  	v4 =	vsel vm0, v4, v6;
	vm0 =	vge.f32 v3, $0.0e+00  }
0xa6: {  	v4 =	vmul.f32 $1.442695020e+00, v4;
	v5 =	vadd.f32 v8, v5;
	v2 =	vsel vm0, v3, v2  }
0xa7: {  	v2 =	vmul.f32 $1.442695020e+00, v2  }
0xa8: {  	(erf) = vpow2.f32 v4;
	v3 =	vmul.f32 $2.000000030e-01, v5  }
0xa9: {  	vm0 =	vge.f32 v5, $0.0e+00;
	(erf) = vpow2.f32 v2  }
0xaa: {  	v2 =	vsel vm0, v5, v3  }
0xab: {  	v2 =	vmul.f32 $1.442695020e+00, v2  }
0xac: {  	v3 =	vpop (erf)  }
0xad: {  	(erf) = vpow2.f32 v2;
	[tilespmem:s28+$0x10] =	vst v3  }
0xae: {  	v2 =	vld [tilespmem:s20+$0x20]  }
0xaf: {  	v3 =	vld [tilespmem:s24+$0x20]  }
0xb0: {  	s0 =	simm.s32 $0x4FB0  }
0xb1: {  	s7 =	simm.s32 $0x76C0;
	v10 =	vld [tilespmem:s0+$0x0];
	v4 =	vpop (erf)  }
0xb2: {  	s29 =	simm.s32 $0x9D30;
	v11 =	vld [tilespmem:s7+$0x0];
	[tilespmem:s28+$0xFFFFFFC0] =	vst v4;
	v4 =	vpop (erf)  }
0xb3: {  	v13 =	vld [tilespmem:s0+$0xFFFFFFB0];
	[tilespmem:s29+$0x0] =	vst v4  }
0xb4: {  	v6 =	vld [tilespmem:s12+$0x10]  }
0xb5: {  	v7 =	vld [tilespmem:s13+$0x10]  }
0xb6: {  	v8 =	vpop (erf);
	v2 =	vld.idx.msk [tilespmem:v2+s4+$0x0], $0xffff  }
0xb7: {  	[tilespmem:s29+$0xFFFFFFB0] =	vst v8;
	v3 =	vld.idx.msk [tilespmem:v3+s1+$0x0], $0xffff  }
0xb8: {  	v8 =	vld [tilespmem:s12+$0xFFFFFFC0]  }
0xb9: {  	v9 =	vld [tilespmem:s13+$0xFFFFFFC0]  }
0xba: {  	v4 =	vld [tilespmem:s24+$0xFFFFFFD0]  }
0xbb: {  	v5 =	vld [tilespmem:s20+$0xFFFFFFD0]  }
0xbc: {  	v6 =	vld.idx.msk [tilespmem:v6+s4+$0x0], $0xffff  }
0xbd: {  	v2 =	vadd.f32 v3, v2;
	v3 =	vld.idx.msk [tilespmem:v7+s1+$0x0], $0xffff  }
0xbe: {  	v7 =	vld [tilespmem:s7+$0xFFFFFFB0]  }
0xbf: {  	v10 =	vld.idx.msk [tilespmem:v10+s4+$0x0], $0xffff;
	v12 =	vmul.f32 $2.000000030e-01, v2  }
0xc0: {  	vm0 =	vge.f32 v2, $0.0e+00;
	v8 =	vld.idx.msk [tilespmem:v8+s4+$0x0], $0xffff  }
0xc1: {  	v2 =	vsel vm0, v2, v12;
	v9 =	vld.idx.msk [tilespmem:v9+s1+$0x0], $0xffff  }
0xc2: {  	v4 =	vld.idx.msk [tilespmem:v4+s1+$0x0], $0xffff;
	v2 =	vmul.f32 $1.442695020e+00, v2;
	v3 =	vadd.f32 v3, v6  }
0xc3: {  	v6 =	vld.idx.msk [tilespmem:v11+s1+$0x0], $0xffff  }
0xc4: {  	(erf) = vpow2.f32 v2;
	v2 =	vld.idx.msk [tilespmem:v5+s4+$0x0], $0xffff;
	v5 =	vmul.f32 $2.000000030e-01, v3  }
0xc5: {  	vm0 =	vge.f32 v3, $0.0e+00  }
0xc6: {  	v7 =	vld.idx.msk [tilespmem:v7+s1+$0x0], $0xffff;
	v8 =	vadd.f32 v9, v8;
	v3 =	vsel vm0, v3, v5  }
0xc7: {  	v5 =	vld.idx.msk [tilespmem:v13+s4+$0x0], $0xffff;
	v3 =	vmul.f32 $1.442695020e+00, v3  }
0xc8: {  	v6 =	vadd.f32 v6, v10;
	v9 =	vmul.f32 $2.000000030e-01, v8  }
0xc9: {  	vm0 =	vge.f32 v8, $0.0e+00;
	(erf) = vpow2.f32 v3;
	v2 =	vadd.f32 v4, v2  }
0xca: {  	v3 =	vmul.f32 $2.000000030e-01, v6;
	v4 =	vsel vm0, v8, v9  }
0xcb: {  	vm0 =	vge.f32 v6, $0.0e+00;
	v4 =	vmul.f32 $1.442695020e+00, v4;
	v8 =	vmul.f32 $2.000000030e-01, v2  }
0xcc: {  	v5 =	vadd.f32 v7, v5;
	v3 =	vsel vm0, v6, v3;
	vm0 =	vge.f32 v2, $0.0e+00  }
0xcd: {  	v3 =	vmul.f32 $1.442695020e+00, v3;
	v9 =	vpop (erf);
	(erf) = vpow2.f32 v4;
	v2 =	vsel vm0, v2, v8  }
0xce: {  	v6 =	vmul.f32 $2.000000030e-01, v5;
	[tilespmem:s28+$0x20] =	vst v9;
	v2 =	vmul.f32 $1.442695020e+00, v2  }
0xcf: {  	vm0 =	vge.f32 v5, $0.0e+00;
	(erf) = vpow2.f32 v3;
	v4 =	vld [tilespmem:s20+$0x30]  }
0xd0: {  	v7 =	vld [tilespmem:s24+$0x30];
	v3 =	vsel vm0, v5, v6  }
0xd1: {  	v3 =	vmul.f32 $1.442695020e+00, v3  }
0xd2: {  	(erf) = vpow2.f32 v2;
	v2 =	vpop (erf)  }
0xd3: {  	(erf) = vpow2.f32 v3;
	[tilespmem:s29+$0x10] =	vst v2  }
0xd4: {  	v2 =	vld [tilespmem:s12+$0x20]  }
0xd5: {  	s10 =	simm.s32 $0x5050;
	v3 =	vld [tilespmem:s13+$0x20]  }
0xd6: {  	v14 =	vld [tilespmem:s10+$0xFFFFFFB0]  }
0xd7: {  	v5 =	vpop (erf);
	v4 =	vld.idx.msk [tilespmem:v4+s4+$0x0], $0xffff  }
0xd8: {  	s30 =	simm.s32 $0x9DD0;
	[tilespmem:s29+$0xFFFFFFC0] =	vst v5;
	v5 =	vld.idx.msk [tilespmem:v7+s1+$0x0], $0xffff;
	v6 =	vpop (erf)  }
0xd9: {  	v13 =	vld [tilespmem:s10+$0x0];
	[tilespmem:s30+$0x0] =	vst v6  }
0xda: {  	v8 =	vld [tilespmem:s0+$0x10]  }
0xdb: {  	v9 =	vpop (erf);
	v10 =	vld [tilespmem:s7+$0x10]  }
0xdc: {  	v11 =	vpop (erf);
	v2 =	vld.idx.msk [tilespmem:v2+s4+$0x0], $0xffff  }
0xdd: {  	[tilespmem:s30+$0xFFFFFFB0] =	vst v11;
	v3 =	vld.idx.msk [tilespmem:v3+s1+$0x0], $0xffff;
	v4 =	vadd.f32 v5, v4  }
0xde: {  	v5 =	vld [tilespmem:s0+$0xFFFFFFC0]  }
0xdf: {  	v11 =	vld [tilespmem:s7+$0xFFFFFFC0];
	v12 =	vmul.f32 $2.000000030e-01, v4  }
0xe0: {  	s11 =	simm.s32 $0x7760;
	v7 =	vld [tilespmem:s12+$0xFFFFFFD0];
	vm0 =	vge.f32 v4, $0.0e+00  }
0xe1: {  	v4 =	vsel vm0, v4, v12;
	v12 =	vld [tilespmem:s11+$0x0]  }
0xe2: {  	v8 =	vld.idx.msk [tilespmem:v8+s4+$0x0], $0xffff  }
0xe3: {  	v4 =	vmul.f32 $1.442695020e+00, v4;
	v2 =	vadd.f32 v3, v2;
	v3 =	vld.idx.msk [tilespmem:v10+s1+$0x0], $0xffff  }
0xe4: {  	v6 =	vld [tilespmem:s13+$0xFFFFFFD0]  }
0xe5: {  	(erf) = vpow2.f32 v4;
	v4 =	vld [tilespmem:s11+$0xFFFFFFB0];
	v10 =	vmul.f32 $2.000000030e-01, v2  }
0xe6: {  	vm0 =	vge.f32 v2, $0.0e+00;
	v5 =	vld.idx.msk [tilespmem:v5+s4+$0x0], $0xffff  }
0xe7: {  	v2 =	vsel vm0, v2, v10;
	v10 =	vld.idx.msk [tilespmem:v11+s1+$0x0], $0xffff  }
0xe8: {  	v11 =	vld.idx.msk [tilespmem:v13+s4+$0x0], $0xffff;
	v2 =	vmul.f32 $1.442695020e+00, v2;
	v3 =	vadd.f32 v3, v8  }
0xe9: {  	v8 =	vld.idx.msk [tilespmem:v12+s1+$0x0], $0xffff  }
0xea: {  	(erf) = vpow2.f32 v2;
	v2 =	vld.idx.msk [tilespmem:v7+s4+$0x0], $0xffff;
	v7 =	vmul.f32 $2.000000030e-01, v3;
	_ =	sdelay $0x1  }
0xeb: {  	v6 =	vld.idx.msk [tilespmem:v6+s1+$0x0], $0xffff;
	vm0 =	vge.f32 v3, $0.0e+00  }
0xec: {  	[tilespmem:s28+$0xFFFFFFD0] =	vst v9;
	v9 =	vld.idx.msk [tilespmem:v14+s4+$0x0], $0xffff;
	v5 =	vadd.f32 v10, v5;
	v3 =	vsel vm0, v3, v7  }
0xed: {  	v4 =	vld.idx.msk [tilespmem:v4+s1+$0x0], $0xffff;
	v3 =	vmul.f32 $1.442695020e+00, v3;
	v7 =	vpop (erf)  }
0xee: {  	v10 =	vld [tilespmem:s20+$0xFFFFFFE0];
	[tilespmem:s28+$0x30] =	vst v7;
	v7 =	vadd.f32 v8, v11;
	v8 =	vmul.f32 $2.000000030e-01, v5  }
0xef: {  	vm0 =	vge.f32 v5, $0.0e+00;
	(erf) = vpow2.f32 v3;
	v11 =	vld [tilespmem:s20+$0x40]  }
0xf0: {  	v2 =	vadd.f32 v6, v2;
	v3 =	vld [tilespmem:s24+$0x40];
	v6 =	vmul.f32 $2.000000030e-01, v7;
	v5 =	vsel vm0, v5, v8  }
0xf1: {  	v8 =	vld [tilespmem:s24+$0xFFFFFFE0];
	vm0 =	vge.f32 v7, $0.0e+00;
	v5 =	vmul.f32 $1.442695020e+00, v5  }
0xf2: {  	v12 =	vmul.f32 $2.000000030e-01, v2;
	v4 =	vadd.f32 v4, v9;
	v13 =	vpop (erf);
	v6 =	vsel vm0, v7, v6  }
0xf3: {  	[tilespmem:s29+$0x20] =	vst v13;
	v6 =	vmul.f32 $1.442695020e+00, v6;
	(erf) = vpow2.f32 v5  }
0xf4: {  	vm0 =	vge.f32 v2, $0.0e+00;
	v7 =	vmul.f32 $2.000000030e-01, v4;
	v5 =	vld [tilespmem:s12+$0x30]  }
0xf5: {  	v2 =	vsel vm0, v2, v12;
	vm0 =	vge.f32 v4, $0.0e+00;
	v9 =	vld [tilespmem:s13+$0x30];
	(erf) = vpow2.f32 v6  }
0xf6: {  	v2 =	vmul.f32 $1.442695020e+00, v2;
	v6 =	vld.idx.msk [tilespmem:v10+s4+$0x0], $0xffff;
	v4 =	vsel vm0, v4, v7  }
0xf7: {  	v4 =	vmul.f32 $1.442695020e+00, v4;
	v7 =	vld.idx.msk [tilespmem:v11+s4+$0x0], $0xffff  }
0xf8: {  	(erf) = vpow2.f32 v2;
	v2 =	vld.idx.msk [tilespmem:v3+s1+$0x0], $0xffff;
	v3 =	vpop (erf)  }
0xf9: {  	v8 =	vld.idx.msk [tilespmem:v8+s1+$0x0], $0xffff;
	(erf) = vpow2.f32 v4;
	[tilespmem:s30+$0x10] =	vst v3  }
0xfa: {  	v3 =	vld [tilespmem:s0+$0x20]  }
0xfb: {  	v4 =	vld [tilespmem:s7+$0x20]  }
0xfc: {  	v10 =	vpop (erf);
	v5 =	vld.idx.msk [tilespmem:v5+s4+$0x0], $0xffff  }
0xfd: {  	v9 =	vld.idx.msk [tilespmem:v9+s1+$0x0], $0xffff;
	[tilespmem:s30+$0xFFFFFFC0] =	vst v10  }
0xfe: {  	s14 =	simm.s32 $0x9E70;
	v10 =	vpop (erf);
	v11 =	vld [tilespmem:s0+$0xFFFFFFD0]  }
0xff: {  	v2 =	vadd.f32 v2, v7;
	[tilespmem:s14+$0x0] =	vst v10;
	v10 =	vld [tilespmem:s7+$0xFFFFFFD0]  }
0x100: {  	v12 =	vld [tilespmem:s10+$0x10]  }
0x101: {  	v14 =	vmul.f32 $2.000000030e-01, v2;
	v7 =	vpop (erf);
	v13 =	vld [tilespmem:s11+$0x10]  }
0x102: {  	v6 =	vadd.f32 v8, v6;
	vm0 =	vge.f32 v2, $0.0e+00;
	v8 =	vpop (erf);
	v3 =	vld.idx.msk [tilespmem:v3+s4+$0x0], $0xffff  }
0x103: {  	v2 =	vsel vm0, v2, v14;
	v4 =	vld.idx.msk [tilespmem:v4+s1+$0x0], $0xffff;
	v5 =	vadd.f32 v9, v5;
	[tilespmem:s14+$0xFFFFFFB0] =	vst v8  }
0x104: {  	v2 =	vmul.f32 $1.442695020e+00, v2;
	v8 =	vmul.f32 $2.000000030e-01, v6;
	v9 =	vld [tilespmem:s10+$0xFFFFFFC0]  }
0x105: {  	s19 =	simm.s32 $0x7800;
	vm1 =	vge.f32 v6, $0.0e+00;
	v14 =	vld [tilespmem:s11+$0xFFFFFFC0];
	v15 =	vmul.f32 $2.000000030e-01, v5  }
0x106: {  	vm0 =	vge.f32 v5, $0.0e+00;
	(erf) = vpow2.f32 v2;
	v2 =	vld [tilespmem:s19+$0x0];
	v6 =	vsel vm1, v6, v8  }
0x107: {  	s16 =	simm.s32 $0x50F0;
	v6 =	vmul.f32 $1.442695020e+00, v6;
	v5 =	vsel vm0, v5, v15;
	v8 =	vld.idx.msk [tilespmem:v11+s4+$0x0], $0xffff  }
0x108: {  	v11 =	vld [tilespmem:s16+$0x0];
	v5 =	vmul.f32 $1.442695020e+00, v5  }
0x109: {  	v3 =	vadd.f32 v4, v3;
	(erf) = vpow2.f32 v6;
	v6 =	vld.idx.msk [tilespmem:v12+s4+$0x0], $0xffff  }
0x10a: {  	v4 =	vld.idx.msk [tilespmem:v13+s1+$0x0], $0xffff;
	(erf) = vpow2.f32 v5  }
0x10b: {  	v5 =	vld [tilespmem:s19+$0xFFFFFFB0];
	v12 =	vmul.f32 $2.000000030e-01, v3  }
0x10c: {  	v13 =	vld [tilespmem:s16+$0xFFFFFFB0];
	vm0 =	vge.f32 v3, $0.0e+00  }
0x10d: {  	v3 =	vsel vm0, v3, v12;
	v9 =	vld.idx.msk [tilespmem:v9+s4+$0x0], $0xffff  }
0x10e: {  	v12 =	vld.idx.msk [tilespmem:v14+s1+$0x0], $0xffff;
	v3 =	vmul.f32 $1.442695020e+00, v3  }
0x10f: {  	v2 =	vld.idx.msk [tilespmem:v2+s1+$0x0], $0xffff  }
0x110: {  	[tilespmem:s29+$0xFFFFFFD0] =	vst v7;
	v4 =	vadd.f32 v4, v6;
	(erf) = vpow2.f32 v3;
	v11 =	vld.idx.msk [tilespmem:v11+s4+$0x0], $0xffff  }
0x111: {  	v14 =	vld [tilespmem:s12+$0xFFFFFFE0];
	v6 =	vpop (erf)  }
0x112: {  	v3 =	vld.idx.msk [tilespmem:v10+s1+$0x0], $0xffff;
	v10 =	vmul.f32 $2.000000030e-01, v4;
	v7 =	vpop (erf)  }
0x113: {  	vm0 =	vge.f32 v4, $0.0e+00;
	v5 =	vld.idx.msk [tilespmem:v5+s1+$0x0], $0xffff;
	v9 =	vadd.f32 v12, v9;
	v15 =	vpop (erf)  }
0x114: {  	v13 =	vld.idx.msk [tilespmem:v13+s4+$0x0], $0xffff;
	v4 =	vsel vm0, v4, v10;
	[tilespmem:s29+$0x30] =	vst v15  }
0x115: {  	v4 =	vmul.f32 $1.442695020e+00, v4;
	v10 =	vld [tilespmem:s12+$0x40];
	v2 =	vadd.f32 v2, v11;
	v11 =	vmul.f32 $2.000000030e-01, v9  }
0x116: {  	v12 =	vld [tilespmem:s13+$0x40]  }
0x117: {  	[tilespmem:s28+$0xFFFFFFE0] =	vst v7;
	vm0 =	vge.f32 v9, $0.0e+00;
	v3 =	vadd.f32 v3, v8;
	(erf) = vpow2.f32 v4;
	v4 =	vld [tilespmem:s13+$0xFFFFFFE0]  }
0x118: {  	v7 =	vmul.f32 $2.000000030e-01, v2;
	v8 =	vsel vm0, v9, v11;
	v9 =	vld [tilespmem:s20+$0xFFFFFFF0];
	vm0 =	vge.f32 v2, $0.0e+00  }
0x119: {  	v15 =	vld [tilespmem:s24+$0xFFFFFFF0];
	v5 =	vadd.f32 v5, v13;
	v13 =	vmul.f32 $2.000000030e-01, v3;
	v8 =	vmul.f32 $1.442695020e+00, v8;
	v11 =	vpop (erf)  }
0x11a: {  	v2 =	vsel vm0, v2, v7;
	v7 =	vld.idx.msk [tilespmem:v14+s4+$0x0], $0xffff;
	vm0 =	vge.f32 v3, $0.0e+00;
	[tilespmem:s30+$0x20] =	vst v11  }
0x11b: {  	v2 =	vmul.f32 $1.442695020e+00, v2;
	(erf) = vpow2.f32 v8;
	v3 =	vsel vm0, v3, v13;
	v8 =	vld [tilespmem:s0+$0x30]  }
0x11c: {  	v11 =	vmul.f32 $2.000000030e-01, v5;
	v14 =	vld [tilespmem:s7+$0x30];
	v3 =	vmul.f32 $1.442695020e+00, v3  }
0x11d: {  	vm0 =	vge.f32 v5, $0.0e+00;
	(erf) = vpow2.f32 v2;
	v2 =	vld.idx.msk [tilespmem:v10+s4+$0x0], $0xffff  }
0x11e: {  	v5 =	vsel vm0, v5, v11;
	v10 =	vld.idx.msk [tilespmem:v12+s1+$0x0], $0xffff  }
0x11f: {  	v5 =	vmul.f32 $1.442695020e+00, v5;
	v4 =	vld.idx.msk [tilespmem:v4+s1+$0x0], $0xffff  }
0x120: {  	(erf) = vpow2.f32 v3;
	v3 =	vpop (erf);
	v9 =	vld.idx.msk [tilespmem:v9+s4+$0x0], $0xffff  }
0x121: {  	(erf) = vpow2.f32 v5;
	[tilespmem:s14+$0x10] =	vst v3;
	v3 =	vld.idx.msk [tilespmem:v15+s1+$0x0], $0xffff  }
0x122: {  	v5 =	vld [tilespmem:s10+$0x20]  }
0x123: {  	v11 =	vld [tilespmem:s11+$0x20];
	v10 =	vadd.f32 v10, v2  }
0x124: {  	v12 =	vpop (erf);
	v8 =	vld.idx.msk [tilespmem:v8+s4+$0x0], $0xffff  }
0x125: {  	v7 =	vadd.f32 v4, v7;
	[tilespmem:s14+$0xFFFFFFC0] =	vst v12;
	v12 =	vld.idx.msk [tilespmem:v14+s1+$0x0], $0xffff;
	v14 =	vmul.f32 $2.000000030e-01, v10  }
0x126: {  	s17 =	simm.s32 $0x9F10;
	vm0 =	vge.f32 v10, $0.0e+00;
	v2 =	vpop (erf);
	v13 =	vld [tilespmem:s10+$0xFFFFFFD0]  }
0x127: {  	v4 =	vld [tilespmem:s11+$0xFFFFFFD0];
	v15 =	vmul.f32 $2.000000030e-01, v7;
	[tilespmem:s17+$0x0] =	vst v2;
	v10 =	vsel vm0, v10, v14  }
0x128: {  	v16 =	vadd.f32 v3, v9;
	vm0 =	vge.f32 v7, $0.0e+00;
	v2 =	vld [tilespmem:s16+$0x10]  }
0x129: {  	v3 =	vld [tilespmem:s19+$0x10];
	v9 =	vsel vm0, v7, v15;
	v15 =	vmul.f32 $1.442695020e+00, v10;
	v14 =	vpop (erf)  }
0x12a: {  	v17 =	vmul.f32 $2.000000030e-01, v16;
	v10 =	vpop (erf);
	v7 =	vld.idx.msk [tilespmem:v5+s4+$0x0], $0xffff;
	v5 =	vmul.f32 $1.442695020e+00, v9  }
0x12b: {  	p5 =	por @p0 $0x0, $0x0;
	p4 =	por @!p1 $0x1, $0x1;
	vm0 =	vge.f32 v16, $0.0e+00;
	v9 =	vld.idx.msk [tilespmem:v11+s1+$0x0], $0xffff;
	(erf) = vpow2.f32 v15;
	[tilespmem:s17+$0xFFFFFFB0] =	vst v10;
	v10 =	vadd.f32 v12, v8  }
0x12c: {  	p4 =	por @!p2 p5, p5;
	p5 =	por @!p0 $0x0, $0x0;
	v8 =	vld [tilespmem:s16+$0xFFFFFFC0];
	(erf) = vpow2.f32 v5;
	v5 =	vsel vm0, v16, v17  }
0x12d: {  	p4 =	por @!p0 p5, p5;
	[tilespmem:s28+$0x40] =	vst v6;
	v6 =	vld [tilespmem:s19+$0xFFFFFFC0];
	v12 =	vmul.f32 $2.000000030e-01, v10;
	v11 =	vmul.f32 $1.442695020e+00, v5  }
0x12e: {  	s18 =	simm.s32 $0x7800;
	s24 =	simm.s32 $0x5190;
	s20 =	simm.s32 $0x8;
	[tilespmem:s30+$0xFFFFFFD0] =	vst v14;
	vm0 =	vge.f32 v10, $0.0e+00;
	v5 =	vld.idx.msk [tilespmem:v13+s4+$0x0], $0xffff  }
.LBB2_6:
0x12f: {  	v13 =	vld [tilespmem:s24+$0x0];
	s19 =	sadd.s32 $0xA0, s19;
	v10 =	vsel vm0, v10, v12;
	(erf) = vpow2.f32 v11  }
0x130: {  	v11 =	vld [tilespmem:s19+$0x0];
	v10 =	vmul.f32 $1.442695020e+00, v10  }
0x131: {  	v7 =	vadd.f32 v9, v7;
	v2 =	vld.idx.msk [tilespmem:v2+s4+$0x0], $0xffff  }
0x132: {  	v3 =	vld.idx.msk [tilespmem:v3+s1+$0x0], $0xffff;
	(erf) = vpow2.f32 v10  }
0x133: {  	v15 =	vmul.f32 $2.000000030e-01, v7;
	v9 =	vld [tilespmem:s19+$0xFFFFFFB0]  }
0x134: {  	vm0 =	vge.f32 v7, $0.0e+00;
	v12 =	vld [tilespmem:s24+$0xFFFFFFB0];
	v14 =	vpop (erf)  }
0x135: {  	v7 =	vsel vm0, v7, v15;
	v8 =	vld.idx.msk [tilespmem:v8+s4+$0x0], $0xffff;
	[tilespmem:s29+$0x40] =	vst v14;
	v10 =	vpop (erf)  }
0x136: {  	s20 =	sadd.s32 $0x2, s20;
	v7 =	vmul.f32 $1.442695020e+00, v7;
	v6 =	vld.idx.msk [tilespmem:v6+s1+$0x0], $0xffff;
	[tilespmem:s29+$0xFFFFFFE0] =	vst v10  }
0x137: {  	p5 =	slt.u32 s20, $0x7A;
	v10 =	vld.idx.msk [tilespmem:v13+s4+$0x0], $0xffff  }
0x138: {  	v2 =	vadd.f32 v3, v2;
	v11 =	vld.idx.msk [tilespmem:v11+s1+$0x0], $0xffff;
	(erf) = vpow2.f32 v7;
	v3 =	vpop (erf)  }
0x139: {  	v4 =	vld.idx.msk [tilespmem:v4+s1+$0x0], $0xffff;
	[tilespmem:s28+$0xFFFFFFF0] =	vst v3;
	s28 =	smov.u32 s29;
	s29 =	smov.u32 s30;
	s30 =	smov.u32 s14  }
0x13a: {  	v3 =	vmul.f32 $2.000000030e-01, v2;
	s14 =	smov.u32 s17;
	v7 =	vld [tilespmem:s0+$0xFFFFFFE0]  }
0x13b: {  	vm0 =	vge.f32 v2, $0.0e+00;
	v9 =	vld.idx.msk [tilespmem:v9+s1+$0x0], $0xffff;
	v13 =	vpop (erf)  }
0x13c: {  	v6 =	vadd.f32 v6, v8;
	v2 =	vsel vm0, v2, v3;
	v12 =	vld.idx.msk [tilespmem:v12+s4+$0x0], $0xffff;
	[tilespmem:s29+$0x30] =	vst v13  }
0x13d: {  	v2 =	vmul.f32 $1.442695020e+00, v2;
	v3 =	vld [tilespmem:s0+$0x40]  }
0x13e: {  	v8 =	vadd.f32 v11, v10;
	vm0 =	vge.f32 v6, $0.0e+00;
	v10 =	vmul.f32 $2.000000030e-01, v6;
	v11 =	vld [tilespmem:s7+$0x40]  }
0x13f: {  	(erf) = vpow2.f32 v2;
	v2 =	vadd.f32 v4, v5;
	v4 =	vld [tilespmem:s7+$0xFFFFFFE0]  }
0x140: {  	v5 =	vmul.f32 $2.000000030e-01, v8;
	v6 =	vsel vm0, v6, v10;
	v10 =	vld [tilespmem:s12+$0xFFFFFFF0];
	s12 =	smov.u32 s0;
	s0 =	smov.u32 s10;
	s10 =	smov.u32 s16  }
0x141: {  	vm0 =	vge.f32 v8, $0.0e+00;
	v6 =	vmul.f32 $1.442695020e+00, v6;
	v13 =	vmul.f32 $2.000000030e-01, v2;
	v14 =	vpop (erf);
	v15 =	vld [tilespmem:s13+$0xFFFFFFF0];
	s13 =	smov.u32 s7;
	s7 =	smov.u32 s11;
	s11 =	smov.u32 s18  }
0x142: {  	s16 =	smov.u32 s24;
	v9 =	vadd.f32 v9, v12;
	v5 =	vsel vm0, v8, v5;
	vm0 =	vge.f32 v2, $0.0e+00;
	s18 =	smov.u32 s19;
	[tilespmem:s30+$0x20] =	vst v14;
	v7 =	vld.idx.msk [tilespmem:v7+s4+$0x0], $0xffff  }
0x143: {  	v5 =	vmul.f32 $1.442695020e+00, v5;
	(erf) = vpow2.f32 v6;
	v2 =	vsel vm0, v2, v13;
	v6 =	vld [tilespmem:s0+$0x30]  }
0x144: {  	vm0 =	vge.f32 v9, $0.0e+00;
	v8 =	vmul.f32 $2.000000030e-01, v9;
	v2 =	vmul.f32 $1.442695020e+00, v2;
	v12 =	vld [tilespmem:s7+$0x30]  }
0x145: {  	(erf) = vpow2.f32 v5;
	v3 =	vld.idx.msk [tilespmem:v3+s4+$0x0], $0xffff  }
0x146: {  	v5 =	vsel vm0, v9, v8;
	(erf) = vpow2.f32 v2;
	v2 =	vld.idx.msk [tilespmem:v11+s1+$0x0], $0xffff  }
0x147: {  	v5 =	vmul.f32 $1.442695020e+00, v5;
	v4 =	vld.idx.msk [tilespmem:v4+s1+$0x0], $0xffff  }
0x148: {  	v8 =	vpop (erf);
	v9 =	vld.idx.msk [tilespmem:v10+s4+$0x0], $0xffff  }
0x149: {  	(erf) = vpow2.f32 v5;
	[tilespmem:s17+$0x10] =	vst v8;
	v5 =	vld.idx.msk [tilespmem:v15+s1+$0x0], $0xffff  }
0x14a: {  	v8 =	vld [tilespmem:s10+$0x20]  }
0x14b: {  	v10 =	vld [tilespmem:s11+$0x20]  }
0x14c: {  	v3 =	vadd.f32 v2, v3;
	v11 =	vpop (erf);
	v6 =	vld.idx.msk [tilespmem:v6+s4+$0x0], $0xffff  }
0x14d: {  	v7 =	vadd.f32 v4, v7;
	[tilespmem:s17+$0xFFFFFFC0] =	vst v11;
	v11 =	vld.idx.msk [tilespmem:v12+s1+$0x0], $0xffff  }
0x14e: {  	s17 =	sadd.s32 $0xA0, s17;
	v12 =	vmul.f32 $2.000000030e-01, v3;
	v2 =	vpop (erf);
	v13 =	vld [tilespmem:s10+$0xFFFFFFD0]  }
0x14f: {  	vm1 =	vge.f32 v3, $0.0e+00;
	vm0 =	vge.f32 v7, $0.0e+00;
	v15 =	vmul.f32 $2.000000030e-01, v7;
	[tilespmem:s17+$0x0] =	vst v2;
	v4 =	vld [tilespmem:s11+$0xFFFFFFD0];
	v14 =	vpop (erf)  }
0x150: {  	v5 =	vadd.f32 v5, v9;
	v12 =	vsel vm1, v3, v12;
	v2 =	vld [tilespmem:s24+$0x10];
	[tilespmem:s30+$0xFFFFFFD0] =	vst v14  }
0x151: {  	v9 =	vsel vm0, v7, v15;
	v12 =	vmul.f32 $1.442695020e+00, v12;
	v3 =	vld [tilespmem:s19+$0x10]  }
.Ltmp2:
0x152: {  	vm0 =	vge.f32 v5, $0.0e+00;
	v16 =	vmul.f32 $2.000000030e-01, v5;
	v15 =	vmul.f32 $1.442695020e+00, v9;
	v14 =	vpop (erf);
	v7 =	vld.idx.msk [tilespmem:v8+s4+$0x0], $0xffff;
	(pc) =	sbr.rel @p5 .LBB2_6-.Ltmp2, $4  }
0x153: {  	[tilespmem:s17+$0xFFFFFFB0] =	vst v14;
	v9 =	vld.idx.msk [tilespmem:v10+s1+$0x0], $0xffff;
	v10 =	vadd.f32 v11, v6;
	(erf) = vpow2.f32 v12  }
0x154: {  	v5 =	vsel vm0, v5, v16;
	v8 =	vld [tilespmem:s24+$0xFFFFFFC0];
	(erf) = vpow2.f32 v15  }
0x155: {  	v11 =	vmul.f32 $1.442695020e+00, v5;
	v6 =	vld [tilespmem:s19+$0xFFFFFFC0];
	v12 =	vmul.f32 $2.000000030e-01, v10  }
0x156: {  	s24 =	sadd.s32 $0xA0, s24;
	vm0 =	vge.f32 v10, $0.0e+00;
	v5 =	vld.idx.msk [tilespmem:v13+s4+$0x0], $0xffff  }
0x157: {  	_ =	sdelay $0x3  }
0x158: {  	v2 =	vld.idx.msk [tilespmem:v2+s4+$0x0], $0xffff  }
0x159: {  	v10 =	vsel vm0, v10, v12;
	v3 =	vld.idx.msk [tilespmem:v3+s1+$0x0], $0xffff  }
0x15a: {  	v10 =	vmul.f32 $1.442695020e+00, v10  }
0x15b: {  	(erf) = vpow2.f32 v11;
	v7 =	vadd.f32 v9, v7  }
0x15c: {  	(erf) = vpow2.f32 v10  }
0x15d: {  	v9 =	vmul.f32 $2.000000030e-01, v7  }
0x15e: {  	vm6 =	vge.f32 v7, $0.0e+00;
	v47 =	vadd.f32 v3, v2  }
0x15f: {  	v7 =	vsel vm6, v7, v9  }
0x160: {  	v7 =	vmul.f32 $1.442695020e+00, v7;
	v50 =	vmul.f32 $2.000000030e-01, v47  }
0x161: {  	vm7 =	vge.f32 v47, $0.0e+00  }
0x162: {  	v51 =	vld [tilespmem:s0+$0xFFFFFFE0];
	v2 =	vpop (erf);
	(erf) = vpow2.f32 v7;
	v9 =	vsel vm7, v47, v50  }
0x163: {  	v4 =	vld.idx.msk [tilespmem:v4+s1+$0x0], $0xffff;
	v49 =	vpop (erf);
	v9 =	vmul.f32 $1.442695020e+00, v9  }
0x164: {  	v54 =	vld [tilespmem:s7+$0xFFFFFFE0];
	v3 =	vpop (erf)  }
0x165: {  	v48 =	vld.idx.msk [tilespmem:v8+s4+$0x0], $0xffff;
	v52 =	vpop (erf);
	(erf) = vpow2.f32 v9  }
0x166: {  	v6 =	vld.idx.msk [tilespmem:v6+s1+$0x0], $0xffff;
	[tilespmem:s30+$0x30] =	vst v52  }
0x167: {  	[tilespmem:s29+$0xFFFFFFE0] =	vst v49;
	v53 =	vld [tilespmem:s0+$0x40]  }
0x168: {  	v55 =	vld [tilespmem:s12+$0xFFFFFFF0]  }
0x169: {  	v14 =	vld [tilespmem:s13+$0xFFFFFFF0]  }
0x16a: {  	v12 =	vld [tilespmem:s7+$0x40]  }
0x16b: {  	v11 =	vld.idx.msk [tilespmem:v51+s4+$0x0], $0xffff;
	v13 =	vpop (erf)  }
0x16c: {  	v56 =	vld.idx.msk [tilespmem:v54+s1+$0x0], $0xffff;
	[tilespmem:s14+$0x20] =	vst v13  }
0x16d: {  	v13 =	vld [tilespmem:s10+$0x30]  }
0x16e: {  	v15 =	vld [tilespmem:s11+$0x30];
	v57 =	vpop (erf)  }
0x16f: {  	v10 =	vld.idx.msk [tilespmem:v53+s4+$0x0], $0xffff;
	[tilespmem:s17+$0x10] =	vst v57  }
0x170: {  	v6 =	vadd.f32 v6, v48;
	v59 =	vld [tilespmem:s16+$0x20]  }
0x171: {  	v16 =	vld [tilespmem:s18+$0x20]  }
0x172: {  	v4 =	vadd.f32 v4, v5;
	v58 =	vmul.f32 $2.000000030e-01, v6;
	v12 =	vld.idx.msk [tilespmem:v12+s1+$0x0], $0xffff  }
0x173: {  	vm8 =	vge.f32 v6, $0.0e+00;
	v9 =	vld.idx.msk [tilespmem:v55+s4+$0x0], $0xffff  }
0x174: {  	v60 =	vmul.f32 $2.000000030e-01, v4;
	v6 =	vsel vm8, v6, v58;
	v14 =	vld.idx.msk [tilespmem:v14+s1+$0x0], $0xffff  }
0x175: {  	vm9 =	vge.f32 v4, $0.0e+00;
	v6 =	vmul.f32 $1.442695020e+00, v6;
	v13 =	vld.idx.msk [tilespmem:v13+s4+$0x0], $0xffff  }
0x176: {  	v4 =	vsel vm9, v4, v60;
	v61 =	vld.idx.msk [tilespmem:v15+s1+$0x0], $0xffff  }
0x177: {  	v7 =	vadd.f32 v56, v11;
	(erf) = vpow2.f32 v6;
	v62 =	vadd.f32 v12, v10  }
0x178: {  	v4 =	vmul.f32 $1.442695020e+00, v4;
	v5 =	vld.idx.msk [tilespmem:v59+s4+$0x0], $0xffff  }
0x179: {  	vm10 =	vge.f32 v7, $0.0e+00;
	v9 =	vadd.f32 v14, v9;
	v63 =	vmul.f32 $2.000000030e-01, v62;
	v15 =	vld.idx.msk [tilespmem:v16+s1+$0x0], $0xffff  }
0x17a: {  	(erf) = vpow2.f32 v4;
	v12 =	vmul.f32 $2.000000030e-01, v7;
	vm1 =	vge.f32 v62, $0.0e+00  }
0x17b: {  	v17 =	vmul.f32 $2.000000030e-01, v9;
	v4 =	vsel vm1, v62, v63;
	v8 =	vadd.f32 v61, v13  }
0x17c: {  	vm11 =	vge.f32 v9, $0.0e+00;
	v16 =	vsel vm10, v7, v12;
	v4 =	vmul.f32 $1.442695020e+00, v4  }
0x17d: {  	v7 =	vsel vm11, v9, v17;
	v6 =	vmul.f32 $1.442695020e+00, v16;
	v18 =	vmul.f32 $2.000000030e-01, v8  }
0x17e: {  	vm12 =	vge.f32 v8, $0.0e+00;
	(erf) = vpow2.f32 v4;
	v5 =	vadd.f32 v15, v5  }
0x17f: {  	v19 =	vmul.f32 $1.442695020e+00, v7;
	(erf) = vpow2.f32 v6;
	v20 =	vsel vm12, v8, v18  }
0x180: {  	v21 =	vpop (erf);
	v22 =	vmul.f32 $1.442695020e+00, v20;
	v24 =	vmul.f32 $2.000000030e-01, v5  }
0x181: {  	[tilespmem:s17+$0xFFFFFFC0] =	vst v21;
	(erf) = vpow2.f32 v19;
	vm13 =	vge.f32 v5, $0.0e+00  }
0x182: {  	v23 =	vld [tilespmem:s16+$0xFFFFFFD0];
	(erf) = vpow2.f32 v22;
	v5 =	vsel vm13, v5, v24  }
0x183: {  	v25 =	vld [tilespmem:s18+$0xFFFFFFD0];
	v5 =	vmul.f32 $1.442695020e+00, v5;
	_ =	sdelay $0x1  }
0x184: {  	v26 =	vpop (erf);
	(erf) = vpow2.f32 v5;
	_ =	sdelay $0x1  }
0x185: {  	[tilespmem:s14+$0xFFFFFFD0] =	vst v26  }
0x186: {  	v32 =	vld [tilespmem:s10+$0xFFFFFFE0];
	v27 =	vpop (erf)  }
0x187: {  	v34 =	vld [tilespmem:s11+$0xFFFFFFE0];
	v28 =	vpop (erf)  }
0x188: {  	v4 =	vld.idx.msk [tilespmem:v23+s4+$0x0], $0xffff;
	v29 =	vpop (erf)  }
0x189: {  	v30 =	vld.idx.msk [tilespmem:v25+s1+$0x0], $0xffff;
	[tilespmem:s30+$0xFFFFFFE0] =	vst v28;
	v31 =	vpop (erf)  }
0x18a: {  	v35 =	vld [tilespmem:s0+$0xFFFFFFF0];
	[tilespmem:s14+$0x30] =	vst v31  }
0x18b: {  	v7 =	vld [tilespmem:s10+$0x40]  }
0x18c: {  	v33 =	vld [tilespmem:s11+$0x40];
	v36 =	vpop (erf)  }
0x18d: {  	v37 =	vld [tilespmem:s7+$0xFFFFFFF0];
	[tilespmem:s17+$0x20] =	vst v36  }
0x18e: {  	v13 =	vld [tilespmem:s16+$0x30]  }
0x18f: {  	v38 =	vld [tilespmem:s18+$0x30]  }
0x190: {  	v10 =	vld.idx.msk [tilespmem:v32+s4+$0x0], $0xffff  }
0x191: {  	v39 =	vld.idx.msk [tilespmem:v34+s1+$0x0], $0xffff  }
0x192: {  	v40 =	vld.idx.msk [tilespmem:v35+s4+$0x0], $0xffff  }
0x193: {  	v7 =	vld.idx.msk [tilespmem:v7+s4+$0x0], $0xffff  }
0x194: {  	v11 =	vld.idx.msk [tilespmem:v33+s1+$0x0], $0xffff  }
0x195: {  	v14 =	vld.idx.msk [tilespmem:v37+s1+$0x0], $0xffff  }
0x196: {  	v4 =	vadd.f32 v30, v4;
	v13 =	vld.idx.msk [tilespmem:v13+s4+$0x0], $0xffff  }
0x197: {  	v42 =	vld.idx.msk [tilespmem:v38+s1+$0x0], $0xffff  }
0x198: {  	v6 =	vadd.f32 v39, v10;
	v41 =	vmul.f32 $2.000000030e-01, v4  }
0x199: {  	vm14 =	vge.f32 v4, $0.0e+00;
	v7 =	vadd.f32 v11, v7  }
0x19a: {  	v10 =	vmul.f32 $2.000000030e-01, v6;
	vm15 =	vge.f32 v6, $0.0e+00;
	v4 =	vsel vm14, v4, v41  }
0x19b: {  	v4 =	vmul.f32 $1.442695020e+00, v4;
	v8 =	vadd.f32 v14, v40;
	v43 =	vmul.f32 $2.000000030e-01, v7  }
0x19c: {  	v6 =	vsel vm15, v6, v10;
	vm4 =	vge.f32 v7, $0.0e+00;
	v44 =	vadd.f32 v42, v13  }
0x19d: {  	(erf) = vpow2.f32 v4;
	v45 =	vmul.f32 $2.000000030e-01, v8;
	v4 =	vsel vm4, v7, v43  }
0x19e: {  	vm5 =	vge.f32 v8, $0.0e+00;
	v4 =	vmul.f32 $1.442695020e+00, v4;
	v46 =	vmul.f32 $2.000000030e-01, v44  }
0x19f: {  	v6 =	vmul.f32 $1.442695020e+00, v6;
	v7 =	vsel vm5, v8, v45;
	vm6 =	vge.f32 v44, $0.0e+00  }
0x1a0: {  	v47 =	vmul.f32 $1.442695020e+00, v7;
	(erf) = vpow2.f32 v4;
	v48 =	vsel vm6, v44, v46  }
0x1a1: {  	(erf) = vpow2.f32 v6;
	v49 =	vmul.f32 $1.442695020e+00, v48  }
0x1a2: {  	(erf) = vpow2.f32 v47  }
0x1a3: {  	(erf) = vpow2.f32 v49;
	_ =	sdelay $0x4  }
0x1a4: {  	v50 =	vpop (erf)  }
0x1a5: {  	v51 =	vpop (erf)  }
0x1a6: {  	v52 =	vpop (erf)  }
0x1a7: {  	v53 =	vpop (erf)  }
0x1a8: {  	[tilespmem:s17+$0xFFFFFFD0] =	vst v50;
	v54 =	vpop (erf)  }
0x1a9: {  	v55 =	vld [tilespmem:s16+$0xFFFFFFE0];
	[tilespmem:s17+$0x30] =	vst v54  }
0x1aa: {  	v4 =	vld [tilespmem:s16+$0x40]  }
0x1ab: {  	v56 =	vld [tilespmem:s18+$0x40]  }
0x1ac: {  	v57 =	vld [tilespmem:s18+$0xFFFFFFE0];
	_ =	sdelay $0x4  }
0x1ad: {  	v10 =	vld.idx.msk [tilespmem:v55+s4+$0x0], $0xffff  }
0x1ae: {  	v4 =	vld.idx.msk [tilespmem:v4+s4+$0x0], $0xffff  }
0x1af: {  	v11 =	vld.idx.msk [tilespmem:v56+s1+$0x0], $0xffff  }
0x1b0: {  	v12 =	vld.idx.msk [tilespmem:v57+s1+$0x0], $0xffff;
	_ =	sdelay $0x3  }
0x1b1: {  	v4 =	vadd.f32 v11, v4  }
0x1b2: {  	v10 =	vadd.f32 v12, v10  }
0x1b3: {  	v11 =	vmul.f32 $2.000000030e-01, v4  }
0x1b4: {  	v12 =	vmul.f32 $2.000000030e-01, v10;
	vm7 =	vge.f32 v4, $0.0e+00  }
0x1b5: {  	vm8 =	vge.f32 v10, $0.0e+00;
	v4 =	vsel vm7, v4, v11  }
0x1b6: {  	v10 =	vsel vm8, v10, v12;
	v4 =	vmul.f32 $1.442695020e+00, v4  }
0x1b7: {  	v10 =	vmul.f32 $1.442695020e+00, v10  }
0x1b8: {  	(erf) = vpow2.f32 v4  }
0x1b9: {  	(erf) = vpow2.f32 v10;
	_ =	sdelay $0x7  }
0x1ba: {  	[tilespmem:s14+$0xFFFFFFE0] =	vst v52;
	v4 =	vpop (erf)  }
0x1bb: {  	v7 =	vld [tilespmem:s10+$0xFFFFFFF0];
	v10 =	vpop (erf)  }
0x1bc: {  	v58 =	vld [tilespmem:s11+$0xFFFFFFF0];
	[tilespmem:s17+$0xFFFFFFE0] =	vst v10  }
0x1bd: {  	v10 =	vld [tilespmem:s16+$0xFFFFFFF0]  }
0x1be: {  	v59 =	vld [tilespmem:s18+$0xFFFFFFF0];
	_ =	sdelay $0x4  }
0x1bf: {  	v7 =	vld.idx.msk [tilespmem:v7+s4+$0x0], $0xffff  }
0x1c0: {  	v11 =	vld.idx.msk [tilespmem:v58+s1+$0x0], $0xffff  }
0x1c1: {  	v10 =	vld.idx.msk [tilespmem:v10+s4+$0x0], $0xffff  }
0x1c2: {  	v12 =	vld.idx.msk [tilespmem:v59+s1+$0x0], $0xffff;
	_ =	sdelay $0x3  }
0x1c3: {  	v7 =	vadd.f32 v11, v7  }
0x1c4: {  	v10 =	vadd.f32 v12, v10  }
0x1c5: {  	v11 =	vmul.f32 $2.000000030e-01, v7  }
0x1c6: {  	vm9 =	vge.f32 v7, $0.0e+00;
	v12 =	vmul.f32 $2.000000030e-01, v10  }
0x1c7: {  	v7 =	vsel vm9, v7, v11;
	vm10 =	vge.f32 v10, $0.0e+00  }
0x1c8: {  	v7 =	vmul.f32 $1.442695020e+00, v7;
	v10 =	vsel vm10, v10, v12  }
0x1c9: {  	v10 =	vmul.f32 $1.442695020e+00, v10  }
0x1ca: {  	(erf) = vpow2.f32 v7  }
0x1cb: {  	(erf) = vpow2.f32 v10;
	_ =	sdelay $0x1  }
0x1cc: {  	[tilespmem:s29+$0x40] =	vst v2  }
0x1cd: {  	[tilespmem:s28+$0xFFFFFFF0] =	vst v3  }
0x1ce: {  	[tilespmem:s30+$0x40] =	vst v27  }
0x1cf: {  	[tilespmem:s29+$0xFFFFFFF0] =	vst v29  }
0x1d0: {  	[tilespmem:s14+$0x40] =	vst v51  }
0x1d1: {  	[tilespmem:s30+$0xFFFFFFF0] =	vst v53  }
0x1d2: {  	[tilespmem:s17+$0x40] =	vst v4;
	v2 =	vpop (erf)  }
0x1d3: {  	[tilespmem:s14+$0xFFFFFFF0] =	vst v2;
	v2 =	vpop (erf)  }
0x1d4: {  	[tilespmem:s17+$0xFFFFFFF0] =	vst v2  }
0x1d5: {  	v2 =	vld [tilespmem:$0x74E0]  }
0x1d6: {  	v3 =	vld [tilespmem:$0x9BF0];
	_ =	sdelay $0x6  }
0x1d7: {  	v2 =	vld.idx.msk [tilespmem:v2+s4+$0x0], $0xffff  }
0x1d8: {  	v3 =	vld.idx.msk [tilespmem:v3+s1+$0x0], $0xffff;
	_ =	sdelay $0x4  }
0x1d9: {  	v2 =	vadd.f32 v3, v2;
	_ =	sdelay $0x1  }
0x1da: {  	v3 =	vmul.f32 $2.000000030e-01, v2  }
0x1db: {  	vm11 =	vge.f32 v2, $0.0e+00  }
0x1dc: {  	v2 =	vsel vm11, v2, v3  }
0x1dd: {  	v2 =	vmul.f32 $1.442695020e+00, v2;
	_ =	sdelay $0x1  }
0x1de: {  	(erf) = vpow2.f32 v2;
	_ =	sdelay $0x2  }
0x1df: {  	v2 =	vld [tilespmem:$0x74F0]  }
0x1e0: {  	v3 =	vld [tilespmem:$0x9C00];
	_ =	sdelay $0x4  }
0x1e1: {  	v60 =	vpop (erf)  }
0x1e2: {  	[tilespmem:$0xC300] =	vst v60  }
0x1e3: {  	v2 =	vld.idx.msk [tilespmem:v2+s4+$0x0], $0xffff  }
0x1e4: {  	v3 =	vld.idx.msk [tilespmem:v3+s1+$0x0], $0xffff;
	_ =	sdelay $0x4  }
0x1e5: {  	v2 =	vadd.f32 v3, v2;
	_ =	sdelay $0x1  }
0x1e6: {  	v3 =	vmul.f32 $2.000000030e-01, v2  }
0x1e7: {  	vm12 =	vge.f32 v2, $0.0e+00  }
0x1e8: {  	v2 =	vsel vm12, v2, v3  }
0x1e9: {  	v2 =	vmul.f32 $1.442695020e+00, v2;
	_ =	sdelay $0x1  }
0x1ea: {  	(erf) = vpow2.f32 v2;
	_ =	sdelay $0x2  }
0x1eb: {  	v2 =	vld [tilespmem:$0x7500]  }
0x1ec: {  	v3 =	vld [tilespmem:$0x9C10];
	_ =	sdelay $0x4  }
0x1ed: {  	v61 =	vpop (erf)  }
0x1ee: {  	[tilespmem:$0xC310] =	vst v61  }
0x1ef: {  	v2 =	vld.idx.msk [tilespmem:v2+s4+$0x0], $0xffff  }
0x1f0: {  	v3 =	vld.idx.msk [tilespmem:v3+s1+$0x0], $0xffff;
	_ =	sdelay $0x4  }
0x1f1: {  	v2 =	vadd.f32 v3, v2;
	_ =	sdelay $0x1  }
0x1f2: {  	v3 =	vmul.f32 $2.000000030e-01, v2  }
0x1f3: {  	vm13 =	vge.f32 v2, $0.0e+00  }
0x1f4: {  	v2 =	vsel vm13, v2, v3  }
0x1f5: {  	v2 =	vmul.f32 $1.442695020e+00, v2;
	_ =	sdelay $0x1  }
0x1f6: {  	(erf) = vpow2.f32 v2;
	_ =	sdelay $0x2  }
0x1f7: {  	v2 =	vld [tilespmem:$0x7510]  }
0x1f8: {  	v3 =	vld [tilespmem:$0x9C20];
	_ =	sdelay $0x4  }
0x1f9: {  	v62 =	vpop (erf)  }
0x1fa: {  	[tilespmem:$0xC320] =	vst v62  }
0x1fb: {  	v2 =	vld.idx.msk [tilespmem:v2+s4+$0x0], $0xffff  }
0x1fc: {  	v3 =	vld.idx.msk [tilespmem:v3+s1+$0x0], $0xffff;
	_ =	sdelay $0x4  }
0x1fd: {  	v2 =	vadd.f32 v3, v2;
	_ =	sdelay $0x1  }
0x1fe: {  	v3 =	vmul.f32 $2.000000030e-01, v2  }
0x1ff: {  	vm14 =	vge.f32 v2, $0.0e+00  }
0x200: {  	v2 =	vsel vm14, v2, v3  }
0x201: {  	v2 =	vmul.f32 $1.442695020e+00, v2;
	_ =	sdelay $0x1  }
0x202: {  	(erf) = vpow2.f32 v2;
	_ =	sdelay $0x2  }
0x203: {  	v2 =	vld [tilespmem:$0x7520]  }
0x204: {  	v3 =	vld [tilespmem:$0x9C30];
	_ =	sdelay $0x4  }
0x205: {  	v63 =	vpop (erf)  }
0x206: {  	[tilespmem:$0xC330] =	vst v63  }
0x207: {  	v2 =	vld.idx.msk [tilespmem:v2+s4+$0x0], $0xffff  }
0x208: {  	v3 =	vld.idx.msk [tilespmem:v3+s1+$0x0], $0xffff;
	_ =	sdelay $0x4  }
0x209: {  	v2 =	vadd.f32 v3, v2;
	_ =	sdelay $0x1  }
0x20a: {  	v3 =	vmul.f32 $2.000000030e-01, v2  }
0x20b: {  	vm15 =	vge.f32 v2, $0.0e+00  }
0x20c: {  	v2 =	vsel vm15, v2, v3  }
0x20d: {  	v2 =	vmul.f32 $1.442695020e+00, v2;
	_ =	sdelay $0x1  }
0x20e: {  	(erf) = vpow2.f32 v2;
	_ =	sdelay $0x8  }
0x20f: {  	v2 =	vpop (erf)  }
0x210: {  	[tilespmem:$0xC340] =	vst v2  }
0x211: {  	s28 =	simm.s32 $0x7530;
	[bflag:$0x0] =	sbarrier.arrive $0xFFFF  }
0x212: {  	[spmem:s3] =	stream.indirect.scatter.add.f32 [tilespmem:s21], [sflag:$0x3], $0x1, s28, s8, $0xb8;
	[tilespmem:$0x1B210] =	vst v63  }
0x213: {  	s29 =	simm.s32 $0x7580;
	s30 =	simm.s32 $0x9C90  }
0x214: {  	[spmem:s3] =	stream.indirect.scatter.add.f32 [tilespmem:s30], [sflag:$0x3], $0x1, s29, s8, $0xb8;
	[tilespmem:$0x1B210] =	vst v63  }
0x215: {  	_ =	swait.ge [sflag:s22], $0x50  }
0x216: {  	s0 =	simm.s32 $0x3C0;
	[sflag:s22] =	ssyncset.done $0x0  }
0x217: {  	s7 =	simm.s32 $0x9CE0;
	s10 =	simm.s32 $0x75D0;
	[sflag:s22] =	ssyncadd.s32 $0xFFFFFFB0  }
.LBB2_8:
0x218: {  	[spmem:s3] =	stream.indirect.scatter.add.f32 [tilespmem:s7], [sflag:$0x3], $0x1, s10, s8, $0xb8;
	[tilespmem:$0x1B210] =	vst v63  }
0x219: {  	s7 =	smov.u32 s0;
	p5 =	sne.s32 s0, $0x9B00  }
.Ltmp3:
0x21a: {  	s0 =	sadd.s32 $0x140, s0;
	(pc) =	sbr.rel @p5 .LBB2_8-.Ltmp3, $4  }
0x21b: {  	_ = 	snop  }
0x21c: {  	_ =	swait.ge [sflag:s22], $0x50  }
0x21d: {  	s10 =	sshra.s32 s7, $0x2;
	[sflag:s22] =	ssyncset.done $0x0  }
0x21e: {  	s7 =	sadd.s32 $0x9C40, s10;
	s10 =	sadd.s32 $0x7530, s10;
	[sflag:s22] =	ssyncadd.s32 $0xFFFFFFB0  }
0x21f: {  	[spmem:s3] =	stream.indirect.scatter.add.f32 [tilespmem:s7], [sflag:$0x3], $0x1, s10, s8, $0xb8;
	[tilespmem:$0x1B210] =	vst v63  }
0x220: {  	_ =	swait.ge [sflag:s22], $0x50  }
0x221: {  	[sflag:s22] =	ssyncset.done $0x0  }
0x222: {  	s0 =	simm.s32 $0x4E20;
	[sflag:s22] =	ssyncadd.s32 $0xFFFFFFB0  }
0x223: {  	s30 =	simm.s32 $0xC350;
	s19 =	smov.u32 s9;
	_ =	swait.ge [sflag:s22], $0x50  }
0x224: {  	s20 =	smov.u32 s15;
	[sflag:s22] =	ssyncset.done $0x0;
	s17 =	rddreg [dreg:$0x8]  }
0x225: {  	s24 =	smov.u32 s25;
	s18 =	rddreg [dreg:$0x9];
	[sflag:s22] =	ssyncadd.s32 $0xFFFFFFB0  }
0x226: {  	[tilespmem:s30], [sflag:$0x1] =	stream.indirect.gather [hbm4b:s5+s8], $0x40, s0, s8, $0xb8;
	[tilespmem:$0x1B210] =	vst v63  }
0x227: {  	s15 =	simm.s32 $0x2;
	s9 =	rddreg [dreg:$0x7];
	s0 =	simm.s32 $0x0  }
.LBB2_10:
0x228: {  	p5 =	seq.s32 s0, $0x0  }
0x229: {  	p6 =	seq.s32 @!p5 s0, $0x7C  }
0x22a: {  	_ =	swait.ge [sflag:s23], $0x1400;
	p6 =	por p5, !p6  }
.Ltmp4:
0x22b: {  	[sflag:s23] =	ssyncset.done $0x0;
	(pc) =	sbr.rel @!p6 .LBB2_12-.Ltmp4, $4  }
0x22c: {  	s7 =	simm.s32 @!p5 $0x2;
	[sflag:s23] =	ssyncadd.s32 $0xFFFFEC00  }
0x22d: {  	_ =	swait.ge @!p5 [sflag:s7], $0x1400  }
0x22e: {  	[sflag:s7] =	ssyncset.done @!p5 $0x0  }
0x22f: {  	s10 =	sand.u32 $0x1, s0;
	[sflag:s7] =	ssyncadd.s32 @!p5 $0xFFFFEC00;
	s7 =	simm.s32 @!p5 $0x7D  }
0x230: {  	s7 =	sadd.s32 @!p5 $0x1, s0;
	s11 =	sxor.u32 $0x1, s10  }
0x231: {  	s7 =	simm.s32 @p5 $0x1;
	s11 =	smul.u32 $0x5000, s11  }
0x232: {  	s12 =	smul.u32 $0x140, s7;
	_ =	sdelay $0x1  }
0x233: {  	s11 =	sshrl.u32 s11, $0x2;
	s12 =	sshra.s32 s12, $0x2  }
0x234: {  	s11 =	sor.u32 $0xC350, s11;
	s12 =	sadd.s32 $0x4E20, s12  }
0x235: {  	[tilespmem:s11], [sflag:$0x1] =	stream.indirect.gather [hbm4b:s5+s8], $0x40, s12, s8, $0xb8;
	[tilespmem:$0x1B210] =	vst v63  }
.LBB2_12:
0x236: {  	v2 =	vmov s0;
	s11 =	simm.s32 $0x0;
	s25 =	simm.s32 $0x1  }
0x237: {  	s12 =	simm.s32 $0x2;
	s29 =	simm.s32 $0x4;
	s13 =	simm.s32 $0x5;
	v3 =	vmul.u32 $0x50, v2;
	v10 =	vmov s11;
	v11 =	vmov s25  }
0x238: {  	v12 =	vmov s12;
	v14 =	vmov s29;
	v15 =	vmov s13  }
0x239: {  	v10 =	vshrl.u32 v10, $0x3;
	v11 =	vshrl.u32 v11, $0x3;
	v12 =	vshrl.u32 v12, $0x3  }
0x23a: {  	v14 =	vshrl.u32 v14, $0x3;
	v15 =	vshrl.u32 v15, $0x3;
	v4 =	vor.u32 $0x1, v3  }
0x23b: {  	v5 =	vor.u32 $0x2, v3;
	v7 =	vor.u32 $0x4, v3;
	v10 =	vshll.u32 v10, v1  }
0x23c: {  	v8 =	vor.u32 $0x5, v3;
	v11 =	vshll.u32 v11, v1;
	v10 =	vadd.s32 v3, v10  }
0x23d: {  	v12 =	vshll.u32 v12, v1;
	v11 =	vadd.s32 v11, v4;
	v10 =	vbroadcast v10, $0x0  }
0x23e: {  	s10 =	smul.u32 $0x5000, s10;
	v14 =	vshll.u32 v14, v1;
	v12 =	vadd.s32 v12, v5;
	v11 =	vbroadcast v11, $0x0  }
0x23f: {  	s30 =	simm.s32 $0x6;
	v15 =	vshll.u32 v15, v1;
	v14 =	vadd.s32 v14, v7;
	v12 =	vbroadcast v12, $0x0  }
0x240: {  	v16 =	vmov s30;
	s12 =	simm.s32 $0x7;
	s11 =	sshrl.u32 s10, $0x2;
	v15 =	vadd.s32 v15, v8;
	v14 =	vbroadcast v14, $0x0  }
0x241: {  	v16 =	vshrl.u32 v16, $0x3;
	v17 =	vmov s12;
	s10 =	sadd.s32 $0xC450, s11;
	v15 =	vbroadcast v15, $0x0  }
0x242: {  	v9 =	vor.u32 $0x6, v3;
	v16 =	vshll.u32 v16, v1;
	v17 =	vshrl.u32 v17, $0x3;
	v21 =	vld [tilespmem:s10+$0xFFFFFF20]  }
0x243: {  	v2 =	vor.u32 $0x7, v3;
	v16 =	vadd.s32 v16, v9;
	v17 =	vshll.u32 v17, v1;
	v18 =	vld.idx.msk [tilespmem:v10+s21+$0x0], $0xffff  }
0x244: {  	v10 =	vbroadcast v16, $0x0;
	v16 =	vadd.s32 v17, v2;
	v17 =	vld.idx.msk [tilespmem:v11+s21+$0x0], $0xffff  }
0x245: {  	v19 =	vld.idx.msk [tilespmem:v12+s21+$0x0], $0xffff;
	v16 =	vbroadcast v16, $0x0  }
0x246: {  	s28 =	simm.s32 $0x3;
	v20 =	vld.idx.msk [tilespmem:v14+s21+$0x0], $0xffff  }
0x247: {  	v13 =	vmov s28;
	v12 =	vld.idx.msk [tilespmem:v15+s21+$0x0], $0xffff  }
0x248: {  	v13 =	vshrl.u32 v13, $0x3;
	v14 =	vld [tilespmem:s10+$0xF0]  }
0x249: {  	v6 =	vor.u32 $0x3, v3;
	v13 =	vshll.u32 v13, v1;
	v15 =	vld [tilespmem:s10+$0xFFFFFF00]  }
0x24a: {  	v13 =	vadd.s32 v13, v6;
	v11 =	vld.idx.msk [tilespmem:v10+s21+$0x0], $0xffff  }
0x24b: {  	v13 =	vbroadcast v13, $0x0;
	v10 =	vld.idx.msk [tilespmem:v16+s21+$0x0], $0xffff  }
0x24c: {  	v16 =	vld [tilespmem:s10+$0xFFFFFF10]  }
0x24d: {  	v22 =	vld [tilespmem:s10+$0xFFFFFF30]  }
0x24e: {  	v23 =	vld [tilespmem:s10+$0xFFFFFF40]  }
0x24f: {  	v24 =	vld [tilespmem:s10+$0xFFFFFF50];
	v15 =	vmul.f32 v15, v18  }
0x250: {  	v25 =	vld [tilespmem:s10+$0xFFFFFF60];
	v14 =	vmul.f32 v14, v10  }
0x251: {  	v13 =	vld.idx.msk [tilespmem:v13+s21+$0x0], $0xffff;
	[tilespmem:s10+$0xFFFFFF00] =	vst v15;
	v16 =	vmul.f32 v16, v18  }
0x252: {  	v15 =	vld [tilespmem:s10+$0xFFFFFF70];
	[tilespmem:s10+$0xF0] =	vst v14;
	v14 =	vmul.f32 v21, v18  }
0x253: {  	[tilespmem:s10+$0xFFFFFF10] =	vst v16;
	v16 =	vmul.f32 v22, v18;
	v18 =	vld [tilespmem:s10+$0xFFFFFF80]  }
0x254: {  	v21 =	vld [tilespmem:s10+$0xFFFFFF90];
	[tilespmem:s10+$0xFFFFFF20] =	vst v14;
	v14 =	vmul.f32 v23, v17  }
0x255: {  	v22 =	vld [tilespmem:s10+$0xFFFFFFA0];
	[tilespmem:s10+$0xFFFFFF30] =	vst v16;
	v16 =	vmul.f32 v24, v17  }
0x256: {  	s25 =	simm.s32 $0xB;
	v23 =	vld [tilespmem:s10+$0xFFFFFFB0];
	[tilespmem:s10+$0xFFFFFF40] =	vst v14;
	v14 =	vmul.f32 v25, v17  }
0x257: {  	s28 =	simm.s32 $0xC;
	s29 =	simm.s32 $0xD;
	v26 =	vmov s25;
	v15 =	vmul.f32 v15, v17;
	[tilespmem:s10+$0xFFFFFF50] =	vst v16;
	v16 =	vld [tilespmem:s10+$0xFFFFFFC0]  }
0x258: {  	s13 =	simm.s32 $0x8;
	s30 =	simm.s32 $0xE;
	v27 =	vmov s28;
	v28 =	vmov s29;
	[tilespmem:s10+$0xFFFFFF60] =	vst v14;
	v14 =	vmul.f32 v18, v19;
	v18 =	vld [tilespmem:s10+$0xFFFFFFD0]  }
0x259: {  	v29 =	vmov s30;
	[tilespmem:s10+$0xFFFFFF70] =	vst v15;
	v24 =	vmov s13;
	v15 =	vmul.f32 v21, v19;
	v21 =	vld [tilespmem:s10+$0xFFFFFFE0]  }
0x25a: {  	s14 =	simm.s32 $0x9;
	v62 =	vshrl.u32 v29, $0x3;
	v17 =	vshrl.u32 v24, $0x3;
	[tilespmem:s10+$0xFFFFFF80] =	vst v14;
	v14 =	vmul.f32 v22, v19;
	v22 =	vld [tilespmem:s10+$0xFFFFFFF0]  }
0x25b: {  	s16 =	simm.s32 $0xA;
	v24 =	vmov s14;
	v17 =	vshll.u32 v17, v1;
	[tilespmem:s10+$0xFFFFFF90] =	vst v15;
	v15 =	vmul.f32 v23, v19;
	v19 =	vld [tilespmem:s10+$0x0]  }
0x25c: {  	v25 =	vmov s16;
	v17 =	vadd.s32 v3, v17;
	[tilespmem:s10+$0xFFFFFFA0] =	vst v14;
	v14 =	vmul.f32 v16, v13;
	v16 =	vld [tilespmem:s10+$0x10]  }
0x25d: {  	v23 =	vshrl.u32 v24, $0x3;
	v24 =	vshrl.u32 v25, $0x3;
	[tilespmem:s10+$0xFFFFFFB0] =	vst v15;
	v15 =	vmul.f32 v18, v13;
	v18 =	vld [tilespmem:s10+$0x20]  }
0x25e: {  	v25 =	vshrl.u32 v26, $0x3;
	v26 =	vshrl.u32 v27, $0x3;
	[tilespmem:s10+$0xFFFFFFC0] =	vst v14;
	v14 =	vmul.f32 v21, v13;
	v21 =	vld [tilespmem:s10+$0x30]  }
0x25f: {  	v27 =	vshrl.u32 v28, $0x3;
	v28 =	vshll.u32 v62, v1;
	[tilespmem:s10+$0xFFFFFFD0] =	vst v15;
	v13 =	vmul.f32 v22, v13;
	v22 =	vld [tilespmem:s10+$0x40]  }
0x260: {  	v23 =	vshll.u32 v23, v1;
	v24 =	vshll.u32 v24, v1;
	v15 =	vmul.f32 v19, v20;
	v19 =	vld [tilespmem:s10+$0x50];
	[tilespmem:s10+$0xFFFFFFE0] =	vst v14  }
0x261: {  	v63 =	vld [tilespmem:s10+$0x60];
	v25 =	vshll.u32 v25, v1;
	v26 =	vshll.u32 v26, v1;
	[tilespmem:s10+$0xFFFFFFF0] =	vst v13;
	v13 =	vmul.f32 v16, v20  }
0x262: {  	v27 =	vshll.u32 v27, v1;
	v25 =	vadd.s32 v25, v6;
	[tilespmem:s10+$0x0] =	vst v15;
	v15 =	vld [tilespmem:s10+$0x70];
	v16 =	vmul.f32 v18, v20  }
0x263: {  	v14 =	vbroadcast v17, $0x0;
	v17 =	vadd.s32 v23, v4;
	[tilespmem:s10+$0x10] =	vst v13;
	v20 =	vmul.f32 v21, v20;
	v13 =	vld [tilespmem:s10+$0x80]  }
0x264: {  	v23 =	vadd.s32 v24, v5;
	v21 =	vadd.s32 v26, v7;
	[tilespmem:s10+$0x20] =	vst v16;
	v26 =	vmul.f32 v22, v12;
	v16 =	vld [tilespmem:s10+$0x90]  }
0x265: {  	v18 =	vbroadcast v17, $0x0;
	v17 =	vld [tilespmem:s10+$0xA0];
	v22 =	vadd.s32 v27, v8;
	v24 =	vmul.f32 v19, v12;
	[tilespmem:s10+$0x30] =	vst v20  }
0x266: {  	s12 =	simm.s32 $0x10;
	s11 =	sor.u32 $0xC350, s11;
	s13 =	simm.s32 $0xF;
	v19 =	vld [tilespmem:s10+$0xB0];
	v20 =	vbroadcast v23, $0x0;
	v23 =	vadd.s32 v28, v9;
	[tilespmem:s10+$0x40] =	vst v26;
	v26 =	vmul.f32 v63, v12  }
.LBB2_13:
0x267: {  	p5 =	slt.u32 s12, $0x48;
	v25 =	vbroadcast v25, $0x0;
	v27 =	vmov s13;
	[tilespmem:s10+$0x50] =	vst v24;
	v12 =	vmul.f32 v15, v12;
	v15 =	vld [tilespmem:s10+$0xC0]  }
0x268: {  	v21 =	vbroadcast v21, $0x0;
	v24 =	vshrl.u32 v27, $0x3;
	[tilespmem:s10+$0x60] =	vst v26;
	v13 =	vmul.f32 v13, v11;
	v26 =	vld [tilespmem:s10+$0xD0]  }
0x269: {  	v22 =	vbroadcast v22, $0x0;
	v24 =	vshll.u32 v24, v1;
	[tilespmem:s10+$0x70] =	vst v12;
	v12 =	vmul.f32 v16, v11;
	v16 =	vld [tilespmem:s10+$0xE0]  }
0x26a: {  	v23 =	vbroadcast v23, $0x0;
	v14 =	vld.idx.msk [tilespmem:v14+s21+$0x0], $0xffff;
	v24 =	vadd.s32 v24, v2;
	[tilespmem:s10+$0x80] =	vst v13;
	v13 =	vmul.f32 v17, v11  }
0x26b: {  	v17 =	vld.idx.msk [tilespmem:v18+s21+$0x0], $0xffff;
	v18 =	vbroadcast v24, $0x0;
	[tilespmem:s10+$0x90] =	vst v12;
	v11 =	vmul.f32 v19, v11  }
0x26c: {  	v19 =	vld.idx.msk [tilespmem:v20+s21+$0x0], $0xffff;
	[tilespmem:s10+$0xA0] =	vst v13;
	v12 =	vmul.f32 v15, v10  }
0x26d: {  	v15 =	vld.idx.msk [tilespmem:v25+s21+$0x0], $0xffff;
	[tilespmem:s10+$0xB0] =	vst v11;
	v11 =	vmul.f32 v26, v10  }
0x26e: {  	v13 =	vld.idx.msk [tilespmem:v21+s21+$0x0], $0xffff;
	[tilespmem:s10+$0xC0] =	vst v12;
	v10 =	vmul.f32 v16, v10  }
0x26f: {  	v12 =	vld.idx.msk [tilespmem:v22+s21+$0x0], $0xffff;
	[tilespmem:s10+$0xD0] =	vst v11  }
0x270: {  	v11 =	vld.idx.msk [tilespmem:v23+s21+$0x0], $0xffff;
	[tilespmem:s10+$0xE0] =	vst v10  }
0x271: {  	s10 =	sadd.s32 $0x200, s10;
	v10 =	vld.idx.msk [tilespmem:v18+s21+$0x0], $0xffff  }
0x272: {  	v16 =	vld [tilespmem:s10+$0xF0]  }
0x273: {  	v18 =	vld [tilespmem:s10+$0xFFFFFF00]  }
0x274: {  	v20 =	vld [tilespmem:s10+$0xFFFFFF10]  }
0x275: {  	v21 =	vld [tilespmem:s10+$0xFFFFFF20]  }
0x276: {  	v22 =	vld [tilespmem:s10+$0xFFFFFF30]  }
0x277: {  	v23 =	vld [tilespmem:s10+$0xFFFFFF40];
	v16 =	vmul.f32 v16, v10  }
0x278: {  	v18 =	vmul.f32 v18, v14;
	v24 =	vld [tilespmem:s10+$0xFFFFFF50]  }
0x279: {  	v20 =	vmul.f32 v20, v14;
	v25 =	vld [tilespmem:s10+$0xFFFFFF60];
	[tilespmem:s10+$0xF0] =	vst v16  }
0x27a: {  	[tilespmem:s10+$0xFFFFFF00] =	vst v18;
	v16 =	vmul.f32 v21, v14;
	v18 =	vld [tilespmem:s10+$0xFFFFFF70]  }
0x27b: {  	[tilespmem:s10+$0xFFFFFF10] =	vst v20;
	v14 =	vmul.f32 v22, v14;
	v20 =	vld [tilespmem:s10+$0xFFFFFF80]  }
0x27c: {  	[tilespmem:s10+$0xFFFFFF20] =	vst v16;
	v16 =	vmul.f32 v23, v17;
	v21 =	vld [tilespmem:s10+$0xFFFFFF90]  }
0x27d: {  	[tilespmem:s10+$0xFFFFFF30] =	vst v14;
	v14 =	vmul.f32 v24, v17;
	v22 =	vld [tilespmem:s10+$0xFFFFFFA0]  }
0x27e: {  	[tilespmem:s10+$0xFFFFFF40] =	vst v16;
	v16 =	vmul.f32 v25, v17;
	v23 =	vld [tilespmem:s10+$0xFFFFFFB0]  }
0x27f: {  	s13 =	sadd.s32 $0x1, s12;
	v24 =	vmov s12;
	[tilespmem:s10+$0xFFFFFF50] =	vst v14;
	v14 =	vmul.f32 v18, v17;
	v17 =	vld [tilespmem:s10+$0xFFFFFFC0]  }
0x280: {  	s14 =	sadd.s32 $0x3, s12;
	v18 =	vshrl.u32 v24, $0x3;
	v24 =	vmov s13;
	s13 =	sadd.s32 $0x2, s12;
	[tilespmem:s10+$0xFFFFFF60] =	vst v16;
	v16 =	vmul.f32 v20, v19;
	v20 =	vld [tilespmem:s10+$0xFFFFFFD0]  }
0x281: {  	v26 =	vmov s14;
	s14 =	sadd.s32 $0x5, s12;
	v25 =	vmov s13;
	s13 =	sadd.s32 $0x4, s12;
	[tilespmem:s10+$0xFFFFFF70] =	vst v14;
	v14 =	vmul.f32 v21, v19;
	v21 =	vld [tilespmem:s10+$0xFFFFFFE0]  }
0x282: {  	v28 =	vmov s14;
	v27 =	vmov s13;
	s13 =	sadd.s32 $0x6, s12;
	[tilespmem:s10+$0xFFFFFF80] =	vst v16;
	v16 =	vmul.f32 v22, v19;
	v22 =	vld [tilespmem:s10+$0xFFFFFFF0]  }
0x283: {  	v18 =	vshll.u32 v18, v1;
	v29 =	vmov s13;
	[tilespmem:s10+$0xFFFFFF90] =	vst v14;
	v14 =	vmul.f32 v23, v19;
	v19 =	vld [tilespmem:s10+$0x0]  }
0x284: {  	v23 =	vshrl.u32 v24, $0x3;
	v24 =	vshrl.u32 v25, $0x3;
	[tilespmem:s10+$0xFFFFFFA0] =	vst v16;
	v16 =	vmul.f32 v17, v15;
	v17 =	vld [tilespmem:s10+$0x10]  }
0x285: {  	v25 =	vshrl.u32 v26, $0x3;
	v26 =	vshrl.u32 v27, $0x3;
	[tilespmem:s10+$0xFFFFFFB0] =	vst v14;
	v14 =	vmul.f32 v20, v15;
	v20 =	vld [tilespmem:s10+$0x20]  }
0x286: {  	v27 =	vshrl.u32 v28, $0x3;
	v28 =	vshrl.u32 v29, $0x3;
	[tilespmem:s10+$0xFFFFFFC0] =	vst v16;
	v16 =	vmul.f32 v21, v15;
	v21 =	vld [tilespmem:s10+$0x30]  }
0x287: {  	v18 =	vadd.s32 v3, v18;
	v23 =	vshll.u32 v23, v1;
	[tilespmem:s10+$0xFFFFFFD0] =	vst v14;
	v14 =	vmul.f32 v22, v15;
	v22 =	vld [tilespmem:s10+$0x40]  }
0x288: {  	v24 =	vshll.u32 v24, v1;
	v25 =	vshll.u32 v25, v1;
	[tilespmem:s10+$0xFFFFFFE0] =	vst v16;
	v15 =	vmul.f32 v19, v13;
	v19 =	vld [tilespmem:s10+$0x50]  }
0x289: {  	v16 =	vshll.u32 v26, v1;
	v26 =	vshll.u32 v27, v1;
	[tilespmem:s10+$0xFFFFFFF0] =	vst v14;
	v17 =	vmul.f32 v17, v13;
	v27 =	vld [tilespmem:s10+$0x60]  }
.Ltmp5:
0x28a: {  	v28 =	vshll.u32 v28, v1;
	v14 =	vbroadcast v18, $0x0;
	[tilespmem:s10+$0x0] =	vst v15;
	v18 =	vmul.f32 v20, v13;
	v15 =	vld [tilespmem:s10+$0x70];
	(pc) =	sbr.rel @p5 .LBB2_13-.Ltmp5, $4  }
0x28b: {  	v20 =	vadd.s32 v23, v4;
	v23 =	vadd.s32 v24, v5;
	[tilespmem:s10+$0x10] =	vst v17;
	v17 =	vmul.f32 v21, v13;
	v13 =	vld [tilespmem:s10+$0x80]  }
0x28c: {  	v25 =	vadd.s32 v25, v6;
	v21 =	vadd.s32 v16, v7;
	[tilespmem:s10+$0x20] =	vst v18;
	v29 =	vmul.f32 v22, v12;
	v16 =	vld [tilespmem:s10+$0x90]  }
0x28d: {  	v18 =	vbroadcast v20, $0x0;
	v22 =	vadd.s32 v26, v8;
	[tilespmem:s10+$0x30] =	vst v17;
	v24 =	vmul.f32 v19, v12;
	v17 =	vld [tilespmem:s10+$0xA0]  }
0x28e: {  	s13 =	sadd.s32 $0x7, s12;
	s12 =	sadd.s32 $0x8, s12;
	v20 =	vbroadcast v23, $0x0;
	v23 =	vadd.s32 v28, v9;
	[tilespmem:s10+$0x40] =	vst v29;
	v26 =	vmul.f32 v27, v12;
	v19 =	vld [tilespmem:s10+$0xB0]  }
0x28f: {  	_ = 	snop  }
0x290: {  	v5 =	vld [tilespmem:s10+$0xC0]  }
0x291: {  	v7 =	vld [tilespmem:s10+$0xD0]  }
0x292: {  	v9 =	vld [tilespmem:s10+$0xE0]  }
0x293: {  	v50 =	vld.idx.msk [tilespmem:v14+s21+$0x0], $0xffff  }
0x294: {  	v18 =	vld.idx.msk [tilespmem:v18+s21+$0x0], $0xffff  }
0x295: {  	s12 =	sadd.s32 $0x200, s10;
	v20 =	vld.idx.msk [tilespmem:v20+s21+$0x0], $0xffff  }
0x296: {  	v54 =	vld [tilespmem:s12+$0xF0]  }
0x297: {  	v56 =	vld [tilespmem:s12+$0xFFFFFF00]  }
0x298: {  	v57 =	vld [tilespmem:s12+$0xFFFFFF10]  }
0x299: {  	[tilespmem:s10+$0x50] =	vst v24;
	v12 =	vmul.f32 v15, v12;
	v58 =	vld [tilespmem:s12+$0xFFFFFF20]  }
0x29a: {  	[tilespmem:s10+$0x60] =	vst v26;
	v13 =	vmul.f32 v13, v11;
	v60 =	vld [tilespmem:s12+$0xFFFFFF30]  }
0x29b: {  	v61 =	vld [tilespmem:s12+$0xFFFFFF40];
	[tilespmem:s10+$0x70] =	vst v12;
	v52 =	vmul.f32 v16, v11  }
0x29c: {  	v6 =	vbroadcast v21, $0x0;
	v21 =	vld [tilespmem:s12+$0xFFFFFF60];
	[tilespmem:s10+$0x80] =	vst v13;
	v53 =	vmul.f32 v17, v11  }
0x29d: {  	v51 =	vbroadcast v23, $0x0;
	v23 =	vld [tilespmem:s12+$0xFFFFFF70];
	[tilespmem:s10+$0x90] =	vst v52;
	v55 =	vmul.f32 v19, v11  }
0x29e: {  	v24 =	vld [tilespmem:s12+$0xFFFFFF80];
	[tilespmem:s10+$0xA0] =	vst v53;
	v5 =	vmul.f32 v5, v10  }
0x29f: {  	v26 =	vld [tilespmem:s12+$0xFFFFFF90];
	v7 =	vmul.f32 v7, v10;
	[tilespmem:s10+$0xB0] =	vst v55  }
0x2a0: {  	v28 =	vld [tilespmem:s12+$0xFFFFFFA0];
	v59 =	vmul.f32 v9, v10;
	[tilespmem:s10+$0xC0] =	vst v5  }
0x2a1: {  	v4 =	vmov s13;
	v30 =	vld [tilespmem:s12+$0xFFFFFFB0];
	v63 =	vmul.f32 v56, v50;
	[tilespmem:s10+$0xD0] =	vst v7  }
0x2a2: {  	v3 =	vbroadcast v25, $0x0;
	v4 =	vshrl.u32 v4, $0x3;
	v32 =	vld [tilespmem:s12+$0xFFFFFFC0];
	v13 =	vmul.f32 v57, v50;
	[tilespmem:s10+$0xE0] =	vst v59  }
0x2a3: {  	v8 =	vbroadcast v22, $0x0;
	v34 =	vld [tilespmem:s12+$0xFFFFFFD0];
	v4 =	vshll.u32 v4, v1;
	v22 =	vmul.f32 v58, v50;
	[tilespmem:s12+$0xFFFFFF00] =	vst v63  }
0x2a4: {  	v36 =	vld [tilespmem:s12+$0xFFFFFFE0];
	v2 =	vadd.s32 v4, v2;
	v4 =	vmul.f32 v60, v50;
	[tilespmem:s12+$0xFFFFFF10] =	vst v13  }
0x2a5: {  	v38 =	vld [tilespmem:s12+$0xFFFFFFF0];
	v25 =	vmul.f32 v61, v18;
	[tilespmem:s12+$0xFFFFFF20] =	vst v22  }
0x2a6: {  	v40 =	vld [tilespmem:s12+$0x0];
	v29 =	vmul.f32 v21, v18;
	[tilespmem:s12+$0xFFFFFF30] =	vst v4  }
0x2a7: {  	v19 =	vld [tilespmem:s12+$0xFFFFFF50];
	v31 =	vmul.f32 v23, v18;
	[tilespmem:s12+$0xFFFFFF40] =	vst v25  }
0x2a8: {  	v3 =	vld.idx.msk [tilespmem:v3+s21+$0x0], $0xffff;
	v33 =	vmul.f32 v24, v20;
	[tilespmem:s12+$0xFFFFFF60] =	vst v29  }
0x2a9: {  	v42 =	vld [tilespmem:s12+$0x10];
	v35 =	vmul.f32 v26, v20;
	[tilespmem:s12+$0xFFFFFF70] =	vst v31  }
0x2aa: {  	v44 =	vld [tilespmem:s12+$0x20];
	v37 =	vmul.f32 v28, v20;
	[tilespmem:s12+$0xFFFFFF80] =	vst v33  }
0x2ab: {  	v46 =	vld [tilespmem:s12+$0x30];
	v2 =	vbroadcast v2, $0x0;
	v39 =	vmul.f32 v30, v20;
	[tilespmem:s12+$0xFFFFFF90] =	vst v35  }
0x2ac: {  	v6 =	vld.idx.msk [tilespmem:v6+s21+$0x0], $0xffff;
	[tilespmem:s12+$0xFFFFFFA0] =	vst v37;
	v27 =	vmul.f32 v19, v18  }
0x2ad: {  	v47 =	vld [tilespmem:s12+$0x40];
	[tilespmem:s12+$0xFFFFFFB0] =	vst v39;
	v41 =	vmul.f32 v32, v3  }
0x2ae: {  	v49 =	vld [tilespmem:s12+$0x50];
	[tilespmem:s12+$0xFFFFFF50] =	vst v27;
	v43 =	vmul.f32 v34, v3  }
0x2af: {  	v8 =	vld.idx.msk [tilespmem:v8+s21+$0x0], $0xffff;
	v45 =	vmul.f32 v36, v3;
	[tilespmem:s12+$0xFFFFFFC0] =	vst v41  }
0x2b0: {  	v50 =	vld [tilespmem:s12+$0x60];
	v3 =	vmul.f32 v38, v3;
	[tilespmem:s12+$0xFFFFFFD0] =	vst v43  }
0x2b1: {  	v2 =	vld.idx.msk [tilespmem:v2+s21+$0x0], $0xffff;
	v48 =	vmul.f32 v40, v6;
	[tilespmem:s12+$0xFFFFFFE0] =	vst v45  }
0x2b2: {  	v14 =	vld.idx.msk [tilespmem:v51+s21+$0x0], $0xffff;
	v51 =	vmul.f32 v44, v6;
	[tilespmem:s12+$0xFFFFFFF0] =	vst v3  }
0x2b3: {  	v53 =	vld [tilespmem:s12+$0x80];
	v3 =	vmul.f32 v42, v6;
	[tilespmem:s12+$0x0] =	vst v48  }
0x2b4: {  	v52 =	vld [tilespmem:s12+$0x70];
	v4 =	vmul.f32 v47, v8;
	[tilespmem:s12+$0x20] =	vst v51  }
0x2b5: {  	[tilespmem:s12+$0x10] =	vst v3;
	v3 =	vmul.f32 v46, v6  }
0x2b6: {  	v56 =	vmul.f32 v50, v8;
	[tilespmem:s12+$0x40] =	vst v4;
	v62 =	vmul.f32 v54, v2;
	v54 =	vld [tilespmem:s12+$0x90]  }
0x2b7: {  	v58 =	vld [tilespmem:s12+$0xC0];
	[tilespmem:s12+$0x30] =	vst v3;
	v3 =	vmul.f32 v49, v8  }
0x2b8: {  	v57 =	vld [tilespmem:s12+$0xB0];
	v59 =	vmul.f32 v53, v14;
	[tilespmem:s12+$0x60] =	vst v56  }
0x2b9: {  	v55 =	vld [tilespmem:s12+$0xA0];
	[tilespmem:s12+$0x50] =	vst v3;
	v3 =	vmul.f32 v52, v8  }
0x2ba: {  	v60 =	vld [tilespmem:s12+$0xD0];
	[tilespmem:s12+$0x80] =	vst v59  }
0x2bb: {  	v61 =	vld [tilespmem:s12+$0xE0];
	[tilespmem:s12+$0x70] =	vst v3;
	v3 =	vmul.f32 v54, v14  }
0x2bc: {  	v63 =	vmul.f32 v58, v2;
	[tilespmem:s12+$0xF0] =	vst v62  }
0x2bd: {  	[tilespmem:s12+$0x90] =	vst v3;
	v3 =	vmul.f32 v57, v14  }
0x2be: {  	v62 =	vmul.f32 v55, v14;
	[tilespmem:s12+$0xC0] =	vst v63  }
0x2bf: {  	s0 =	smul.u32 $0x140, s0;
	p5 =	slt.u32 s7, $0x7D;
	[tilespmem:s12+$0xB0] =	vst v3;
	v3 =	vmul.f32 v60, v2  }
.Ltmp6:
0x2c0: {  	[tilespmem:s12+$0xA0] =	vst v62;
	v2 =	vmul.f32 v61, v2;
	(pc) =	sbr.rel @p5 .LBB2_10-.Ltmp6, $4  }
0x2c1: {  	s0 =	sshra.s32 s0, $0x2;
	[tilespmem:s12+$0xD0] =	vst v3  }
0x2c2: {  	s0 =	sadd.s32 $0x7530, s0;
	[tilespmem:s12+$0xE0] =	vst v2  }
0x2c3: {  	[spmem:s2] =	stream.indirect.scatter.add.f32 [tilespmem:s11], [sflag:$0x2], $0x40, s0, s8, $0xb8;
	[tilespmem:$0x1B210] =	vst v63  }
0x2c4: {  	s0 =	smov.u32 s7  }
0x2c5: {  	_ =	swait.ge [sflag:s15], $0x1400  }
0x2c6: {  	[sflag:s15] =	ssyncset.done $0x0  }
0x2c7: {  	[sflag:s15] =	ssyncadd.s32 $0xFFFFEC00  }
0x2c8: {  	[bflag:$0x0] =	sbarrier.arrive $0xFFFF  }
0x2c9: {  	s12 =	rddreg [dreg:$0xa]  }
0x2ca: {  	s0 =	simm.s32 @p3 $0x1FC4;
	s11 =	rddreg [dreg:$0xf];
	s28 =	sshrl.u32 @p3 s12, $0x3  }
0x2cb: {  	[hbm:s11], [sflag:s0] =	dma.local @p3 [spmem:s28], $0x1400  }
0x2cc: {  	s0 =	simm.s32 @p3 $0x4  }
0x2cd: {  	s10 =	stileid.u32;
	_ =	swait.ge @p3 [sflag:s0], $0x1400  }
0x2ce: {  	s30 =	sshrl.u32 @!p3 s9, $0x3;
	s7 =	sshll.u32 @!p3 s10, $0x6;
	[sflag:s0] =	ssyncset.done @p3 $0x0  }
0x2cf: {  	s29 =	sor.u32 @!p3 $0x1C04, s7;
	s7 =	simm.s32 @!p3 $0x4;
	[sflag:s0] =	ssyncadd.s32 @p3 $0xFFFFEC00  }
0x2d0: {  	[hbm:s11], [sflag:s29] =	dma.local @!p3 [spmem:s30], $0x1380  }
0x2d1: {  	s10 =	sshll.u32 @p4 s10, $0x6;
	_ =	swait.ge @!p3 [sflag:s7], $0x1380  }
0x2d2: {  	s10 =	sor.u32 @p4 $0x1C04, s10;
	[sflag:s7] =	ssyncset.done @!p3 $0x0  }
0x2d3: {  	s11 =	sshrl.u32 @p4 s3, $0x3;
	s13 =	rddreg [dreg:$0x12];
	[sflag:s7] =	ssyncadd.s32 @!p3 $0xFFFFEC80  }
0x2d4: {  	[hbm:s13], [sflag:s10] =	dma.local @p4 [spmem:s11], $0x500  }
0x2d5: {  	s10 =	simm.s32 @p4 $0x4  }
0x2d6: {  	_ =	swait.ge @p4 [sflag:s10], $0x500  }
0x2d7: {  	[sflag:s10] =	ssyncset.done @p4 $0x0  }
0x2d8: {  	[sflag:s10] =	ssyncadd.s32 @p4 $0xFFFFFB00;
	s10 =	simm.s32 @p3 $0xEB50  }
0x2d9: {  	[spmem:s12] =	stream.linear.scatter @p3 [tilespmem:s10], [sflag:$0x4], $0x2000, $0x38;
	[tilespmem:$0x1B210] =	vst v63  }
0x2da: {  	_ =	swait.ge @p3 [sflag:s0], $0x2000  }
0x2db: {  	[sflag:s0] =	ssyncset.done @p3 $0x0  }
0x2dc: {  	s11 =	rddreg [dreg:$0xb];
	[sflag:s0] =	ssyncadd.s32 @p3 $0xFFFFE000  }
0x2dd: {  	[spmem:s11] =	stream.linear.scatter @p3 [tilespmem:s10], [sflag:$0x4], $0x2000, $0x38;
	[tilespmem:$0x1B210] =	vst v63  }
0x2de: {  	_ =	swait.ge @p3 [sflag:s0], $0x2000  }
0x2df: {  	[sflag:s0] =	ssyncset.done @p3 $0x0  }
0x2e0: {  	s11 =	rddreg [dreg:$0xc];
	[sflag:s0] =	ssyncadd.s32 @p3 $0xFFFFE000  }
0x2e1: {  	[spmem:s11] =	stream.linear.scatter @p3 [tilespmem:s10], [sflag:$0x4], $0x2000, $0x38;
	[tilespmem:$0x1B210] =	vst v63  }
0x2e2: {  	_ =	swait.ge @p3 [sflag:s0], $0x2000  }
0x2e3: {  	[sflag:s0] =	ssyncset.done @p3 $0x0  }
0x2e4: {  	s11 =	rddreg [dreg:$0xd];
	[sflag:s0] =	ssyncadd.s32 @p3 $0xFFFFE000  }
0x2e5: {  	[spmem:s11] =	stream.linear.scatter @p3 [tilespmem:s10], [sflag:$0x4], $0x2000, $0x38;
	[tilespmem:$0x1B210] =	vst v63  }
0x2e6: {  	_ =	swait.ge @p3 [sflag:s0], $0x2000  }
0x2e7: {  	[sflag:s0] =	ssyncset.done @p3 $0x0  }
0x2e8: {  	s11 =	rddreg [dreg:$0xe];
	[sflag:s0] =	ssyncadd.s32 @p3 $0xFFFFE000  }
0x2e9: {  	[spmem:s11] =	stream.linear.scatter @p3 [tilespmem:s10], [sflag:$0x4], $0x2000, $0x38;
	[tilespmem:$0x1B210] =	vst v63  }
0x2ea: {  	_ =	swait.ge @p3 [sflag:s0], $0x2000  }
0x2eb: {  	[sflag:s0] =	ssyncset.done @p3 $0x0  }
0x2ec: {  	[sflag:s0] =	ssyncadd.s32 @p3 $0xFFFFE000;
	s0 =	simm.s32 @!p3 $0xEB50  }
0x2ed: {  	[spmem:s9] =	stream.linear.scatter @!p3 [tilespmem:s0], [sflag:$0x4], $0x1A00, $0x38;
	[tilespmem:$0x1B210] =	vst v63  }
0x2ee: {  	_ =	swait.ge @!p3 [sflag:s7], $0x1A00  }
0x2ef: {  	[sflag:s7] =	ssyncset.done @!p3 $0x0  }
0x2f0: {  	[sflag:s7] =	ssyncadd.s32 @!p3 $0xFFFFE600  }
0x2f1: {  	[spmem:s17] =	stream.linear.scatter @!p3 [tilespmem:s0], [sflag:$0x4], $0x1A00, $0x38;
	[tilespmem:$0x1B210] =	vst v63  }
0x2f2: {  	_ =	swait.ge @!p3 [sflag:s7], $0x1A00  }
0x2f3: {  	[sflag:s7] =	ssyncset.done @!p3 $0x0  }
0x2f4: {  	[sflag:s7] =	ssyncadd.s32 @!p3 $0xFFFFE600  }
0x2f5: {  	[spmem:s18] =	stream.linear.scatter @!p3 [tilespmem:s0], [sflag:$0x4], $0x1A00, $0x38;
	[tilespmem:$0x1B210] =	vst v63  }
0x2f6: {  	_ =	swait.ge @!p3 [sflag:s7], $0x1A00  }
0x2f7: {  	[sflag:s7] =	ssyncset.done @!p3 $0x0  }
0x2f8: {  	[sflag:s7] =	ssyncadd.s32 @!p3 $0xFFFFE600  }
0x2f9: {  	[spmem:s19] =	stream.linear.scatter @!p3 [tilespmem:s0], [sflag:$0x4], $0x1A00, $0x38;
	[tilespmem:$0x1B210] =	vst v63  }
0x2fa: {  	_ =	swait.ge @!p3 [sflag:s7], $0x1A00  }
0x2fb: {  	[sflag:s7] =	ssyncset.done @!p3 $0x0  }
0x2fc: {  	[sflag:s7] =	ssyncadd.s32 @!p3 $0xFFFFE600  }
0x2fd: {  	[spmem:s20] =	stream.linear.scatter @!p3 [tilespmem:s0], [sflag:$0x4], $0x1A00, $0x38;
	[tilespmem:$0x1B210] =	vst v63  }
0x2fe: {  	_ =	swait.ge @!p3 [sflag:s7], $0x1A00  }
0x2ff: {  	[sflag:s7] =	ssyncset.done @!p3 $0x0  }
0x300: {  	[sflag:s7] =	ssyncadd.s32 @!p3 $0xFFFFE600  }
0x301: {  	[spmem:s24] =	stream.linear.scatter @!p3 [tilespmem:s0], [sflag:$0x4], $0x1A00, $0x38;
	[tilespmem:$0x1B210] =	vst v63  }
0x302: {  	_ =	swait.ge @!p3 [sflag:s7], $0x1A00  }
0x303: {  	[sflag:s7] =	ssyncset.done @!p3 $0x0  }
0x304: {  	s16 =	stileid.u32;
	s14 =	simm.s32 $0x4E20;
	[sflag:s7] =	ssyncadd.s32 @!p3 $0xFFFFE600  }
0x305: {  	s25 =	simm.s32 $0xC350;
	s0 =	simm.s32 $0x0;
	[bflag:$0x0] =	sbarrier.arrive $0xFFFF  }
0x306: {  	[tilespmem:s25], [sflag:$0x1] =	stream.indirect.gather [hbm4b:s6+s8], $0x40, s14, s8, $0xb8;
	[tilespmem:$0x1B210] =	vst v63  }
.LBB2_16:
0x307: {  	p4 =	seq.s32 s0, $0x0  }
0x308: {  	p5 =	seq.s32 @!p4 s0, $0x7C  }
0x309: {  	_ =	swait.ge [sflag:s23], $0x1400;
	p5 =	por p4, !p5  }
.Ltmp7:
0x30a: {  	[sflag:s23] =	ssyncset.done $0x0;
	(pc) =	sbr.rel @!p5 .LBB2_18-.Ltmp7, $4  }
0x30b: {  	s7 =	simm.s32 @!p4 $0x2;
	[sflag:s23] =	ssyncadd.s32 $0xFFFFEC00  }
0x30c: {  	_ =	swait.ge @!p4 [sflag:s7], $0x1400  }
0x30d: {  	[sflag:s7] =	ssyncset.done @!p4 $0x0  }
0x30e: {  	s10 =	sand.u32 $0x1, s0;
	[sflag:s7] =	ssyncadd.s32 @!p4 $0xFFFFEC00;
	s7 =	simm.s32 @!p4 $0x7D  }
0x30f: {  	s7 =	sadd.s32 @!p4 $0x1, s0;
	s11 =	sxor.u32 $0x1, s10  }
0x310: {  	s7 =	simm.s32 @p4 $0x1;
	s11 =	smul.u32 $0x5000, s11  }
0x311: {  	s12 =	smul.u32 $0x140, s7;
	_ =	sdelay $0x1  }
0x312: {  	s11 =	sshrl.u32 s11, $0x2;
	s12 =	sshra.s32 s12, $0x2  }
0x313: {  	s11 =	sor.u32 $0xC350, s11;
	s12 =	sadd.s32 $0x4E20, s12  }
0x314: {  	[tilespmem:s11], [sflag:$0x1] =	stream.indirect.gather [hbm4b:s6+s8], $0x40, s12, s8, $0xb8;
	[tilespmem:$0x1B210] =	vst v63  }
.LBB2_18:
0x315: {  	v2 =	vmov s0  }
0x316: {  	s11 =	simm.s32 $0x0;
	s13 =	simm.s32 $0x1;
	s12 =	simm.s32 $0x2;
	v3 =	vmul.u32 $0x50, v2  }
0x317: {  	s14 =	simm.s32 $0x3;
	s25 =	simm.s32 $0x4;
	v10 =	vmov s11;
	v11 =	vmov s13;
	v12 =	vmov s12  }
0x318: {  	s13 =	simm.s32 $0x5;
	v13 =	vmov s14;
	v14 =	vmov s25;
	v10 =	vshrl.u32 v10, $0x3  }
0x319: {  	s14 =	simm.s32 $0x7;
	v15 =	vmov s13;
	v11 =	vshrl.u32 v11, $0x3;
	v12 =	vshrl.u32 v12, $0x3  }
0x31a: {  	v14 =	vshrl.u32 v14, $0x3;
	v17 =	vmov s14;
	v4 =	vor.u32 $0x1, v3  }
0x31b: {  	v5 =	vor.u32 $0x2, v3;
	v7 =	vor.u32 $0x4, v3;
	v10 =	vshll.u32 v10, v1  }
0x31c: {  	v8 =	vor.u32 $0x5, v3;
	v11 =	vshll.u32 v11, v1;
	v10 =	vadd.s32 v3, v10  }
0x31d: {  	v12 =	vshll.u32 v12, v1;
	v11 =	vadd.s32 v11, v4;
	v10 =	vbroadcast v10, $0x0  }
0x31e: {  	s10 =	smul.u32 $0x5000, s10;
	v14 =	vshll.u32 v14, v1;
	v12 =	vadd.s32 v12, v5;
	v11 =	vbroadcast v11, $0x0  }
0x31f: {  	s13 =	simm.s32 $0x6;
	v15 =	vshrl.u32 v15, $0x3;
	v14 =	vadd.s32 v14, v7;
	v12 =	vbroadcast v12, $0x0  }
0x320: {  	s11 =	sshrl.u32 s10, $0x2;
	v16 =	vmov s13;
	v15 =	vshll.u32 v15, v1;
	v14 =	vbroadcast v14, $0x0  }
0x321: {  	v9 =	vor.u32 $0x6, v3;
	s10 =	sadd.s32 $0xC450, s11;
	v16 =	vshrl.u32 v16, $0x3;
	v15 =	vadd.s32 v15, v8  }
0x322: {  	v17 =	vshrl.u32 v17, $0x3;
	v21 =	vld [tilespmem:s10+$0xFFFFFF20];
	v16 =	vshll.u32 v16, v1;
	v15 =	vbroadcast v15, $0x0  }
0x323: {  	v2 =	vor.u32 $0x7, v3;
	v17 =	vshll.u32 v17, v1;
	v16 =	vadd.s32 v16, v9;
	v18 =	vld.idx.msk [tilespmem:v10+s21+$0x0], $0xffff  }
0x324: {  	v10 =	vbroadcast v16, $0x0;
	v16 =	vadd.s32 v17, v2;
	v17 =	vld.idx.msk [tilespmem:v11+s21+$0x0], $0xffff  }
0x325: {  	v19 =	vld.idx.msk [tilespmem:v12+s21+$0x0], $0xffff;
	v16 =	vbroadcast v16, $0x0  }
0x326: {  	v20 =	vld.idx.msk [tilespmem:v14+s21+$0x0], $0xffff  }
0x327: {  	v14 =	vld [tilespmem:s10+$0xF0]  }
0x328: {  	v13 =	vshrl.u32 v13, $0x3;
	v12 =	vld.idx.msk [tilespmem:v15+s21+$0x0], $0xffff  }
0x329: {  	v6 =	vor.u32 $0x3, v3;
	v13 =	vshll.u32 v13, v1;
	v15 =	vld [tilespmem:s10+$0xFFFFFF00]  }
0x32a: {  	v13 =	vadd.s32 v13, v6;
	v11 =	vld.idx.msk [tilespmem:v10+s21+$0x0], $0xffff  }
0x32b: {  	v13 =	vbroadcast v13, $0x0;
	v10 =	vld.idx.msk [tilespmem:v16+s21+$0x0], $0xffff  }
0x32c: {  	v16 =	vld [tilespmem:s10+$0xFFFFFF10]  }
0x32d: {  	v22 =	vld [tilespmem:s10+$0xFFFFFF30]  }
0x32e: {  	v23 =	vld [tilespmem:s10+$0xFFFFFF40]  }
0x32f: {  	v24 =	vld [tilespmem:s10+$0xFFFFFF50];
	v15 =	vmul.f32 v15, v18  }
0x330: {  	v25 =	vld [tilespmem:s10+$0xFFFFFF60];
	v14 =	vmul.f32 v14, v10  }
0x331: {  	v13 =	vld.idx.msk [tilespmem:v13+s21+$0x0], $0xffff;
	[tilespmem:s10+$0xFFFFFF00] =	vst v15;
	v16 =	vmul.f32 v16, v18  }
0x332: {  	v15 =	vld [tilespmem:s10+$0xFFFFFF70];
	[tilespmem:s10+$0xF0] =	vst v14;
	v14 =	vmul.f32 v21, v18  }
0x333: {  	[tilespmem:s10+$0xFFFFFF10] =	vst v16;
	v16 =	vmul.f32 v22, v18;
	v18 =	vld [tilespmem:s10+$0xFFFFFF80]  }
0x334: {  	v21 =	vld [tilespmem:s10+$0xFFFFFF90];
	[tilespmem:s10+$0xFFFFFF20] =	vst v14;
	v14 =	vmul.f32 v23, v17  }
0x335: {  	v22 =	vld [tilespmem:s10+$0xFFFFFFA0];
	[tilespmem:s10+$0xFFFFFF30] =	vst v16;
	v16 =	vmul.f32 v24, v17  }
0x336: {  	s25 =	simm.s32 $0x8;
	v23 =	vld [tilespmem:s10+$0xFFFFFFB0];
	[tilespmem:s10+$0xFFFFFF40] =	vst v14;
	v14 =	vmul.f32 v25, v17  }
0x337: {  	v15 =	vmul.f32 v15, v17;
	v24 =	vmov s25;
	s25 =	simm.s32 $0xB;
	[tilespmem:s10+$0xFFFFFF50] =	vst v16;
	v16 =	vld [tilespmem:s10+$0xFFFFFFC0]  }
0x338: {  	s14 =	simm.s32 $0xA;
	s13 =	simm.s32 $0x9;
	v26 =	vmov s25;
	v17 =	vshrl.u32 v24, $0x3;
	[tilespmem:s10+$0xFFFFFF60] =	vst v14;
	v14 =	vmul.f32 v18, v19;
	v18 =	vld [tilespmem:s10+$0xFFFFFFD0]  }
0x339: {  	[tilespmem:s10+$0xFFFFFF70] =	vst v15;
	s25 =	simm.s32 $0xE;
	v24 =	vmov s13;
	v25 =	vmov s14;
	s13 =	simm.s32 $0xC;
	v15 =	vmul.f32 v21, v19;
	v21 =	vld [tilespmem:s10+$0xFFFFFFE0]  }
0x33a: {  	s14 =	simm.s32 $0xD;
	v29 =	vmov s25;
	v27 =	vmov s13;
	[tilespmem:s10+$0xFFFFFF80] =	vst v14;
	v14 =	vmul.f32 v22, v19;
	v22 =	vld [tilespmem:s10+$0xFFFFFFF0]  }
0x33b: {  	v28 =	vmov s14;
	v17 =	vshll.u32 v17, v1;
	[tilespmem:s10+$0xFFFFFF90] =	vst v15;
	v15 =	vmul.f32 v23, v19;
	v19 =	vld [tilespmem:s10+$0x0]  }
0x33c: {  	v62 =	vshrl.u32 v29, $0x3;
	v17 =	vadd.s32 v3, v17;
	[tilespmem:s10+$0xFFFFFFA0] =	vst v14;
	v14 =	vmul.f32 v16, v13;
	v16 =	vld [tilespmem:s10+$0x10]  }
0x33d: {  	v23 =	vshrl.u32 v24, $0x3;
	v24 =	vshrl.u32 v25, $0x3;
	[tilespmem:s10+$0xFFFFFFB0] =	vst v15;
	v15 =	vmul.f32 v18, v13;
	v18 =	vld [tilespmem:s10+$0x20]  }
0x33e: {  	v25 =	vshrl.u32 v26, $0x3;
	v26 =	vshrl.u32 v27, $0x3;
	[tilespmem:s10+$0xFFFFFFC0] =	vst v14;
	v14 =	vmul.f32 v21, v13;
	v21 =	vld [tilespmem:s10+$0x30]  }
0x33f: {  	v27 =	vshrl.u32 v28, $0x3;
	v28 =	vshll.u32 v62, v1;
	[tilespmem:s10+$0xFFFFFFD0] =	vst v15;
	v13 =	vmul.f32 v22, v13;
	v22 =	vld [tilespmem:s10+$0x40]  }
0x340: {  	v23 =	vshll.u32 v23, v1;
	v24 =	vshll.u32 v24, v1;
	v15 =	vmul.f32 v19, v20;
	v19 =	vld [tilespmem:s10+$0x50];
	[tilespmem:s10+$0xFFFFFFE0] =	vst v14  }
0x341: {  	v63 =	vld [tilespmem:s10+$0x60];
	v25 =	vshll.u32 v25, v1;
	v26 =	vshll.u32 v26, v1;
	[tilespmem:s10+$0xFFFFFFF0] =	vst v13;
	v13 =	vmul.f32 v16, v20  }
0x342: {  	v27 =	vshll.u32 v27, v1;
	v25 =	vadd.s32 v25, v6;
	[tilespmem:s10+$0x0] =	vst v15;
	v15 =	vld [tilespmem:s10+$0x70];
	v16 =	vmul.f32 v18, v20  }
0x343: {  	v14 =	vbroadcast v17, $0x0;
	v17 =	vadd.s32 v23, v4;
	[tilespmem:s10+$0x10] =	vst v13;
	v20 =	vmul.f32 v21, v20;
	v13 =	vld [tilespmem:s10+$0x80]  }
0x344: {  	v23 =	vadd.s32 v24, v5;
	v21 =	vadd.s32 v26, v7;
	[tilespmem:s10+$0x20] =	vst v16;
	v26 =	vmul.f32 v22, v12;
	v16 =	vld [tilespmem:s10+$0x90]  }
0x345: {  	v18 =	vbroadcast v17, $0x0;
	v17 =	vld [tilespmem:s10+$0xA0];
	v22 =	vadd.s32 v27, v8;
	v24 =	vmul.f32 v19, v12;
	[tilespmem:s10+$0x30] =	vst v20  }
0x346: {  	s12 =	simm.s32 $0x10;
	s11 =	sor.u32 $0xC350, s11;
	s13 =	simm.s32 $0xF;
	v19 =	vld [tilespmem:s10+$0xB0];
	v20 =	vbroadcast v23, $0x0;
	v23 =	vadd.s32 v28, v9;
	[tilespmem:s10+$0x40] =	vst v26;
	v26 =	vmul.f32 v63, v12  }
.LBB2_19:
0x347: {  	p4 =	slt.u32 s12, $0x48;
	v25 =	vbroadcast v25, $0x0;
	v27 =	vmov s13;
	[tilespmem:s10+$0x50] =	vst v24;
	v12 =	vmul.f32 v15, v12;
	v15 =	vld [tilespmem:s10+$0xC0]  }
0x348: {  	v21 =	vbroadcast v21, $0x0;
	v24 =	vshrl.u32 v27, $0x3;
	[tilespmem:s10+$0x60] =	vst v26;
	v13 =	vmul.f32 v13, v11;
	v26 =	vld [tilespmem:s10+$0xD0]  }
0x349: {  	v22 =	vbroadcast v22, $0x0;
	v24 =	vshll.u32 v24, v1;
	[tilespmem:s10+$0x70] =	vst v12;
	v12 =	vmul.f32 v16, v11;
	v16 =	vld [tilespmem:s10+$0xE0]  }
0x34a: {  	v23 =	vbroadcast v23, $0x0;
	v14 =	vld.idx.msk [tilespmem:v14+s21+$0x0], $0xffff;
	v24 =	vadd.s32 v24, v2;
	[tilespmem:s10+$0x80] =	vst v13;
	v13 =	vmul.f32 v17, v11  }
0x34b: {  	v17 =	vld.idx.msk [tilespmem:v18+s21+$0x0], $0xffff;
	v18 =	vbroadcast v24, $0x0;
	[tilespmem:s10+$0x90] =	vst v12;
	v11 =	vmul.f32 v19, v11  }
0x34c: {  	v19 =	vld.idx.msk [tilespmem:v20+s21+$0x0], $0xffff;
	[tilespmem:s10+$0xA0] =	vst v13;
	v12 =	vmul.f32 v15, v10  }
0x34d: {  	v15 =	vld.idx.msk [tilespmem:v25+s21+$0x0], $0xffff;
	[tilespmem:s10+$0xB0] =	vst v11;
	v11 =	vmul.f32 v26, v10  }
0x34e: {  	v13 =	vld.idx.msk [tilespmem:v21+s21+$0x0], $0xffff;
	[tilespmem:s10+$0xC0] =	vst v12;
	v10 =	vmul.f32 v16, v10  }
0x34f: {  	v12 =	vld.idx.msk [tilespmem:v22+s21+$0x0], $0xffff;
	[tilespmem:s10+$0xD0] =	vst v11  }
0x350: {  	v11 =	vld.idx.msk [tilespmem:v23+s21+$0x0], $0xffff;
	[tilespmem:s10+$0xE0] =	vst v10  }
0x351: {  	s10 =	sadd.s32 $0x200, s10;
	v10 =	vld.idx.msk [tilespmem:v18+s21+$0x0], $0xffff  }
0x352: {  	v16 =	vld [tilespmem:s10+$0xF0]  }
0x353: {  	v18 =	vld [tilespmem:s10+$0xFFFFFF00]  }
0x354: {  	v20 =	vld [tilespmem:s10+$0xFFFFFF10]  }
0x355: {  	v21 =	vld [tilespmem:s10+$0xFFFFFF20]  }
0x356: {  	v22 =	vld [tilespmem:s10+$0xFFFFFF30]  }
0x357: {  	v23 =	vld [tilespmem:s10+$0xFFFFFF40];
	v16 =	vmul.f32 v16, v10  }
0x358: {  	v18 =	vmul.f32 v18, v14;
	v24 =	vld [tilespmem:s10+$0xFFFFFF50]  }
0x359: {  	v20 =	vmul.f32 v20, v14;
	v25 =	vld [tilespmem:s10+$0xFFFFFF60];
	[tilespmem:s10+$0xF0] =	vst v16  }
0x35a: {  	[tilespmem:s10+$0xFFFFFF00] =	vst v18;
	v16 =	vmul.f32 v21, v14;
	v18 =	vld [tilespmem:s10+$0xFFFFFF70]  }
0x35b: {  	[tilespmem:s10+$0xFFFFFF10] =	vst v20;
	v14 =	vmul.f32 v22, v14;
	v20 =	vld [tilespmem:s10+$0xFFFFFF80]  }
0x35c: {  	[tilespmem:s10+$0xFFFFFF20] =	vst v16;
	v16 =	vmul.f32 v23, v17;
	v21 =	vld [tilespmem:s10+$0xFFFFFF90]  }
0x35d: {  	[tilespmem:s10+$0xFFFFFF30] =	vst v14;
	v14 =	vmul.f32 v24, v17;
	v22 =	vld [tilespmem:s10+$0xFFFFFFA0]  }
0x35e: {  	[tilespmem:s10+$0xFFFFFF40] =	vst v16;
	v16 =	vmul.f32 v25, v17;
	v23 =	vld [tilespmem:s10+$0xFFFFFFB0]  }
0x35f: {  	s13 =	sadd.s32 $0x1, s12;
	v24 =	vmov s12;
	[tilespmem:s10+$0xFFFFFF50] =	vst v14;
	v14 =	vmul.f32 v18, v17;
	v17 =	vld [tilespmem:s10+$0xFFFFFFC0]  }
0x360: {  	s14 =	sadd.s32 $0x3, s12;
	v18 =	vshrl.u32 v24, $0x3;
	v24 =	vmov s13;
	s13 =	sadd.s32 $0x2, s12;
	[tilespmem:s10+$0xFFFFFF60] =	vst v16;
	v16 =	vmul.f32 v20, v19;
	v20 =	vld [tilespmem:s10+$0xFFFFFFD0]  }
0x361: {  	v26 =	vmov s14;
	s14 =	sadd.s32 $0x5, s12;
	v25 =	vmov s13;
	s13 =	sadd.s32 $0x4, s12;
	[tilespmem:s10+$0xFFFFFF70] =	vst v14;
	v14 =	vmul.f32 v21, v19;
	v21 =	vld [tilespmem:s10+$0xFFFFFFE0]  }
0x362: {  	v28 =	vmov s14;
	v27 =	vmov s13;
	s13 =	sadd.s32 $0x6, s12;
	[tilespmem:s10+$0xFFFFFF80] =	vst v16;
	v16 =	vmul.f32 v22, v19;
	v22 =	vld [tilespmem:s10+$0xFFFFFFF0]  }
0x363: {  	v18 =	vshll.u32 v18, v1;
	v29 =	vmov s13;
	[tilespmem:s10+$0xFFFFFF90] =	vst v14;
	v14 =	vmul.f32 v23, v19;
	v19 =	vld [tilespmem:s10+$0x0]  }
0x364: {  	v23 =	vshrl.u32 v24, $0x3;
	v24 =	vshrl.u32 v25, $0x3;
	[tilespmem:s10+$0xFFFFFFA0] =	vst v16;
	v16 =	vmul.f32 v17, v15;
	v17 =	vld [tilespmem:s10+$0x10]  }
0x365: {  	v25 =	vshrl.u32 v26, $0x3;
	v26 =	vshrl.u32 v27, $0x3;
	[tilespmem:s10+$0xFFFFFFB0] =	vst v14;
	v14 =	vmul.f32 v20, v15;
	v20 =	vld [tilespmem:s10+$0x20]  }
0x366: {  	v27 =	vshrl.u32 v28, $0x3;
	v28 =	vshrl.u32 v29, $0x3;
	[tilespmem:s10+$0xFFFFFFC0] =	vst v16;
	v16 =	vmul.f32 v21, v15;
	v21 =	vld [tilespmem:s10+$0x30]  }
0x367: {  	v18 =	vadd.s32 v3, v18;
	v23 =	vshll.u32 v23, v1;
	[tilespmem:s10+$0xFFFFFFD0] =	vst v14;
	v14 =	vmul.f32 v22, v15;
	v22 =	vld [tilespmem:s10+$0x40]  }
0x368: {  	v24 =	vshll.u32 v24, v1;
	v25 =	vshll.u32 v25, v1;
	[tilespmem:s10+$0xFFFFFFE0] =	vst v16;
	v15 =	vmul.f32 v19, v13;
	v19 =	vld [tilespmem:s10+$0x50]  }
0x369: {  	v16 =	vshll.u32 v26, v1;
	v26 =	vshll.u32 v27, v1;
	[tilespmem:s10+$0xFFFFFFF0] =	vst v14;
	v17 =	vmul.f32 v17, v13;
	v27 =	vld [tilespmem:s10+$0x60]  }
.Ltmp8:
0x36a: {  	v28 =	vshll.u32 v28, v1;
	v14 =	vbroadcast v18, $0x0;
	[tilespmem:s10+$0x0] =	vst v15;
	v18 =	vmul.f32 v20, v13;
	v15 =	vld [tilespmem:s10+$0x70];
	(pc) =	sbr.rel @p4 .LBB2_19-.Ltmp8, $4  }
0x36b: {  	v20 =	vadd.s32 v23, v4;
	v23 =	vadd.s32 v24, v5;
	[tilespmem:s10+$0x10] =	vst v17;
	v17 =	vmul.f32 v21, v13;
	v13 =	vld [tilespmem:s10+$0x80]  }
0x36c: {  	v25 =	vadd.s32 v25, v6;
	v21 =	vadd.s32 v16, v7;
	[tilespmem:s10+$0x20] =	vst v18;
	v29 =	vmul.f32 v22, v12;
	v16 =	vld [tilespmem:s10+$0x90]  }
0x36d: {  	v18 =	vbroadcast v20, $0x0;
	v22 =	vadd.s32 v26, v8;
	[tilespmem:s10+$0x30] =	vst v17;
	v24 =	vmul.f32 v19, v12;
	v17 =	vld [tilespmem:s10+$0xA0]  }
0x36e: {  	s13 =	sadd.s32 $0x7, s12;
	s12 =	sadd.s32 $0x8, s12;
	v20 =	vbroadcast v23, $0x0;
	v23 =	vadd.s32 v28, v9;
	[tilespmem:s10+$0x40] =	vst v29;
	v26 =	vmul.f32 v27, v12;
	v19 =	vld [tilespmem:s10+$0xB0]  }
0x36f: {  	_ = 	snop  }
0x370: {  	v5 =	vld [tilespmem:s10+$0xC0]  }
0x371: {  	v7 =	vld [tilespmem:s10+$0xD0]  }
0x372: {  	v9 =	vld [tilespmem:s10+$0xE0]  }
0x373: {  	v50 =	vld.idx.msk [tilespmem:v14+s21+$0x0], $0xffff  }
0x374: {  	v18 =	vld.idx.msk [tilespmem:v18+s21+$0x0], $0xffff  }
0x375: {  	s12 =	sadd.s32 $0x200, s10;
	v20 =	vld.idx.msk [tilespmem:v20+s21+$0x0], $0xffff  }
0x376: {  	v54 =	vld [tilespmem:s12+$0xF0]  }
0x377: {  	v56 =	vld [tilespmem:s12+$0xFFFFFF00]  }
0x378: {  	v57 =	vld [tilespmem:s12+$0xFFFFFF10]  }
0x379: {  	[tilespmem:s10+$0x50] =	vst v24;
	v12 =	vmul.f32 v15, v12;
	v58 =	vld [tilespmem:s12+$0xFFFFFF20]  }
0x37a: {  	[tilespmem:s10+$0x60] =	vst v26;
	v13 =	vmul.f32 v13, v11;
	v60 =	vld [tilespmem:s12+$0xFFFFFF30]  }
0x37b: {  	v61 =	vld [tilespmem:s12+$0xFFFFFF40];
	[tilespmem:s10+$0x70] =	vst v12;
	v52 =	vmul.f32 v16, v11  }
0x37c: {  	v6 =	vbroadcast v21, $0x0;
	v21 =	vld [tilespmem:s12+$0xFFFFFF60];
	[tilespmem:s10+$0x80] =	vst v13;
	v53 =	vmul.f32 v17, v11  }
0x37d: {  	v51 =	vbroadcast v23, $0x0;
	v23 =	vld [tilespmem:s12+$0xFFFFFF70];
	[tilespmem:s10+$0x90] =	vst v52;
	v55 =	vmul.f32 v19, v11  }
0x37e: {  	v24 =	vld [tilespmem:s12+$0xFFFFFF80];
	[tilespmem:s10+$0xA0] =	vst v53;
	v5 =	vmul.f32 v5, v10  }
0x37f: {  	v26 =	vld [tilespmem:s12+$0xFFFFFF90];
	v7 =	vmul.f32 v7, v10;
	[tilespmem:s10+$0xB0] =	vst v55  }
0x380: {  	v28 =	vld [tilespmem:s12+$0xFFFFFFA0];
	v59 =	vmul.f32 v9, v10;
	[tilespmem:s10+$0xC0] =	vst v5  }
0x381: {  	v4 =	vmov s13;
	v30 =	vld [tilespmem:s12+$0xFFFFFFB0];
	v63 =	vmul.f32 v56, v50;
	[tilespmem:s10+$0xD0] =	vst v7  }
0x382: {  	v3 =	vbroadcast v25, $0x0;
	v4 =	vshrl.u32 v4, $0x3;
	v32 =	vld [tilespmem:s12+$0xFFFFFFC0];
	v13 =	vmul.f32 v57, v50;
	[tilespmem:s10+$0xE0] =	vst v59  }
0x383: {  	v8 =	vbroadcast v22, $0x0;
	v34 =	vld [tilespmem:s12+$0xFFFFFFD0];
	v4 =	vshll.u32 v4, v1;
	v22 =	vmul.f32 v58, v50;
	[tilespmem:s12+$0xFFFFFF00] =	vst v63  }
0x384: {  	v36 =	vld [tilespmem:s12+$0xFFFFFFE0];
	v2 =	vadd.s32 v4, v2;
	v4 =	vmul.f32 v60, v50;
	[tilespmem:s12+$0xFFFFFF10] =	vst v13  }
0x385: {  	v38 =	vld [tilespmem:s12+$0xFFFFFFF0];
	v25 =	vmul.f32 v61, v18;
	[tilespmem:s12+$0xFFFFFF20] =	vst v22  }
0x386: {  	v40 =	vld [tilespmem:s12+$0x0];
	v29 =	vmul.f32 v21, v18;
	[tilespmem:s12+$0xFFFFFF30] =	vst v4  }
0x387: {  	v19 =	vld [tilespmem:s12+$0xFFFFFF50];
	v31 =	vmul.f32 v23, v18;
	[tilespmem:s12+$0xFFFFFF40] =	vst v25  }
0x388: {  	v3 =	vld.idx.msk [tilespmem:v3+s21+$0x0], $0xffff;
	v33 =	vmul.f32 v24, v20;
	[tilespmem:s12+$0xFFFFFF60] =	vst v29  }
0x389: {  	v42 =	vld [tilespmem:s12+$0x10];
	v35 =	vmul.f32 v26, v20;
	[tilespmem:s12+$0xFFFFFF70] =	vst v31  }
0x38a: {  	v44 =	vld [tilespmem:s12+$0x20];
	v37 =	vmul.f32 v28, v20;
	[tilespmem:s12+$0xFFFFFF80] =	vst v33  }
0x38b: {  	v46 =	vld [tilespmem:s12+$0x30];
	v2 =	vbroadcast v2, $0x0;
	v39 =	vmul.f32 v30, v20;
	[tilespmem:s12+$0xFFFFFF90] =	vst v35  }
0x38c: {  	v6 =	vld.idx.msk [tilespmem:v6+s21+$0x0], $0xffff;
	[tilespmem:s12+$0xFFFFFFA0] =	vst v37;
	v27 =	vmul.f32 v19, v18  }
0x38d: {  	v47 =	vld [tilespmem:s12+$0x40];
	[tilespmem:s12+$0xFFFFFFB0] =	vst v39;
	v41 =	vmul.f32 v32, v3  }
0x38e: {  	v49 =	vld [tilespmem:s12+$0x50];
	[tilespmem:s12+$0xFFFFFF50] =	vst v27;
	v43 =	vmul.f32 v34, v3  }
0x38f: {  	v8 =	vld.idx.msk [tilespmem:v8+s21+$0x0], $0xffff;
	v45 =	vmul.f32 v36, v3;
	[tilespmem:s12+$0xFFFFFFC0] =	vst v41  }
0x390: {  	v50 =	vld [tilespmem:s12+$0x60];
	v3 =	vmul.f32 v38, v3;
	[tilespmem:s12+$0xFFFFFFD0] =	vst v43  }
0x391: {  	v2 =	vld.idx.msk [tilespmem:v2+s21+$0x0], $0xffff;
	v48 =	vmul.f32 v40, v6;
	[tilespmem:s12+$0xFFFFFFE0] =	vst v45  }
0x392: {  	v14 =	vld.idx.msk [tilespmem:v51+s21+$0x0], $0xffff;
	v51 =	vmul.f32 v44, v6;
	[tilespmem:s12+$0xFFFFFFF0] =	vst v3  }
0x393: {  	v53 =	vld [tilespmem:s12+$0x80];
	v3 =	vmul.f32 v42, v6;
	[tilespmem:s12+$0x0] =	vst v48  }
0x394: {  	v52 =	vld [tilespmem:s12+$0x70];
	v4 =	vmul.f32 v47, v8;
	[tilespmem:s12+$0x20] =	vst v51  }
0x395: {  	[tilespmem:s12+$0x10] =	vst v3;
	v3 =	vmul.f32 v46, v6  }
0x396: {  	v56 =	vmul.f32 v50, v8;
	[tilespmem:s12+$0x40] =	vst v4;
	v62 =	vmul.f32 v54, v2;
	v54 =	vld [tilespmem:s12+$0x90]  }
0x397: {  	v58 =	vld [tilespmem:s12+$0xC0];
	[tilespmem:s12+$0x30] =	vst v3;
	v3 =	vmul.f32 v49, v8  }
0x398: {  	v57 =	vld [tilespmem:s12+$0xB0];
	v59 =	vmul.f32 v53, v14;
	[tilespmem:s12+$0x60] =	vst v56  }
0x399: {  	v55 =	vld [tilespmem:s12+$0xA0];
	[tilespmem:s12+$0x50] =	vst v3;
	v3 =	vmul.f32 v52, v8  }
0x39a: {  	v60 =	vld [tilespmem:s12+$0xD0];
	[tilespmem:s12+$0x80] =	vst v59  }
0x39b: {  	v61 =	vld [tilespmem:s12+$0xE0];
	[tilespmem:s12+$0x70] =	vst v3;
	v3 =	vmul.f32 v54, v14  }
0x39c: {  	v63 =	vmul.f32 v58, v2;
	[tilespmem:s12+$0xF0] =	vst v62  }
0x39d: {  	[tilespmem:s12+$0x90] =	vst v3;
	v3 =	vmul.f32 v57, v14  }
0x39e: {  	v62 =	vmul.f32 v55, v14;
	[tilespmem:s12+$0xC0] =	vst v63  }
0x39f: {  	s0 =	smul.u32 $0x140, s0;
	p4 =	slt.u32 s7, $0x7D;
	[tilespmem:s12+$0xB0] =	vst v3;
	v3 =	vmul.f32 v60, v2  }
.Ltmp9:
0x3a0: {  	[tilespmem:s12+$0xA0] =	vst v62;
	v2 =	vmul.f32 v61, v2;
	(pc) =	sbr.rel @p4 .LBB2_16-.Ltmp9, $4  }
0x3a1: {  	s0 =	sshra.s32 s0, $0x2;
	[tilespmem:s12+$0xD0] =	vst v3  }
0x3a2: {  	s0 =	sadd.s32 $0x7530, s0;
	[tilespmem:s12+$0xE0] =	vst v2  }
0x3a3: {  	[spmem:s2] =	stream.indirect.scatter.add.f32 [tilespmem:s11], [sflag:$0x2], $0x40, s0, s8, $0xb8;
	[tilespmem:$0x1B210] =	vst v63  }
0x3a4: {  	s0 =	smov.u32 s7  }
0x3a5: {  	_ =	swait.ge [sflag:s15], $0x1400  }
0x3a6: {  	[sflag:s15] =	ssyncset.done $0x0  }
0x3a7: {  	[sflag:s15] =	ssyncadd.s32 $0xFFFFEC00  }
0x3a8: {  	[bflag:$0x0] =	sbarrier.arrive $0xFFFF  }
0x3a9: {  	s0 =	simm.s32 @p3 $0x1FC4;
	s7 =	rddreg [dreg:$0x13]  }
0x3aa: {  	[hbm:s7], [sflag:s0] =	dma.local @p3 [spmem:s28], $0x1400  }
0x3ab: {  	s0 =	simm.s32 @p3 $0x4  }
0x3ac: {  	_ =	swait.ge @p3 [sflag:s0], $0x1400  }
0x3ad: {  	[sflag:s0] =	ssyncset.done @p3 $0x0  }
0x3ae: {  	[sflag:s0] =	ssyncadd.s32 @p3 $0xFFFFEC00;
	s0 =	simm.s32 @!p3 $0x4  }
0x3af: {  	[hbm:s7], [sflag:s29] =	dma.local @!p3 [spmem:s30], $0x1380  }
0x3b0: {  	_ =	swait.ge @!p3 [sflag:s0], $0x1380  }
0x3b1: {  	s26 =	sadd.s32 $0x1, s26;
	s30 =	rddreg [dreg:$0x14]  }
0x3b2: {  	p4 =	sne.s32 s26, s30  }
.Ltmp10:
0x3b3: {  	_ = 	snop;
	(pc) =	sbr.rel @p4 .LBB2_1-.Ltmp10, $3  }
0x3b4: {  	_ =	sdelay $0x1  }
0x3b5: {  	[sflag:s0] =	ssyncset.done @!p3 $0x0  }
0x3b6: {  	[sflag:s0] =	ssyncadd.s32 @!p3 $0xFFFFEC80  }
0x3b7: {  	_ =	sfence.sel $0x180000  }
0x3b8: {  	[bflag:$0x0] =	sbarrier.arrive $0xFFFF  }
0x3b9: {  	_ =	strace $0x90000047  }
0x3ba: {  	[bflag:$0x2] =	sbarrier.arrive $0xFFFF  }
0x3bb: {  	p0 =	sne.s32 s16, $0x0;
	s0 =	rddreg [dreg:$0x4]  }
0x3bc: {  	s0 =	sadd.s32 @!p0 $0x100000, s0  }
0x3bd: {  	[sflag:s0] =	ssyncadd.tile.s32 @!p0 $0x1;
	_ =	shalt  }
.Lfunc_end2:
_tile_overlayer_lowered:
.L_overlay_start_2:
0x3be: {  	(tag) =	ssettag $0x2  }
0x3bf: {  	s0 =	rddreg [dreg:$0x0];
	s2 =	stileid.u32  }
0x3c0: {  	s1 =	rddreg [dreg:$0x1];
	p0 =	sne.s32 s2, $0x0  }
0x3c1: {  	s3 =	rddreg [dreg:$0x2];
	[bflag:$0x3] =	sbarrier.arrive $0xFFFF;
	s2 =	simm.s32 @!p0 $0x1C04  }
0x3c2: {  	[timem:s3], [sflag:s2] =	dma.local @!p0 [hbm:s0], s1  }
0x3c3: {  	s0 =	simm.s32 @!p0 $0x4  }
0x3c4: {  	_ =	swait.ge @!p0 [sflag:s0], s1  }
0x3c5: {  	s1 =	ssub.s32 @!p0 $0x0, s1;
	[sflag:s0] =	ssyncset.done @!p0 $0x0  }
0x3c6: {  	[sflag:s0] =	ssyncadd.s32 @!p0 s1  }
0x3c7: {  	[bflag:$0x3] =	sbarrier.arrive $0xFFFF  }
0x3c8: {  	_ =	shalt  }

</sc_bundles>
